<compile_context>
chip_gen: v7x
topology: tpu7x:2x2x1
jax: 0.10.2.dev20260603
libtpu: 0.0.44.dev20260713+nightly
codegen_flags: <defaults>
</compile_context>

<pallas_src>
import functools

import jax
import jax.numpy as jnp
from jax import lax
from jax.experimental import pallas as pl
from jax.experimental.pallas import tpu as pltpu
from jax.experimental.pallas import tpu_sc as plsc

N = 10000
E = 320000
D = 128
DA = 144
NC, NS, L = 2, 16, 16
NW = NC * NS
EPT = E // NW
G = 80
NCH = EPT // G
NP_ = 10240
RPT = NP_ // NS
EPS = 1e-6


def _pre_body(x_ref, Ww_ref, bw_ref, W1_ref, b1_ref, W2_ref, b2_ref,
              g1_ref, be1_ref, va_ref, s1_ref):
    x = x_ref[...]
    mu = jnp.mean(x, axis=1, keepdims=True)
    var = jnp.mean(jnp.square(x - mu), axis=1, keepdims=True)
    q = (x - mu) * lax.rsqrt(var + EPS) * g1_ref[...] + be1_ref[...]
    value = jnp.dot(q, Ww_ref[...], preferred_element_type=jnp.float32) + bw_ref[...]
    at1 = jnp.dot(q, W1_ref[...], preferred_element_type=jnp.float32) + b1_ref[...]
    at2 = jnp.dot(q, W2_ref[...], preferred_element_type=jnp.float32) + b2_ref[...]
    s1_ref[...] = jnp.tanh(jnp.sum(at1, axis=1, keepdims=True))
    s2 = jnp.tanh(jnp.sum(at2, axis=1, keepdims=True))
    va_ref[:, :D] = value
    lane = lax.broadcasted_iota(jnp.int32, (x.shape[0], DA - D), 1)
    s2b = jnp.broadcast_to(s2, (x.shape[0], DA - D))
    va_ref[:, D:] = jnp.where(lane == 0, 1.0, jnp.where(lane == 1, s2b, 0.0))


_pre = pl.pallas_call(
    _pre_body,
    out_shape=[
        jax.ShapeDtypeStruct((N, DA), jnp.float32),
        jax.ShapeDtypeStruct((N, 1), jnp.float32),
    ],
)


def _sc_body(ei_hbm, adj_hbm, s1_hbm, va_hbm, U_hbm,
             r0, r1, c0, c1, a0, a1, s1_v, w_v, rows0, rows1, U_sh,
             semG0, semG1, semS0, semS1, semR0, semR1, semP0, semP1):
    c = lax.axis_index("c")
    s = lax.axis_index("s")
    wid = c * NS + s
    buf = ((r0, c0, a0, rows0, semG0, semS0, semR0, semP0),
           (r1, c1, a1, rows1, semG1, semS1, semR1, semP1))

    pltpu.async_copy(s1_hbm, s1_v, semG0)

    def zrow(i, carry):
        for t in range(DA // L):
            rows0[i, pl.ds(t * L, L)] = jnp.zeros((L,), jnp.float32)
        return carry
    lax.fori_loop(0, G, zrow, 0)
    for k in range(RPT // G):
        pltpu.async_copy(rows0, U_sh.at[pl.ds(s * RPT + k * G, G)], semS0)
    for k in range(RPT // G):
        pltpu.make_async_copy(rows0, U_sh.at[pl.ds(s * RPT + k * G, G)],
                              semS0).wait()
    pltpu.make_async_copy(s1_hbm, s1_v, semG0).wait()
    plsc.subcore_barrier()

    def fire_ca(j, b):
        _, c_b, a_b, _, _, _, _, semP = buf[b]
        pltpu.async_copy(ei_hbm.at[1, wid, j], c_b, semP)
        pltpu.async_copy(adj_hbm.at[wid, j], a_b, semP)

    def fire_r(j, b):
        r_b, _, _, _, _, _, semR, _ = buf[b]
        pltpu.async_copy(ei_hbm.at[0, wid, j], r_b, semR)

    def fire_gather(j, b):
        _, c_b, a_b, rows_b, semG, _, _, semP = buf[b]
        pltpu.make_async_copy(ei_hbm.at[1, wid, j], c_b, semP).wait()
        pltpu.make_async_copy(adj_hbm.at[wid, j], a_b, semP).wait()
        pltpu.async_copy(va_hbm.at[c_b], rows_b, semG)

    def process(j, b, prefetch, guard):
        r_b, c_b, a_b, rows_b, semG, semS, semR, _ = buf[b]
        pltpu.make_async_copy(ei_hbm.at[0, wid, j], r_b, semR).wait()
        pltpu.make_async_copy(va_hbm.at[c_b], rows_b, semG).wait()
        c129 = jnp.full((L,), D + 1, jnp.int32)
        for k in range(G // L):
            sl = pl.ds(k * L, L)
            r = r_b[sl]
            a = a_b[sl]
            evec = lax.iota(jnp.int32, L) + (k * L)
            g1 = plsc.load_gather(s1_v, [r])
            g2 = plsc.load_gather(rows_b, [evec, c129])
            x = a * g1 + a * g2
            x = jnp.where(x >= 0.0, x, 0.2 * x)
            w_v[sl] = jnp.exp(x)
        if prefetch:
            @pl.when(guard)
            def _():
                fire_ca(j + 2, b)
        def edge(e2, carry2):
            for u in range(2):
                e = e2 * 2 + u
                we = plsc.load_gather(w_v, [jnp.full((L,), e, jnp.int32)])
                for t in range(DA // L):
                    sl2 = pl.ds(t * L, L)
                    rows_b[e, sl2] = rows_b[e, sl2] * we
            return carry2
        lax.fori_loop(0, G // 2, edge, 0)
        pltpu.async_copy(rows_b, U_sh.at[r_b], semS, add=True)

    def scatter_wait(b):
        r_b, _, _, rows_b, _, semS, _, _ = buf[b]
        pltpu.make_async_copy(rows_b, U_sh.at[r_b], semS).wait()

    fire_r(0, 0)
    fire_ca(0, 0)
    fire_r(1, 1)
    fire_ca(1, 1)
    fire_gather(0, 0)
    fire_gather(1, 1)

    def pair(p, carry):
        j0 = 2 * p
        process(j0, 0, True, j0 + 2 < NCH)
        process(j0 + 1, 1, True, j0 + 3 < NCH)
        scatter_wait(0)
        fire_r(j0 + 2, 0)
        fire_gather(j0 + 2, 0)
        scatter_wait(1)

        @pl.when(j0 + 3 < NCH)
        def _():
            fire_r(j0 + 3, 1)
            fire_gather(j0 + 3, 1)
        return carry
    lax.fori_loop(0, (NCH - 1) // 2, pair, 0)
    process(NCH - 1, 0, False, True)
    scatter_wait(0)

    plsc.subcore_barrier()
    pltpu.sync_copy(U_sh.at[pl.ds(s * RPT, RPT)], U_hbm.at[c, pl.ds(s * RPT, RPT)])


_sc = pl.kernel(
    _sc_body,
    out_type=jax.ShapeDtypeStruct((NC, NP_, DA), jnp.float32),
    mesh=plsc.VectorSubcoreMesh(core_axis_name="c", subcore_axis_name="s"),
    scratch_types=[
        pltpu.VMEM((G,), jnp.int32),
        pltpu.VMEM((G,), jnp.int32),
        pltpu.VMEM((G,), jnp.int32),
        pltpu.VMEM((G,), jnp.int32),
        pltpu.VMEM((G,), jnp.float32),
        pltpu.VMEM((G,), jnp.float32),
        pltpu.VMEM((N,), jnp.float32),
        pltpu.VMEM((G,), jnp.float32),
        pltpu.VMEM((G, DA), jnp.float32),
        pltpu.VMEM((G, DA), jnp.float32),
        pltpu.VMEM_SHARED((NP_, DA), jnp.float32),
        pltpu.SemaphoreType.DMA,
        pltpu.SemaphoreType.DMA,
        pltpu.SemaphoreType.DMA,
        pltpu.SemaphoreType.DMA,
        pltpu.SemaphoreType.DMA,
        pltpu.SemaphoreType.DMA,
        pltpu.SemaphoreType.DMA,
        pltpu.SemaphoreType.DMA,
    ],
    compiler_params=pltpu.CompilerParams(needs_layout_passes=False,
                                         use_tc_tiling_on_sc=False),
)


def _post_body(U_ref, g2_ref, be2_ref, o_ref):
    Uall = U_ref[0, :N] + U_ref[1, :N]
    num = Uall[:, :D]
    den = Uall[:, D:D + 1]
    den = jnp.where(den == 0.0, 1.0, den)
    o = num / den
    mu = jnp.mean(o, axis=1, keepdims=True)
    var = jnp.mean(jnp.square(o - mu), axis=1, keepdims=True)
    o_ref[...] = (o - mu) * lax.rsqrt(var + EPS) * g2_ref[...] + be2_ref[...]


_post = pl.pallas_call(
    _post_body,
    out_shape=jax.ShapeDtypeStruct((N, D), jnp.float32),
)


def kernel(query, edge_index, adj_values, Ww, bw, W1, b1, W2, b2,
           ln1_g, ln1_b, ln2_g, ln2_b):
    ei = edge_index.astype(jnp.int32).reshape(2, NW, NCH, G)
    adjr = adj_values.astype(jnp.float32).reshape(NW, NCH, G)
    va, s1 = _pre(query, Ww, bw.reshape(1, D), W1, b1.reshape(1, D),
                  W2, b2.reshape(1, D), ln1_g.reshape(1, D), ln1_b.reshape(1, D))
    U = _sc(ei, adjr, s1.reshape(N), va)
    return _post(U, ln2_g.reshape(1, D), ln2_b.reshape(1, D))

# --- scband reference (transcript-rebuilt; emitter-appended) ---
"""Pipeline reference for scband-decentralized-attention-layer-28106265985634 (READ-ONLY COPY).

The authoritative reference and input builder live on the scoring server;
editing this copy changes nothing except your own understanding.
"""

import jax, jax.numpy as jnp
import numpy as np

N = 10000
E = 320000
D = 128

def _layernorm(x, gamma, beta, eps=1e-6):
    mu = jnp.mean(x, axis=-1, keepdims=True)
    var = jnp.mean(jnp.square(x - mu), axis=-1, keepdims=True)
    return (x - mu) / jnp.sqrt(var + eps) * gamma + beta

def setup_inputs(seed: int = 0):
    key = jax.random.key(seed)
    ks = jax.random.split(key, 8)
    scale = 1.0 / np.sqrt(D)
    return {
        "query": jax.random.normal(ks[0], (N, D), dtype=jnp.float32),
        "edge_index": jax.random.randint(ks[1], (2, E), 0, N),
        "adj_values": jnp.ones((E,), dtype=jnp.float32),
        "Ww": jax.random.normal(ks[2], (D, D), dtype=jnp.float32) * scale,
        "bw": jnp.zeros((D,), dtype=jnp.float32),
        "W1": jax.random.normal(ks[3], (D, D), dtype=jnp.float32) * scale,
        "b1": jnp.zeros((D,), dtype=jnp.float32),
        "W2": jax.random.normal(ks[4], (D, D), dtype=jnp.float32) * scale,
        "b2": jnp.zeros((D,), dtype=jnp.float32),
        "ln1_g": jnp.ones((D,), dtype=jnp.float32),
        "ln1_b": jnp.zeros((D,), dtype=jnp.float32),
        "ln2_g": jnp.ones((D,), dtype=jnp.float32),
        "ln2_b": jnp.zeros((D,), dtype=jnp.float32),
    }

def reference(query, edge_index, adj_values, Ww, bw, W1, b1, W2, b2, ln1_g, ln1_b, ln2_g, ln2_b):
    # query = layernorm1(query); key is None -> key = normalized query
    q = _layernorm(query, ln1_g, ln1_b)
    k = q
    value = k @ Ww + bw
    at1 = q @ W1 + b1
    at2 = k @ W2 + b2
    sum1 = jnp.tanh(jnp.sum(at1, axis=1))  # [N], dropout inactive (inference)
    sum2 = jnp.tanh(jnp.sum(at2, axis=1))  # [N]
    row = edge_index[0]
    col = edge_index[1]
    # col_mat = sum1 * adj ; row_mat = sum2^T * adj ; sparse add over shared sparsity pattern
    vals = adj_values * sum1[row] + adj_values * sum2[col]
    vals = jax.nn.leaky_relu(vals, negative_slope=0.2)  # tf.nn.leaky_relu default alpha=0.2
    # tf.sparse.softmax: softmax over entries within each row
    m = jax.ops.segment_max(vals, row, num_segments=N)
    ex = jnp.exp(vals - m[row])
    denom = jax.ops.segment_sum(ex, row, num_segments=N)
    attn = ex / denom[row]
    # sparse @ dense: out[i] = sum_e attn_e * value[col_e] for edges with row_e == i
    out = jax.ops.segment_sum(attn[:, None] * value[col], row, num_segments=N)
    return _layernorm(out, ln2_g, ln2_b)

if __name__ == "__main__":
    import jax
    _d = setup_inputs()
    print(jax.jit(kernel)(*tuple(_d.values())))

</pallas_src>

<mosaic_0001>
#map = affine_map<(d0, d1) -> (0, 0, 0, 0)>
#map1 = affine_map<(d0, d1) -> (0, 0, 0)>
#map2 = affine_map<(d0, d1) -> (0)>
#map3 = affine_map<(d0, d1) -> (0, 0)>
module attributes {stable_mosaic.version = 14 : i64} {
  func.func @_sc_body(%arg0: i32, %arg1: i32, %arg2: memref<2x32x125x80xi32, #tpu.memory_space<hbm>>, %arg3: memref<32x125x80xf32, #tpu.memory_space<hbm>>, %arg4: memref<10000xf32, #tpu.memory_space<hbm>>, %arg5: memref<10000x144xf32, #tpu.memory_space<hbm>>, %arg6: memref<2x10240x144xf32, #tpu.memory_space<hbm>>, %arg7: memref<80xi32, #tpu.memory_space<vmem>>, %arg8: memref<80xi32, #tpu.memory_space<vmem>>, %arg9: memref<80xi32, #tpu.memory_space<vmem>>, %arg10: memref<80xi32, #tpu.memory_space<vmem>>, %arg11: memref<80xf32, #tpu.memory_space<vmem>>, %arg12: memref<80xf32, #tpu.memory_space<vmem>>, %arg13: memref<10000xf32, #tpu.memory_space<vmem>>, %arg14: memref<80xf32, #tpu.memory_space<vmem>>, %arg15: memref<80x144xf32, #tpu.memory_space<vmem>>, %arg16: memref<80x144xf32, #tpu.memory_space<vmem>>, %arg17: memref<10240x144xf32, #tpu.memory_space<vmem_shared>>, %arg18: memref<!tpu.dma_semaphore, #tpu.memory_space<semaphore_mem>>, %arg19: memref<!tpu.dma_semaphore, #tpu.memory_space<semaphore_mem>>, %arg20: memref<!tpu.dma_semaphore, #tpu.memory_space<semaphore_mem>>, %arg21: memref<!tpu.dma_semaphore, #tpu.memory_space<semaphore_mem>>, %arg22: memref<!tpu.dma_semaphore, #tpu.memory_space<semaphore_mem>>, %arg23: memref<!tpu.dma_semaphore, #tpu.memory_space<semaphore_mem>>, %arg24: memref<!tpu.dma_semaphore, #tpu.memory_space<semaphore_mem>>, %arg25: memref<!tpu.dma_semaphore, #tpu.memory_space<semaphore_mem>>) attributes {dimension_semantics = [#tpu.dimension_semantics<core_parallel>, #tpu.dimension_semantics<subcore_parallel>], iteration_bounds = array<i64: 2, 16>, scalar_prefetch = 0 : i64, scratch_operands = 19 : i64, tpu.core_type = #tpu.core_type<sc_vector_subcore>, window_params = [{transform_indices = #map}, {transform_indices = #map1}, {transform_indices = #map2}, {transform_indices = #map3}, {transform_indices = #map1}]} {
    %mul3A = arith.constant 16 : i32
    %mul3A_0 = arith.muli %arg0, %mul3A : i32
    %add3A = arith.addi %mul3A_0, %arg1 : i32
    tpu.enqueue_dma source(%arg4 : memref<10000xf32, #tpu.memory_space<hbm>>) target(%arg13 : memref<10000xf32, #tpu.memory_space<vmem>>) target_semaphore(%arg18 : memref<!tpu.dma_semaphore, #tpu.memory_space<semaphore_mem>>)
    %scan3A = arith.constant 0 : i32
    %scan3A_1 = arith.constant 0 : i32
    %scan3A_2 = arith.constant 80 : i32
    %scan3A_3 = arith.addi %scan3A_1, %scan3A_2 : i32
    %scan3A_4 = arith.constant 1 : i32
    scf.for %scan3A_357 = %scan3A_1 to %scan3A_3 step %scan3A_4  : i32 {
      %broadcast_in_dim3A_358 = arith.constant 0.000000e+00 : f32
      %broadcast_in_dim3A_359 = vector.broadcast %broadcast_in_dim3A_358 : f32 to vector<16xf32>
      %swap3A_360 = arith.index_cast %scan3A_357 : i32 to index
      %swap3A_361 = arith.constant 0 : index
      %swap3A_362 = tpu.vector_load %arg15[%swap3A_360, %swap3A_361] {strides = array<i32>} : memref<80x144xf32, #tpu.memory_space<vmem>>, vector<16xf32>,
      tpu.vector_store %arg15[%swap3A_360, %swap3A_361], %broadcast_in_dim3A_359 {strides = array<i32>} : memref<80x144xf32, #tpu.memory_space<vmem>>, vector<16xf32>,
      %broadcast_in_dim3A_363 = arith.constant 0.000000e+00 : f32
      %broadcast_in_dim3A_364 = vector.broadcast %broadcast_in_dim3A_363 : f32 to vector<16xf32>
      %swap3A_365 = arith.index_cast %scan3A_357 : i32 to index
      %swap3A_366 = arith.constant 16 : index
      %swap3A_367 = tpu.vector_load %arg15[%swap3A_365, %swap3A_366] {strides = array<i32>} : memref<80x144xf32, #tpu.memory_space<vmem>>, vector<16xf32>,
      tpu.vector_store %arg15[%swap3A_365, %swap3A_366], %broadcast_in_dim3A_364 {strides = array<i32>} : memref<80x144xf32, #tpu.memory_space<vmem>>, vector<16xf32>,
      %broadcast_in_dim3A_368 = arith.constant 0.000000e+00 : f32
      %broadcast_in_dim3A_369 = vector.broadcast %broadcast_in_dim3A_368 : f32 to vector<16xf32>
      %swap3A_370 = arith.index_cast %scan3A_357 : i32 to index
      %swap3A_371 = arith.constant 32 : index
      %swap3A_372 = tpu.vector_load %arg15[%swap3A_370, %swap3A_371] {strides = array<i32>} : memref<80x144xf32, #tpu.memory_space<vmem>>, vector<16xf32>,
      tpu.vector_store %arg15[%swap3A_370, %swap3A_371], %broadcast_in_dim3A_369 {strides = array<i32>} : memref<80x144xf32, #tpu.memory_space<vmem>>, vector<16xf32>,
      %broadcast_in_dim3A_373 = arith.constant 0.000000e+00 : f32
      %broadcast_in_dim3A_374 = vector.broadcast %broadcast_in_dim3A_373 : f32 to vector<16xf32>
      %swap3A_375 = arith.index_cast %scan3A_357 : i32 to index
      %swap3A_376 = arith.constant 48 : index
      %swap3A_377 = tpu.vector_load %arg15[%swap3A_375, %swap3A_376] {strides = array<i32>} : memref<80x144xf32, #tpu.memory_space<vmem>>, vector<16xf32>,
      tpu.vector_store %arg15[%swap3A_375, %swap3A_376], %broadcast_in_dim3A_374 {strides = array<i32>} : memref<80x144xf32, #tpu.memory_space<vmem>>, vector<16xf32>,
      %broadcast_in_dim3A_378 = arith.constant 0.000000e+00 : f32
      %broadcast_in_dim3A_379 = vector.broadcast %broadcast_in_dim3A_378 : f32 to vector<16xf32>
      %swap3A_380 = arith.index_cast %scan3A_357 : i32 to index
      %swap3A_381 = arith.constant 64 : index
      %swap3A_382 = tpu.vector_load %arg15[%swap3A_380, %swap3A_381] {strides = array<i32>} : memref<80x144xf32, #tpu.memory_space<vmem>>, vector<16xf32>,
      tpu.vector_store %arg15[%swap3A_380, %swap3A_381], %broadcast_in_dim3A_379 {strides = array<i32>} : memref<80x144xf32, #tpu.memory_space<vmem>>, vector<16xf32>,
      %broadcast_in_dim3A_383 = arith.constant 0.000000e+00 : f32
      %broadcast_in_dim3A_384 = vector.broadcast %broadcast_in_dim3A_383 : f32 to vector<16xf32>
      %swap3A_385 = arith.index_cast %scan3A_357 : i32 to index
      %swap3A_386 = arith.constant 80 : index
      %swap3A_387 = tpu.vector_load %arg15[%swap3A_385, %swap3A_386] {strides = array<i32>} : memref<80x144xf32, #tpu.memory_space<vmem>>, vector<16xf32>,
      tpu.vector_store %arg15[%swap3A_385, %swap3A_386], %broadcast_in_dim3A_384 {strides = array<i32>} : memref<80x144xf32, #tpu.memory_space<vmem>>, vector<16xf32>,
      %broadcast_in_dim3A_388 = arith.constant 0.000000e+00 : f32
      %broadcast_in_dim3A_389 = vector.broadcast %broadcast_in_dim3A_388 : f32 to vector<16xf32>
      %swap3A_390 = arith.index_cast %scan3A_357 : i32 to index
      %swap3A_391 = arith.constant 96 : index
      %swap3A_392 = tpu.vector_load %arg15[%swap3A_390, %swap3A_391] {strides = array<i32>} : memref<80x144xf32, #tpu.memory_space<vmem>>, vector<16xf32>,
      tpu.vector_store %arg15[%swap3A_390, %swap3A_391], %broadcast_in_dim3A_389 {strides = array<i32>} : memref<80x144xf32, #tpu.memory_space<vmem>>, vector<16xf32>,
      %broadcast_in_dim3A_393 = arith.constant 0.000000e+00 : f32
      %broadcast_in_dim3A_394 = vector.broadcast %broadcast_in_dim3A_393 : f32 to vector<16xf32>
      %swap3A_395 = arith.index_cast %scan3A_357 : i32 to index
      %swap3A_396 = arith.constant 112 : index
      %swap3A_397 = tpu.vector_load %arg15[%swap3A_395, %swap3A_396] {strides = array<i32>} : memref<80x144xf32, #tpu.memory_space<vmem>>, vector<16xf32>,
      tpu.vector_store %arg15[%swap3A_395, %swap3A_396], %broadcast_in_dim3A_394 {strides = array<i32>} : memref<80x144xf32, #tpu.memory_space<vmem>>, vector<16xf32>,
      %broadcast_in_dim3A_398 = arith.constant 0.000000e+00 : f32
      %broadcast_in_dim3A_399 = vector.broadcast %broadcast_in_dim3A_398 : f32 to vector<16xf32>
      %swap3A_400 = arith.index_cast %scan3A_357 : i32 to index
      %swap3A_401 = arith.constant 128 : index
      %swap3A_402 = tpu.vector_load %arg15[%swap3A_400, %swap3A_401] {strides = array<i32>} : memref<80x144xf32, #tpu.memory_space<vmem>>, vector<16xf32>,
      tpu.vector_store %arg15[%swap3A_400, %swap3A_401], %broadcast_in_dim3A_399 {strides = array<i32>} : memref<80x144xf32, #tpu.memory_space<vmem>>, vector<16xf32>,
    }
    %scan3A_5 = arith.constant 80 : i32
    %mul3A_6 = arith.constant 640 : i32
    %mul3A_7 = arith.muli %arg1, %mul3A_6 : i32
    %add3A_8 = arith.constant 0 : i32
    %add3A_9 = arith.addi %mul3A_7, %add3A_8 : i32
    %dma_start3A = arith.constant 0 : i32
    %dma_start3A_10 = tpu.memref_slice %arg17[%add3A_9, %dma_start3A] : memref<10240x144xf32, #tpu.memory_space<vmem_shared>> -> memref<80x144xf32, #tpu.memory_space<vmem_shared>>
    %dma_start3A_11 = arith.constant 0 : i32
    %dma_start3A_12 = tpu.memref_slice %arg17[%add3A_9, %dma_start3A_11] : memref<10240x144xf32, #tpu.memory_space<vmem_shared>> -> memref<80x144xf32, #tpu.memory_space<vmem_shared>>
    tpu.enqueue_dma source(%arg15 : memref<80x144xf32, #tpu.memory_space<vmem>>) target(%dma_start3A_12 : memref<80x144xf32, #tpu.memory_space<vmem_shared>>) target_semaphore(%arg20 : memref<!tpu.dma_semaphore, #tpu.memory_space<semaphore_mem>>)
    %mul3A_13 = arith.constant 640 : i32
    %mul3A_14 = arith.muli %arg1, %mul3A_13 : i32
    %add3A_15 = arith.constant 80 : i32
    %add3A_16 = arith.addi %mul3A_14, %add3A_15 : i32
    %dma_start3A_17 = arith.constant 0 : i32
    %dma_start3A_18 = tpu.memref_slice %arg17[%add3A_16, %dma_start3A_17] : memref<10240x144xf32, #tpu.memory_space<vmem_shared>> -> memref<80x144xf32, #tpu.memory_space<vmem_shared>>
    %dma_start3A_19 = arith.constant 0 : i32
    %dma_start3A_20 = tpu.memref_slice %arg17[%add3A_16, %dma_start3A_19] : memref<10240x144xf32, #tpu.memory_space<vmem_shared>> -> memref<80x144xf32, #tpu.memory_space<vmem_shared>>
    tpu.enqueue_dma source(%arg15 : memref<80x144xf32, #tpu.memory_space<vmem>>) target(%dma_start3A_20 : memref<80x144xf32, #tpu.memory_space<vmem_shared>>) target_semaphore(%arg20 : memref<!tpu.dma_semaphore, #tpu.memory_space<semaphore_mem>>)
    %mul3A_21 = arith.constant 640 : i32
    %mul3A_22 = arith.muli %arg1, %mul3A_21 : i32
    %add3A_23 = arith.constant 160 : i32
    %add3A_24 = arith.addi %mul3A_22, %add3A_23 : i32
    %dma_start3A_25 = arith.constant 0 : i32
    %dma_start3A_26 = tpu.memref_slice %arg17[%add3A_24, %dma_start3A_25] : memref<10240x144xf32, #tpu.memory_space<vmem_shared>> -> memref<80x144xf32, #tpu.memory_space<vmem_shared>>
    %dma_start3A_27 = arith.constant 0 : i32
    %dma_start3A_28 = tpu.memref_slice %arg17[%add3A_24, %dma_start3A_27] : memref<10240x144xf32, #tpu.memory_space<vmem_shared>> -> memref<80x144xf32, #tpu.memory_space<vmem_shared>>
    tpu.enqueue_dma source(%arg15 : memref<80x144xf32, #tpu.memory_space<vmem>>) target(%dma_start3A_28 : memref<80x144xf32, #tpu.memory_space<vmem_shared>>) target_semaphore(%arg20 : memref<!tpu.dma_semaphore, #tpu.memory_space<semaphore_mem>>)
    %mul3A_29 = arith.constant 640 : i32
    %mul3A_30 = arith.muli %arg1, %mul3A_29 : i32
    %add3A_31 = arith.constant 240 : i32
    %add3A_32 = arith.addi %mul3A_30, %add3A_31 : i32
    %dma_start3A_33 = arith.constant 0 : i32
    %dma_start3A_34 = tpu.memref_slice %arg17[%add3A_32, %dma_start3A_33] : memref<10240x144xf32, #tpu.memory_space<vmem_shared>> -> memref<80x144xf32, #tpu.memory_space<vmem_shared>>
    %dma_start3A_35 = arith.constant 0 : i32
    %dma_start3A_36 = tpu.memref_slice %arg17[%add3A_32, %dma_start3A_35] : memref<10240x144xf32, #tpu.memory_space<vmem_shared>> -> memref<80x144xf32, #tpu.memory_space<vmem_shared>>
    tpu.enqueue_dma source(%arg15 : memref<80x144xf32, #tpu.memory_space<vmem>>) target(%dma_start3A_36 : memref<80x144xf32, #tpu.memory_space<vmem_shared>>) target_semaphore(%arg20 : memref<!tpu.dma_semaphore, #tpu.memory_space<semaphore_mem>>)
    %mul3A_37 = arith.constant 640 : i32
    %mul3A_38 = arith.muli %arg1, %mul3A_37 : i32
    %add3A_39 = arith.constant 320 : i32
    %add3A_40 = arith.addi %mul3A_38, %add3A_39 : i32
    %dma_start3A_41 = arith.constant 0 : i32
    %dma_start3A_42 = tpu.memref_slice %arg17[%add3A_40, %dma_start3A_41] : memref<10240x144xf32, #tpu.memory_space<vmem_shared>> -> memref<80x144xf32, #tpu.memory_space<vmem_shared>>
    %dma_start3A_43 = arith.constant 0 : i32
    %dma_start3A_44 = tpu.memref_slice %arg17[%add3A_40, %dma_start3A_43] : memref<10240x144xf32, #tpu.memory_space<vmem_shared>> -> memref<80x144xf32, #tpu.memory_space<vmem_shared>>
    tpu.enqueue_dma source(%arg15 : memref<80x144xf32, #tpu.memory_space<vmem>>) target(%dma_start3A_44 : memref<80x144xf32, #tpu.memory_space<vmem_shared>>) target_semaphore(%arg20 : memref<!tpu.dma_semaphore, #tpu.memory_space<semaphore_mem>>)
    %mul3A_45 = arith.constant 640 : i32
    %mul3A_46 = arith.muli %arg1, %mul3A_45 : i32
    %add3A_47 = arith.constant 400 : i32
    %add3A_48 = arith.addi %mul3A_46, %add3A_47 : i32
    %dma_start3A_49 = arith.constant 0 : i32
    %dma_start3A_50 = tpu.memref_slice %arg17[%add3A_48, %dma_start3A_49] : memref<10240x144xf32, #tpu.memory_space<vmem_shared>> -> memref<80x144xf32, #tpu.memory_space<vmem_shared>>
    %dma_start3A_51 = arith.constant 0 : i32
    %dma_start3A_52 = tpu.memref_slice %arg17[%add3A_48, %dma_start3A_51] : memref<10240x144xf32, #tpu.memory_space<vmem_shared>> -> memref<80x144xf32, #tpu.memory_space<vmem_shared>>
    tpu.enqueue_dma source(%arg15 : memref<80x144xf32, #tpu.memory_space<vmem>>) target(%dma_start3A_52 : memref<80x144xf32, #tpu.memory_space<vmem_shared>>) target_semaphore(%arg20 : memref<!tpu.dma_semaphore, #tpu.memory_space<semaphore_mem>>)
    %mul3A_53 = arith.constant 640 : i32
    %mul3A_54 = arith.muli %arg1, %mul3A_53 : i32
    %add3A_55 = arith.constant 480 : i32
    %add3A_56 = arith.addi %mul3A_54, %add3A_55 : i32
    %dma_start3A_57 = arith.constant 0 : i32
    %dma_start3A_58 = tpu.memref_slice %arg17[%add3A_56, %dma_start3A_57] : memref<10240x144xf32, #tpu.memory_space<vmem_shared>> -> memref<80x144xf32, #tpu.memory_space<vmem_shared>>
    %dma_start3A_59 = arith.constant 0 : i32
    %dma_start3A_60 = tpu.memref_slice %arg17[%add3A_56, %dma_start3A_59] : memref<10240x144xf32, #tpu.memory_space<vmem_shared>> -> memref<80x144xf32, #tpu.memory_space<vmem_shared>>
    tpu.enqueue_dma source(%arg15 : memref<80x144xf32, #tpu.memory_space<vmem>>) target(%dma_start3A_60 : memref<80x144xf32, #tpu.memory_space<vmem_shared>>) target_semaphore(%arg20 : memref<!tpu.dma_semaphore, #tpu.memory_space<semaphore_mem>>)
    %mul3A_61 = arith.constant 640 : i32
    %mul3A_62 = arith.muli %arg1, %mul3A_61 : i32
    %add3A_63 = arith.constant 560 : i32
    %add3A_64 = arith.addi %mul3A_62, %add3A_63 : i32
    %dma_start3A_65 = arith.constant 0 : i32
    %dma_start3A_66 = tpu.memref_slice %arg17[%add3A_64, %dma_start3A_65] : memref<10240x144xf32, #tpu.memory_space<vmem_shared>> -> memref<80x144xf32, #tpu.memory_space<vmem_shared>>
    %dma_start3A_67 = arith.constant 0 : i32
    %dma_start3A_68 = tpu.memref_slice %arg17[%add3A_64, %dma_start3A_67] : memref<10240x144xf32, #tpu.memory_space<vmem_shared>> -> memref<80x144xf32, #tpu.memory_space<vmem_shared>>
    tpu.enqueue_dma source(%arg15 : memref<80x144xf32, #tpu.memory_space<vmem>>) target(%dma_start3A_68 : memref<80x144xf32, #tpu.memory_space<vmem_shared>>) target_semaphore(%arg20 : memref<!tpu.dma_semaphore, #tpu.memory_space<semaphore_mem>>)
    %mul3A_69 = arith.constant 640 : i32
    %mul3A_70 = arith.muli %arg1, %mul3A_69 : i32
    %add3A_71 = arith.constant 0 : i32
    %add3A_72 = arith.addi %mul3A_70, %add3A_71 : i32
    %dma_wait3A = arith.constant 0 : i32
    %dma_wait3A_73 = tpu.memref_slice %arg17[%add3A_72, %dma_wait3A] : memref<10240x144xf32, #tpu.memory_space<vmem_shared>> -> memref<80x144xf32, #tpu.memory_space<vmem_shared>>
    %dma_wait3A_74 = arith.constant 0 : i32
    %dma_wait3A_75 = tpu.memref_slice %arg17[%add3A_72, %dma_wait3A_74] : memref<10240x144xf32, #tpu.memory_space<vmem_shared>> -> memref<80x144xf32, #tpu.memory_space<vmem_shared>>
    tpu.wait_dma2 semaphore(%arg20 : memref<!tpu.dma_semaphore, #tpu.memory_space<semaphore_mem>>) src(%arg15 : memref<80x144xf32, #tpu.memory_space<vmem>>) dst(%dma_wait3A_75 : memref<80x144xf32, #tpu.memory_space<vmem_shared>>)
    %mul3A_76 = arith.constant 640 : i32
    %mul3A_77 = arith.muli %arg1, %mul3A_76 : i32
    %add3A_78 = arith.constant 80 : i32
    %add3A_79 = arith.addi %mul3A_77, %add3A_78 : i32
    %dma_wait3A_80 = arith.constant 0 : i32
    %dma_wait3A_81 = tpu.memref_slice %arg17[%add3A_79, %dma_wait3A_80] : memref<10240x144xf32, #tpu.memory_space<vmem_shared>> -> memref<80x144xf32, #tpu.memory_space<vmem_shared>>
    %dma_wait3A_82 = arith.constant 0 : i32
    %dma_wait3A_83 = tpu.memref_slice %arg17[%add3A_79, %dma_wait3A_82] : memref<10240x144xf32, #tpu.memory_space<vmem_shared>> -> memref<80x144xf32, #tpu.memory_space<vmem_shared>>
    tpu.wait_dma2 semaphore(%arg20 : memref<!tpu.dma_semaphore, #tpu.memory_space<semaphore_mem>>) src(%arg15 : memref<80x144xf32, #tpu.memory_space<vmem>>) dst(%dma_wait3A_83 : memref<80x144xf32, #tpu.memory_space<vmem_shared>>)
    %mul3A_84 = arith.constant 640 : i32
    %mul3A_85 = arith.muli %arg1, %mul3A_84 : i32
    %add3A_86 = arith.constant 160 : i32
    %add3A_87 = arith.addi %mul3A_85, %add3A_86 : i32
    %dma_wait3A_88 = arith.constant 0 : i32
    %dma_wait3A_89 = tpu.memref_slice %arg17[%add3A_87, %dma_wait3A_88] : memref<10240x144xf32, #tpu.memory_space<vmem_shared>> -> memref<80x144xf32, #tpu.memory_space<vmem_shared>>
    %dma_wait3A_90 = arith.constant 0 : i32
    %dma_wait3A_91 = tpu.memref_slice %arg17[%add3A_87, %dma_wait3A_90] : memref<10240x144xf32, #tpu.memory_space<vmem_shared>> -> memref<80x144xf32, #tpu.memory_space<vmem_shared>>
    tpu.wait_dma2 semaphore(%arg20 : memref<!tpu.dma_semaphore, #tpu.memory_space<semaphore_mem>>) src(%arg15 : memref<80x144xf32, #tpu.memory_space<vmem>>) dst(%dma_wait3A_91 : memref<80x144xf32, #tpu.memory_space<vmem_shared>>)
    %mul3A_92 = arith.constant 640 : i32
    %mul3A_93 = arith.muli %arg1, %mul3A_92 : i32
    %add3A_94 = arith.constant 240 : i32
    %add3A_95 = arith.addi %mul3A_93, %add3A_94 : i32
    %dma_wait3A_96 = arith.constant 0 : i32
    %dma_wait3A_97 = tpu.memref_slice %arg17[%add3A_95, %dma_wait3A_96] : memref<10240x144xf32, #tpu.memory_space<vmem_shared>> -> memref<80x144xf32, #tpu.memory_space<vmem_shared>>
    %dma_wait3A_98 = arith.constant 0 : i32
    %dma_wait3A_99 = tpu.memref_slice %arg17[%add3A_95, %dma_wait3A_98] : memref<10240x144xf32, #tpu.memory_space<vmem_shared>> -> memref<80x144xf32, #tpu.memory_space<vmem_shared>>
    tpu.wait_dma2 semaphore(%arg20 : memref<!tpu.dma_semaphore, #tpu.memory_space<semaphore_mem>>) src(%arg15 : memref<80x144xf32, #tpu.memory_space<vmem>>) dst(%dma_wait3A_99 : memref<80x144xf32, #tpu.memory_space<vmem_shared>>)
    %mul3A_100 = arith.constant 640 : i32
    %mul3A_101 = arith.muli %arg1, %mul3A_100 : i32
    %add3A_102 = arith.constant 320 : i32
    %add3A_103 = arith.addi %mul3A_101, %add3A_102 : i32
    %dma_wait3A_104 = arith.constant 0 : i32
    %dma_wait3A_105 = tpu.memref_slice %arg17[%add3A_103, %dma_wait3A_104] : memref<10240x144xf32, #tpu.memory_space<vmem_shared>> -> memref<80x144xf32, #tpu.memory_space<vmem_shared>>
    %dma_wait3A_106 = arith.constant 0 : i32
    %dma_wait3A_107 = tpu.memref_slice %arg17[%add3A_103, %dma_wait3A_106] : memref<10240x144xf32, #tpu.memory_space<vmem_shared>> -> memref<80x144xf32, #tpu.memory_space<vmem_shared>>
    tpu.wait_dma2 semaphore(%arg20 : memref<!tpu.dma_semaphore, #tpu.memory_space<semaphore_mem>>) src(%arg15 : memref<80x144xf32, #tpu.memory_space<vmem>>) dst(%dma_wait3A_107 : memref<80x144xf32, #tpu.memory_space<vmem_shared>>)
    %mul3A_108 = arith.constant 640 : i32
    %mul3A_109 = arith.muli %arg1, %mul3A_108 : i32
    %add3A_110 = arith.constant 400 : i32
    %add3A_111 = arith.addi %mul3A_109, %add3A_110 : i32
    %dma_wait3A_112 = arith.constant 0 : i32
    %dma_wait3A_113 = tpu.memref_slice %arg17[%add3A_111, %dma_wait3A_112] : memref<10240x144xf32, #tpu.memory_space<vmem_shared>> -> memref<80x144xf32, #tpu.memory_space<vmem_shared>>
    %dma_wait3A_114 = arith.constant 0 : i32
    %dma_wait3A_115 = tpu.memref_slice %arg17[%add3A_111, %dma_wait3A_114] : memref<10240x144xf32, #tpu.memory_space<vmem_shared>> -> memref<80x144xf32, #tpu.memory_space<vmem_shared>>
    tpu.wait_dma2 semaphore(%arg20 : memref<!tpu.dma_semaphore, #tpu.memory_space<semaphore_mem>>) src(%arg15 : memref<80x144xf32, #tpu.memory_space<vmem>>) dst(%dma_wait3A_115 : memref<80x144xf32, #tpu.memory_space<vmem_shared>>)
    %mul3A_116 = arith.constant 640 : i32
    %mul3A_117 = arith.muli %arg1, %mul3A_116 : i32
    %add3A_118 = arith.constant 480 : i32
    %add3A_119 = arith.addi %mul3A_117, %add3A_118 : i32
    %dma_wait3A_120 = arith.constant 0 : i32
    %dma_wait3A_121 = tpu.memref_slice %arg17[%add3A_119, %dma_wait3A_120] : memref<10240x144xf32, #tpu.memory_space<vmem_shared>> -> memref<80x144xf32, #tpu.memory_space<vmem_shared>>
    %dma_wait3A_122 = arith.constant 0 : i32
    %dma_wait3A_123 = tpu.memref_slice %arg17[%add3A_119, %dma_wait3A_122] : memref<10240x144xf32, #tpu.memory_space<vmem_shared>> -> memref<80x144xf32, #tpu.memory_space<vmem_shared>>
    tpu.wait_dma2 semaphore(%arg20 : memref<!tpu.dma_semaphore, #tpu.memory_space<semaphore_mem>>) src(%arg15 : memref<80x144xf32, #tpu.memory_space<vmem>>) dst(%dma_wait3A_123 : memref<80x144xf32, #tpu.memory_space<vmem_shared>>)
    %mul3A_124 = arith.constant 640 : i32
    %mul3A_125 = arith.muli %arg1, %mul3A_124 : i32
    %add3A_126 = arith.constant 560 : i32
    %add3A_127 = arith.addi %mul3A_125, %add3A_126 : i32
    %dma_wait3A_128 = arith.constant 0 : i32
    %dma_wait3A_129 = tpu.memref_slice %arg17[%add3A_127, %dma_wait3A_128] : memref<10240x144xf32, #tpu.memory_space<vmem_shared>> -> memref<80x144xf32, #tpu.memory_space<vmem_shared>>
    %dma_wait3A_130 = arith.constant 0 : i32
    %dma_wait3A_131 = tpu.memref_slice %arg17[%add3A_127, %dma_wait3A_130] : memref<10240x144xf32, #tpu.memory_space<vmem_shared>> -> memref<80x144xf32, #tpu.memory_space<vmem_shared>>
    tpu.wait_dma2 semaphore(%arg20 : memref<!tpu.dma_semaphore, #tpu.memory_space<semaphore_mem>>) src(%arg15 : memref<80x144xf32, #tpu.memory_space<vmem>>) dst(%dma_wait3A_131 : memref<80x144xf32, #tpu.memory_space<vmem_shared>>)
    tpu.wait_dma2 semaphore(%arg18 : memref<!tpu.dma_semaphore, #tpu.memory_space<semaphore_mem>>) src(%arg4 : memref<10000xf32, #tpu.memory_space<hbm>>) dst(%arg13 : memref<10000xf32, #tpu.memory_space<vmem>>)
    %barrier3A = arith.constant 0 : index
    tpu.barrier barrier_id(%barrier3A)
    %dma_start3A_132 = arith.constant 0 : i32
    %dma_start3A_133 = arith.constant 0 : i32
    %dma_start3A_134 = arith.constant 0 : i32
    %dma_start3A_135 = tpu.memref_slice %arg2[%dma_start3A_132, %add3A, %dma_start3A_133, %dma_start3A_134] : memref<2x32x125x80xi32, #tpu.memory_space<hbm>> -> memref<1x1x1x80xi32, #tpu.memory_space<hbm>>
    %dma_start3A_136 = tpu.memref_squeeze %dma_start3A_135 : memref<1x1x1x80xi32, #tpu.memory_space<hbm>> -> memref<80xi32, #tpu.memory_space<hbm>>
    %dma_start3A_137 = arith.constant 0 : i32
    %dma_start3A_138 = tpu.memref_slice %arg2[%dma_start3A_132, %add3A, %dma_start3A_133, %dma_start3A_137] : memref<2x32x125x80xi32, #tpu.memory_space<hbm>> -> memref<1x1x1x80xi32, #tpu.memory_space<hbm>>
    %dma_start3A_139 = tpu.memref_squeeze %dma_start3A_138 : memref<1x1x1x80xi32, #tpu.memory_space<hbm>> -> memref<80xi32, #tpu.memory_space<hbm>>
    tpu.enqueue_dma source(%dma_start3A_139 : memref<80xi32, #tpu.memory_space<hbm>>) target(%arg7 : memref<80xi32, #tpu.memory_space<vmem>>) target_semaphore(%arg22 : memref<!tpu.dma_semaphore, #tpu.memory_space<semaphore_mem>>)
    %dma_start3A_140 = arith.constant 1 : i32
    %dma_start3A_141 = arith.constant 0 : i32
    %dma_start3A_142 = arith.constant 0 : i32
    %dma_start3A_143 = tpu.memref_slice %arg2[%dma_start3A_140, %add3A, %dma_start3A_141, %dma_start3A_142] : memref<2x32x125x80xi32, #tpu.memory_space<hbm>> -> memref<1x1x1x80xi32, #tpu.memory_space<hbm>>
    %dma_start3A_144 = tpu.memref_squeeze %dma_start3A_143 : memref<1x1x1x80xi32, #tpu.memory_space<hbm>> -> memref<80xi32, #tpu.memory_space<hbm>>
    %dma_start3A_145 = arith.constant 0 : i32
    %dma_start3A_146 = tpu.memref_slice %arg2[%dma_start3A_140, %add3A, %dma_start3A_141, %dma_start3A_145] : memref<2x32x125x80xi32, #tpu.memory_space<hbm>> -> memref<1x1x1x80xi32, #tpu.memory_space<hbm>>
    %dma_start3A_147 = tpu.memref_squeeze %dma_start3A_146 : memref<1x1x1x80xi32, #tpu.memory_space<hbm>> -> memref<80xi32, #tpu.memory_space<hbm>>
    tpu.enqueue_dma source(%dma_start3A_147 : memref<80xi32, #tpu.memory_space<hbm>>) target(%arg9 : memref<80xi32, #tpu.memory_space<vmem>>) target_semaphore(%arg24 : memref<!tpu.dma_semaphore, #tpu.memory_space<semaphore_mem>>)
    %dma_start3A_148 = arith.constant 0 : i32
    %dma_start3A_149 = arith.constant 0 : i32
    %dma_start3A_150 = tpu.memref_slice %arg3[%add3A, %dma_start3A_148, %dma_start3A_149] : memref<32x125x80xf32, #tpu.memory_space<hbm>> -> memref<1x1x80xf32, #tpu.memory_space<hbm>>
    %dma_start3A_151 = tpu.memref_squeeze %dma_start3A_150 : memref<1x1x80xf32, #tpu.memory_space<hbm>> -> memref<80xf32, #tpu.memory_space<hbm>>
    %dma_start3A_152 = arith.constant 0 : i32
    %dma_start3A_153 = tpu.memref_slice %arg3[%add3A, %dma_start3A_148, %dma_start3A_152] : memref<32x125x80xf32, #tpu.memory_space<hbm>> -> memref<1x1x80xf32, #tpu.memory_space<hbm>>
    %dma_start3A_154 = tpu.memref_squeeze %dma_start3A_153 : memref<1x1x80xf32, #tpu.memory_space<hbm>> -> memref<80xf32, #tpu.memory_space<hbm>>
    tpu.enqueue_dma source(%dma_start3A_154 : memref<80xf32, #tpu.memory_space<hbm>>) target(%arg11 : memref<80xf32, #tpu.memory_space<vmem>>) target_semaphore(%arg24 : memref<!tpu.dma_semaphore, #tpu.memory_space<semaphore_mem>>)
    %dma_start3A_155 = arith.constant 0 : i32
    %dma_start3A_156 = arith.constant 1 : i32
    %dma_start3A_157 = arith.constant 0 : i32
    %dma_start3A_158 = tpu.memref_slice %arg2[%dma_start3A_155, %add3A, %dma_start3A_156, %dma_start3A_157] : memref<2x32x125x80xi32, #tpu.memory_space<hbm>> -> memref<1x1x1x80xi32, #tpu.memory_space<hbm>>
    %dma_start3A_159 = tpu.memref_squeeze %dma_start3A_158 : memref<1x1x1x80xi32, #tpu.memory_space<hbm>> -> memref<80xi32, #tpu.memory_space<hbm>>
    %dma_start3A_160 = arith.constant 0 : i32
    %dma_start3A_161 = tpu.memref_slice %arg2[%dma_start3A_155, %add3A, %dma_start3A_156, %dma_start3A_160] : memref<2x32x125x80xi32, #tpu.memory_space<hbm>> -> memref<1x1x1x80xi32, #tpu.memory_space<hbm>>
    %dma_start3A_162 = tpu.memref_squeeze %dma_start3A_161 : memref<1x1x1x80xi32, #tpu.memory_space<hbm>> -> memref<80xi32, #tpu.memory_space<hbm>>
    tpu.enqueue_dma source(%dma_start3A_162 : memref<80xi32, #tpu.memory_space<hbm>>) target(%arg8 : memref<80xi32, #tpu.memory_space<vmem>>) target_semaphore(%arg23 : memref<!tpu.dma_semaphore, #tpu.memory_space<semaphore_mem>>)
    %dma_start3A_163 = arith.constant 1 : i32
    %dma_start3A_164 = arith.constant 1 : i32
    %dma_start3A_165 = arith.constant 0 : i32
    %dma_start3A_166 = tpu.memref_slice %arg2[%dma_start3A_163, %add3A, %dma_start3A_164, %dma_start3A_165] : memref<2x32x125x80xi32, #tpu.memory_space<hbm>> -> memref<1x1x1x80xi32, #tpu.memory_space<hbm>>
    %dma_start3A_167 = tpu.memref_squeeze %dma_start3A_166 : memref<1x1x1x80xi32, #tpu.memory_space<hbm>> -> memref<80xi32, #tpu.memory_space<hbm>>
    %dma_start3A_168 = arith.constant 0 : i32
    %dma_start3A_169 = tpu.memref_slice %arg2[%dma_start3A_163, %add3A, %dma_start3A_164, %dma_start3A_168] : memref<2x32x125x80xi32, #tpu.memory_space<hbm>> -> memref<1x1x1x80xi32, #tpu.memory_space<hbm>>
    %dma_start3A_170 = tpu.memref_squeeze %dma_start3A_169 : memref<1x1x1x80xi32, #tpu.memory_space<hbm>> -> memref<80xi32, #tpu.memory_space<hbm>>
    tpu.enqueue_dma source(%dma_start3A_170 : memref<80xi32, #tpu.memory_space<hbm>>) target(%arg10 : memref<80xi32, #tpu.memory_space<vmem>>) target_semaphore(%arg25 : memref<!tpu.dma_semaphore, #tpu.memory_space<semaphore_mem>>)
    %dma_start3A_171 = arith.constant 1 : i32
    %dma_start3A_172 = arith.constant 0 : i32
    %dma_start3A_173 = tpu.memref_slice %arg3[%add3A, %dma_start3A_171, %dma_start3A_172] : memref<32x125x80xf32, #tpu.memory_space<hbm>> -> memref<1x1x80xf32, #tpu.memory_space<hbm>>
    %dma_start3A_174 = tpu.memref_squeeze %dma_start3A_173 : memref<1x1x80xf32, #tpu.memory_space<hbm>> -> memref<80xf32, #tpu.memory_space<hbm>>
    %dma_start3A_175 = arith.constant 0 : i32
    %dma_start3A_176 = tpu.memref_slice %arg3[%add3A, %dma_start3A_171, %dma_start3A_175] : memref<32x125x80xf32, #tpu.memory_space<hbm>> -> memref<1x1x80xf32, #tpu.memory_space<hbm>>
    %dma_start3A_177 = tpu.memref_squeeze %dma_start3A_176 : memref<1x1x80xf32, #tpu.memory_space<hbm>> -> memref<80xf32, #tpu.memory_space<hbm>>
    tpu.enqueue_dma source(%dma_start3A_177 : memref<80xf32, #tpu.memory_space<hbm>>) target(%arg12 : memref<80xf32, #tpu.memory_space<vmem>>) target_semaphore(%arg25 : memref<!tpu.dma_semaphore, #tpu.memory_space<semaphore_mem>>)
    %dma_wait3A_178 = arith.constant 1 : i32
    %dma_wait3A_179 = arith.constant 0 : i32
    %dma_wait3A_180 = arith.constant 0 : i32
    %dma_wait3A_181 = tpu.memref_slice %arg2[%dma_wait3A_178, %add3A, %dma_wait3A_179, %dma_wait3A_180] : memref<2x32x125x80xi32, #tpu.memory_space<hbm>> -> memref<1x1x1x80xi32, #tpu.memory_space<hbm>>
    %dma_wait3A_182 = tpu.memref_squeeze %dma_wait3A_181 : memref<1x1x1x80xi32, #tpu.memory_space<hbm>> -> memref<80xi32, #tpu.memory_space<hbm>>
    %dma_wait3A_183 = arith.constant 0 : i32
    %dma_wait3A_184 = tpu.memref_slice %arg2[%dma_wait3A_178, %add3A, %dma_wait3A_179, %dma_wait3A_183] : memref<2x32x125x80xi32, #tpu.memory_space<hbm>> -> memref<1x1x1x80xi32, #tpu.memory_space<hbm>>
    %dma_wait3A_185 = tpu.memref_squeeze %dma_wait3A_184 : memref<1x1x1x80xi32, #tpu.memory_space<hbm>> -> memref<80xi32, #tpu.memory_space<hbm>>
    tpu.wait_dma2 semaphore(%arg24 : memref<!tpu.dma_semaphore, #tpu.memory_space<semaphore_mem>>) src(%dma_wait3A_185 : memref<80xi32, #tpu.memory_space<hbm>>) dst(%arg9 : memref<80xi32, #tpu.memory_space<vmem>>)
    %dma_wait3A_186 = arith.constant 0 : i32
    %dma_wait3A_187 = arith.constant 0 : i32
    %dma_wait3A_188 = tpu.memref_slice %arg3[%add3A, %dma_wait3A_186, %dma_wait3A_187] : memref<32x125x80xf32, #tpu.memory_space<hbm>> -> memref<1x1x80xf32, #tpu.memory_space<hbm>>
    %dma_wait3A_189 = tpu.memref_squeeze %dma_wait3A_188 : memref<1x1x80xf32, #tpu.memory_space<hbm>> -> memref<80xf32, #tpu.memory_space<hbm>>
    %dma_wait3A_190 = arith.constant 0 : i32
    %dma_wait3A_191 = tpu.memref_slice %arg3[%add3A, %dma_wait3A_186, %dma_wait3A_190] : memref<32x125x80xf32, #tpu.memory_space<hbm>> -> memref<1x1x80xf32, #tpu.memory_space<hbm>>
    %dma_wait3A_192 = tpu.memref_squeeze %dma_wait3A_191 : memref<1x1x80xf32, #tpu.memory_space<hbm>> -> memref<80xf32, #tpu.memory_space<hbm>>
    tpu.wait_dma2 semaphore(%arg24 : memref<!tpu.dma_semaphore, #tpu.memory_space<semaphore_mem>>) src(%dma_wait3A_192 : memref<80xf32, #tpu.memory_space<hbm>>) dst(%arg11 : memref<80xf32, #tpu.memory_space<vmem>>)
    %dma_start3A_193 = arith.constant 0 : i32
    %dma_start3A_194 = arith.constant 0 : i32
    %dma_start3A_195 = tpu.memref_slice %arg5[%dma_start3A_193, %dma_start3A_194] : memref<10000x144xf32, #tpu.memory_space<hbm>> -> memref<10000x144xf32, #tpu.memory_space<hbm>>
    tpu.enqueue_indirect_dma source(%dma_start3A_195 : memref<10000x144xf32, #tpu.memory_space<hbm>>) target(%arg15 : memref<80x144xf32, #tpu.memory_space<vmem>>) offsets(%arg9 : memref<80xi32, #tpu.memory_space<vmem>>) semaphore(%arg18 : memref<!tpu.dma_semaphore, #tpu.memory_space<semaphore_mem>>)
    %dma_wait3A_196 = arith.constant 1 : i32
    %dma_wait3A_197 = arith.constant 1 : i32
    %dma_wait3A_198 = arith.constant 0 : i32
    %dma_wait3A_199 = tpu.memref_slice %arg2[%dma_wait3A_196, %add3A, %dma_wait3A_197, %dma_wait3A_198] : memref<2x32x125x80xi32, #tpu.memory_space<hbm>> -> memref<1x1x1x80xi32, #tpu.memory_space<hbm>>
    %dma_wait3A_200 = tpu.memref_squeeze %dma_wait3A_199 : memref<1x1x1x80xi32, #tpu.memory_space<hbm>> -> memref<80xi32, #tpu.memory_space<hbm>>
    %dma_wait3A_201 = arith.constant 0 : i32
    %dma_wait3A_202 = tpu.memref_slice %arg2[%dma_wait3A_196, %add3A, %dma_wait3A_197, %dma_wait3A_201] : memref<2x32x125x80xi32, #tpu.memory_space<hbm>> -> memref<1x1x1x80xi32, #tpu.memory_space<hbm>>
    %dma_wait3A_203 = tpu.memref_squeeze %dma_wait3A_202 : memref<1x1x1x80xi32, #tpu.memory_space<hbm>> -> memref<80xi32, #tpu.memory_space<hbm>>
    tpu.wait_dma2 semaphore(%arg25 : memref<!tpu.dma_semaphore, #tpu.memory_space<semaphore_mem>>) src(%dma_wait3A_203 : memref<80xi32, #tpu.memory_space<hbm>>) dst(%arg10 : memref<80xi32, #tpu.memory_space<vmem>>)
    %dma_wait3A_204 = arith.constant 1 : i32
    %dma_wait3A_205 = arith.constant 0 : i32
    %dma_wait3A_206 = tpu.memref_slice %arg3[%add3A, %dma_wait3A_204, %dma_wait3A_205] : memref<32x125x80xf32, #tpu.memory_space<hbm>> -> memref<1x1x80xf32, #tpu.memory_space<hbm>>
    %dma_wait3A_207 = tpu.memref_squeeze %dma_wait3A_206 : memref<1x1x80xf32, #tpu.memory_space<hbm>> -> memref<80xf32, #tpu.memory_space<hbm>>
    %dma_wait3A_208 = arith.constant 0 : i32
    %dma_wait3A_209 = tpu.memref_slice %arg3[%add3A, %dma_wait3A_204, %dma_wait3A_208] : memref<32x125x80xf32, #tpu.memory_space<hbm>> -> memref<1x1x80xf32, #tpu.memory_space<hbm>>
    %dma_wait3A_210 = tpu.memref_squeeze %dma_wait3A_209 : memref<1x1x80xf32, #tpu.memory_space<hbm>> -> memref<80xf32, #tpu.memory_space<hbm>>
    tpu.wait_dma2 semaphore(%arg25 : memref<!tpu.dma_semaphore, #tpu.memory_space<semaphore_mem>>) src(%dma_wait3A_210 : memref<80xf32, #tpu.memory_space<hbm>>) dst(%arg12 : memref<80xf32, #tpu.memory_space<vmem>>)
    %dma_start3A_211 = arith.constant 0 : i32
    %dma_start3A_212 = arith.constant 0 : i32
    %dma_start3A_213 = tpu.memref_slice %arg5[%dma_start3A_211, %dma_start3A_212] : memref<10000x144xf32, #tpu.memory_space<hbm>> -> memref<10000x144xf32, #tpu.memory_space<hbm>>
    tpu.enqueue_indirect_dma source(%dma_start3A_213 : memref<10000x144xf32, #tpu.memory_space<hbm>>) target(%arg16 : memref<80x144xf32, #tpu.memory_space<vmem>>) offsets(%arg10 : memref<80xi32, #tpu.memory_space<vmem>>) semaphore(%arg19 : memref<!tpu.dma_semaphore, #tpu.memory_space<semaphore_mem>>)
    %scan3A_214 = arith.constant 0 : i32
    %scan3A_215 = arith.constant 0 : i32
    %scan3A_216 = arith.constant 62 : i32
    %scan3A_217 = arith.addi %scan3A_215, %scan3A_216 : i32
    %scan3A_218 = arith.constant 1 : i32
    scf.for %scan3A_357 = %scan3A_215 to %scan3A_217 step %scan3A_218  : i32 {
      %mul3A_358 = arith.constant 2 : i32
      %mul3A_359 = arith.muli %mul3A_358, %scan3A_357 : i32
      %add3A_360 = arith.constant 2 : i32
      %add3A_361 = arith.addi %mul3A_359, %add3A_360 : i32
      %lt3A = arith.constant 125 : i32
      %lt3A_362 = arith.cmpi slt, %add3A_361, %lt3A : i32
      %dma_wait3A_363 = arith.constant 0 : i32
      %dma_wait3A_364 = arith.constant 0 : i32
      %dma_wait3A_365 = tpu.memref_slice %arg2[%dma_wait3A_363, %add3A, %mul3A_359, %dma_wait3A_364] : memref<2x32x125x80xi32, #tpu.memory_space<hbm>> -> memref<1x1x1x80xi32, #tpu.memory_space<hbm>>
      %dma_wait3A_366 = tpu.memref_squeeze %dma_wait3A_365 : memref<1x1x1x80xi32, #tpu.memory_space<hbm>> -> memref<80xi32, #tpu.memory_space<hbm>>
      %dma_wait3A_367 = arith.constant 0 : i32
      %dma_wait3A_368 = tpu.memref_slice %arg2[%dma_wait3A_363, %add3A, %mul3A_359, %dma_wait3A_367] : memref<2x32x125x80xi32, #tpu.memory_space<hbm>> -> memref<1x1x1x80xi32, #tpu.memory_space<hbm>>
      %dma_wait3A_369 = tpu.memref_squeeze %dma_wait3A_368 : memref<1x1x1x80xi32, #tpu.memory_space<hbm>> -> memref<80xi32, #tpu.memory_space<hbm>>
      tpu.wait_dma2 semaphore(%arg22 : memref<!tpu.dma_semaphore, #tpu.memory_space<semaphore_mem>>) src(%dma_wait3A_369 : memref<80xi32, #tpu.memory_space<hbm>>) dst(%arg7 : memref<80xi32, #tpu.memory_space<vmem>>)
      %dma_wait3A_370 = arith.constant 0 : i32
      %dma_wait3A_371 = arith.constant 0 : i32
      %dma_wait3A_372 = tpu.memref_slice %arg5[%dma_wait3A_370, %dma_wait3A_371] : memref<10000x144xf32, #tpu.memory_space<hbm>> -> memref<10000x144xf32, #tpu.memory_space<hbm>>
      tpu.wait_indirect_dma semaphore(%arg18 : memref<!tpu.dma_semaphore, #tpu.memory_space<semaphore_mem>>) src(%dma_wait3A_372 : memref<10000x144xf32, #tpu.memory_space<hbm>>) dst(%arg15 : memref<80x144xf32, #tpu.memory_space<vmem>>)
      %broadcast_in_dim3A_373 = arith.constant 129 : i32
      %broadcast_in_dim3A_374 = vector.broadcast %broadcast_in_dim3A_373 : i32 to vector<16xi32>
      %get3A_375 = arith.constant 0 : index
      %get3A_376 = tpu.vector_load %arg7[%get3A_375] {strides = array<i32>} : memref<80xi32, #tpu.memory_space<vmem>>, vector<16xi32>,
      %get3A_377 = arith.constant 0 : index
      %get3A_378 = tpu.vector_load %arg11[%get3A_377] {strides = array<i32>} : memref<80xf32, #tpu.memory_space<vmem>>, vector<16xf32>,
      %iota3A_379 = tpu.iota {dimensions = array<i32: 0>} : vector<16xi32>
      %add3A_380 = arith.constant 0 : i32
      %add3A_381 = vector.broadcast %add3A_380 : i32 to vector<16xi32>
      %add3A_382 = arith.addi %iota3A_379, %add3A_381 : vector<16xi32>
      %gather3A_383 = tpu.vector_load_idx %arg13[%get3A_376] : memref<10000xf32, #tpu.memory_space<vmem>>[vector<16xi32>], vector<16xf32>,
      %gather3A_384 = tpu.vector_load_idx %arg15[%add3A_382, %broadcast_in_dim3A_374] : memref<80x144xf32, #tpu.memory_space<vmem>>[vector<16xi32>, vector<16xi32>], vector<16xf32>,
      %mul3A_385 = arith.mulf %get3A_378, %gather3A_383 : vector<16xf32>
      %mul3A_386 = arith.mulf %get3A_378, %gather3A_384 : vector<16xf32>
      %add3A_387 = arith.addf %mul3A_385, %mul3A_386 : vector<16xf32>
      %ge3A_388 = arith.constant 0.000000e+00 : f32
      %ge3A_389 = vector.broadcast %ge3A_388 : f32 to vector<16xf32>
      %ge3A_390 = arith.cmpf oge, %add3A_387, %ge3A_389 : vector<16xf32>
      %mul3A_391 = arith.constant 2.000000e-01 : f32
      %mul3A_392 = vector.broadcast %mul3A_391 : f32 to vector<16xf32>
      %mul3A_393 = arith.mulf %mul3A_392, %add3A_387 : vector<16xf32>
      %select_n3A_394 = arith.select %ge3A_390, %add3A_387, %mul3A_393 : vector<16xi1>, vector<16xf32>
      %exp3A_395 = math.exp %select_n3A_394 : vector<16xf32>
      %swap3A_396 = arith.constant 0 : index
      %swap3A_397 = tpu.vector_load %arg14[%swap3A_396] {strides = array<i32>} : memref<80xf32, #tpu.memory_space<vmem>>, vector<16xf32>,
      tpu.vector_store %arg14[%swap3A_396], %exp3A_395 {strides = array<i32>} : memref<80xf32, #tpu.memory_space<vmem>>, vector<16xf32>,
      %get3A_398 = arith.constant 16 : index
      %get3A_399 = tpu.vector_load %arg7[%get3A_398] {strides = array<i32>} : memref<80xi32, #tpu.memory_space<vmem>>, vector<16xi32>,
      %get3A_400 = arith.constant 16 : index
      %get3A_401 = tpu.vector_load %arg11[%get3A_400] {strides = array<i32>} : memref<80xf32, #tpu.memory_space<vmem>>, vector<16xf32>,
      %iota3A_402 = tpu.iota {dimensions = array<i32: 0>} : vector<16xi32>
      %add3A_403 = arith.constant 16 : i32
      %add3A_404 = vector.broadcast %add3A_403 : i32 to vector<16xi32>
      %add3A_405 = arith.addi %iota3A_402, %add3A_404 : vector<16xi32>
      %gather3A_406 = tpu.vector_load_idx %arg13[%get3A_399] : memref<10000xf32, #tpu.memory_space<vmem>>[vector<16xi32>], vector<16xf32>,
      %gather3A_407 = tpu.vector_load_idx %arg15[%add3A_405, %broadcast_in_dim3A_374] : memref<80x144xf32, #tpu.memory_space<vmem>>[vector<16xi32>, vector<16xi32>], vector<16xf32>,
      %mul3A_408 = arith.mulf %get3A_401, %gather3A_406 : vector<16xf32>
      %mul3A_409 = arith.mulf %get3A_401, %gather3A_407 : vector<16xf32>
      %add3A_410 = arith.addf %mul3A_408, %mul3A_409 : vector<16xf32>
      %ge3A_411 = arith.constant 0.000000e+00 : f32
      %ge3A_412 = vector.broadcast %ge3A_411 : f32 to vector<16xf32>
      %ge3A_413 = arith.cmpf oge, %add3A_410, %ge3A_412 : vector<16xf32>
      %mul3A_414 = arith.constant 2.000000e-01 : f32
      %mul3A_415 = vector.broadcast %mul3A_414 : f32 to vector<16xf32>
      %mul3A_416 = arith.mulf %mul3A_415, %add3A_410 : vector<16xf32>
      %select_n3A_417 = arith.select %ge3A_413, %add3A_410, %mul3A_416 : vector<16xi1>, vector<16xf32>
      %exp3A_418 = math.exp %select_n3A_417 : vector<16xf32>
      %swap3A_419 = arith.constant 16 : index
      %swap3A_420 = tpu.vector_load %arg14[%swap3A_419] {strides = array<i32>} : memref<80xf32, #tpu.memory_space<vmem>>, vector<16xf32>,
      tpu.vector_store %arg14[%swap3A_419], %exp3A_418 {strides = array<i32>} : memref<80xf32, #tpu.memory_space<vmem>>, vector<16xf32>,
      %get3A_421 = arith.constant 32 : index
      %get3A_422 = tpu.vector_load %arg7[%get3A_421] {strides = array<i32>} : memref<80xi32, #tpu.memory_space<vmem>>, vector<16xi32>,
      %get3A_423 = arith.constant 32 : index
      %get3A_424 = tpu.vector_load %arg11[%get3A_423] {strides = array<i32>} : memref<80xf32, #tpu.memory_space<vmem>>, vector<16xf32>,
      %iota3A_425 = tpu.iota {dimensions = array<i32: 0>} : vector<16xi32>
      %add3A_426 = arith.constant 32 : i32
      %add3A_427 = vector.broadcast %add3A_426 : i32 to vector<16xi32>
      %add3A_428 = arith.addi %iota3A_425, %add3A_427 : vector<16xi32>
      %gather3A_429 = tpu.vector_load_idx %arg13[%get3A_422] : memref<10000xf32, #tpu.memory_space<vmem>>[vector<16xi32>], vector<16xf32>,
      %gather3A_430 = tpu.vector_load_idx %arg15[%add3A_428, %broadcast_in_dim3A_374] : memref<80x144xf32, #tpu.memory_space<vmem>>[vector<16xi32>, vector<16xi32>], vector<16xf32>,
      %mul3A_431 = arith.mulf %get3A_424, %gather3A_429 : vector<16xf32>
      %mul3A_432 = arith.mulf %get3A_424, %gather3A_430 : vector<16xf32>
      %add3A_433 = arith.addf %mul3A_431, %mul3A_432 : vector<16xf32>
      %ge3A_434 = arith.constant 0.000000e+00 : f32
      %ge3A_435 = vector.broadcast %ge3A_434 : f32 to vector<16xf32>
      %ge3A_436 = arith.cmpf oge, %add3A_433, %ge3A_435 : vector<16xf32>
      %mul3A_437 = arith.constant 2.000000e-01 : f32
      %mul3A_438 = vector.broadcast %mul3A_437 : f32 to vector<16xf32>
      %mul3A_439 = arith.mulf %mul3A_438, %add3A_433 : vector<16xf32>
      %select_n3A_440 = arith.select %ge3A_436, %add3A_433, %mul3A_439 : vector<16xi1>, vector<16xf32>
      %exp3A_441 = math.exp %select_n3A_440 : vector<16xf32>
      %swap3A_442 = arith.constant 32 : index
      %swap3A_443 = tpu.vector_load %arg14[%swap3A_442] {strides = array<i32>} : memref<80xf32, #tpu.memory_space<vmem>>, vector<16xf32>,
      tpu.vector_store %arg14[%swap3A_442], %exp3A_441 {strides = array<i32>} : memref<80xf32, #tpu.memory_space<vmem>>, vector<16xf32>,
      %get3A_444 = arith.constant 48 : index
      %get3A_445 = tpu.vector_load %arg7[%get3A_444] {strides = array<i32>} : memref<80xi32, #tpu.memory_space<vmem>>, vector<16xi32>,
      %get3A_446 = arith.constant 48 : index
      %get3A_447 = tpu.vector_load %arg11[%get3A_446] {strides = array<i32>} : memref<80xf32, #tpu.memory_space<vmem>>, vector<16xf32>,
      %iota3A_448 = tpu.iota {dimensions = array<i32: 0>} : vector<16xi32>
      %add3A_449 = arith.constant 48 : i32
      %add3A_450 = vector.broadcast %add3A_449 : i32 to vector<16xi32>
      %add3A_451 = arith.addi %iota3A_448, %add3A_450 : vector<16xi32>
      %gather3A_452 = tpu.vector_load_idx %arg13[%get3A_445] : memref<10000xf32, #tpu.memory_space<vmem>>[vector<16xi32>], vector<16xf32>,
      %gather3A_453 = tpu.vector_load_idx %arg15[%add3A_451, %broadcast_in_dim3A_374] : memref<80x144xf32, #tpu.memory_space<vmem>>[vector<16xi32>, vector<16xi32>], vector<16xf32>,
      %mul3A_454 = arith.mulf %get3A_447, %gather3A_452 : vector<16xf32>
      %mul3A_455 = arith.mulf %get3A_447, %gather3A_453 : vector<16xf32>
      %add3A_456 = arith.addf %mul3A_454, %mul3A_455 : vector<16xf32>
      %ge3A_457 = arith.constant 0.000000e+00 : f32
      %ge3A_458 = vector.broadcast %ge3A_457 : f32 to vector<16xf32>
      %ge3A_459 = arith.cmpf oge, %add3A_456, %ge3A_458 : vector<16xf32>
      %mul3A_460 = arith.constant 2.000000e-01 : f32
      %mul3A_461 = vector.broadcast %mul3A_460 : f32 to vector<16xf32>
      %mul3A_462 = arith.mulf %mul3A_461, %add3A_456 : vector<16xf32>
      %select_n3A_463 = arith.select %ge3A_459, %add3A_456, %mul3A_462 : vector<16xi1>, vector<16xf32>
      %exp3A_464 = math.exp %select_n3A_463 : vector<16xf32>
      %swap3A_465 = arith.constant 48 : index
      %swap3A_466 = tpu.vector_load %arg14[%swap3A_465] {strides = array<i32>} : memref<80xf32, #tpu.memory_space<vmem>>, vector<16xf32>,
      tpu.vector_store %arg14[%swap3A_465], %exp3A_464 {strides = array<i32>} : memref<80xf32, #tpu.memory_space<vmem>>, vector<16xf32>,
      %get3A_467 = arith.constant 64 : index
      %get3A_468 = tpu.vector_load %arg7[%get3A_467] {strides = array<i32>} : memref<80xi32, #tpu.memory_space<vmem>>, vector<16xi32>,
      %get3A_469 = arith.constant 64 : index
      %get3A_470 = tpu.vector_load %arg11[%get3A_469] {strides = array<i32>} : memref<80xf32, #tpu.memory_space<vmem>>, vector<16xf32>,
      %iota3A_471 = tpu.iota {dimensions = array<i32: 0>} : vector<16xi32>
      %add3A_472 = arith.constant 64 : i32
      %add3A_473 = vector.broadcast %add3A_472 : i32 to vector<16xi32>
      %add3A_474 = arith.addi %iota3A_471, %add3A_473 : vector<16xi32>
      %gather3A_475 = tpu.vector_load_idx %arg13[%get3A_468] : memref<10000xf32, #tpu.memory_space<vmem>>[vector<16xi32>], vector<16xf32>,
      %gather3A_476 = tpu.vector_load_idx %arg15[%add3A_474, %broadcast_in_dim3A_374] : memref<80x144xf32, #tpu.memory_space<vmem>>[vector<16xi32>, vector<16xi32>], vector<16xf32>,
      %mul3A_477 = arith.mulf %get3A_470, %gather3A_475 : vector<16xf32>
      %mul3A_478 = arith.mulf %get3A_470, %gather3A_476 : vector<16xf32>
      %add3A_479 = arith.addf %mul3A_477, %mul3A_478 : vector<16xf32>
      %ge3A_480 = arith.constant 0.000000e+00 : f32
      %ge3A_481 = vector.broadcast %ge3A_480 : f32 to vector<16xf32>
      %ge3A_482 = arith.cmpf oge, %add3A_479, %ge3A_481 : vector<16xf32>
      %mul3A_483 = arith.constant 2.000000e-01 : f32
      %mul3A_484 = vector.broadcast %mul3A_483 : f32 to vector<16xf32>
      %mul3A_485 = arith.mulf %mul3A_484, %add3A_479 : vector<16xf32>
      %select_n3A_486 = arith.select %ge3A_482, %add3A_479, %mul3A_485 : vector<16xi1>, vector<16xf32>
      %exp3A_487 = math.exp %select_n3A_486 : vector<16xf32>
      %swap3A_488 = arith.constant 64 : index
      %swap3A_489 = tpu.vector_load %arg14[%swap3A_488] {strides = array<i32>} : memref<80xf32, #tpu.memory_space<vmem>>, vector<16xf32>,
      tpu.vector_store %arg14[%swap3A_488], %exp3A_487 {strides = array<i32>} : memref<80xf32, #tpu.memory_space<vmem>>, vector<16xf32>,
      %convert_element_type3A = arith.extui %lt3A_362 : i1 to i32
      %cond3A = arith.constant 0 : i32
      %cond3A_490 = arith.cmpi ne, %convert_element_type3A, %cond3A : i32
      scf.if %cond3A_490 {
        %add3A_685 = arith.constant 2 : i32
        %add3A_686 = arith.addi %mul3A_359, %add3A_685 : i32
        %dma_start3A_687 = arith.constant 1 : i32
        %dma_start3A_688 = arith.constant 0 : i32
        %dma_start3A_689 = tpu.memref_slice %arg2[%dma_start3A_687, %add3A, %add3A_686, %dma_start3A_688] : memref<2x32x125x80xi32, #tpu.memory_space<hbm>> -> memref<1x1x1x80xi32, #tpu.memory_space<hbm>>
        %dma_start3A_690 = tpu.memref_squeeze %dma_start3A_689 : memref<1x1x1x80xi32, #tpu.memory_space<hbm>> -> memref<80xi32, #tpu.memory_space<hbm>>
        %dma_start3A_691 = arith.constant 0 : i32
        %dma_start3A_692 = tpu.memref_slice %arg2[%dma_start3A_687, %add3A, %add3A_686, %dma_start3A_691] : memref<2x32x125x80xi32, #tpu.memory_space<hbm>> -> memref<1x1x1x80xi32, #tpu.memory_space<hbm>>
        %dma_start3A_693 = tpu.memref_squeeze %dma_start3A_692 : memref<1x1x1x80xi32, #tpu.memory_space<hbm>> -> memref<80xi32, #tpu.memory_space<hbm>>
        tpu.enqueue_dma source(%dma_start3A_693 : memref<80xi32, #tpu.memory_space<hbm>>) target(%arg9 : memref<80xi32, #tpu.memory_space<vmem>>) target_semaphore(%arg24 : memref<!tpu.dma_semaphore, #tpu.memory_space<semaphore_mem>>)
        %dma_start3A_694 = arith.constant 0 : i32
        %dma_start3A_695 = tpu.memref_slice %arg3[%add3A, %add3A_686, %dma_start3A_694] : memref<32x125x80xf32, #tpu.memory_space<hbm>> -> memref<1x1x80xf32, #tpu.memory_space<hbm>>
        %dma_start3A_696 = tpu.memref_squeeze %dma_start3A_695 : memref<1x1x80xf32, #tpu.memory_space<hbm>> -> memref<80xf32, #tpu.memory_space<hbm>>
        %dma_start3A_697 = arith.constant 0 : i32
        %dma_start3A_698 = tpu.memref_slice %arg3[%add3A, %add3A_686, %dma_start3A_697] : memref<32x125x80xf32, #tpu.memory_space<hbm>> -> memref<1x1x80xf32, #tpu.memory_space<hbm>>
        %dma_start3A_699 = tpu.memref_squeeze %dma_start3A_698 : memref<1x1x80xf32, #tpu.memory_space<hbm>> -> memref<80xf32, #tpu.memory_space<hbm>>
        tpu.enqueue_dma source(%dma_start3A_699 : memref<80xf32, #tpu.memory_space<hbm>>) target(%arg11 : memref<80xf32, #tpu.memory_space<vmem>>) target_semaphore(%arg24 : memref<!tpu.dma_semaphore, #tpu.memory_space<semaphore_mem>>)
      } else {
      }
      %scan3A_491 = arith.constant 0 : i32
      %scan3A_492 = arith.constant 0 : i32
      %scan3A_493 = arith.constant 40 : i32
      %scan3A_494 = arith.addi %scan3A_492, %scan3A_493 : i32
      %scan3A_495 = arith.constant 1 : i32
      scf.for %scan3A_685 = %scan3A_492 to %scan3A_494 step %scan3A_495  : i32 {
        %mul3A_686 = arith.constant 2 : i32
        %mul3A_687 = arith.muli %scan3A_685, %mul3A_686 : i32
        %add3A_688 = arith.constant 0 : i32
        %add3A_689 = arith.addi %mul3A_687, %add3A_688 : i32
        %broadcast_in_dim3A_690 = vector.broadcast %add3A_689 : i32 to vector<16xi32>
        %gather3A_691 = tpu.vector_load_idx %arg14[%broadcast_in_dim3A_690] : memref<80xf32, #tpu.memory_space<vmem>>[vector<16xi32>], vector<16xf32>,
        %get3A_692 = arith.index_cast %add3A_689 : i32 to index
        %get3A_693 = arith.constant 0 : index
        %get3A_694 = tpu.vector_load %arg15[%get3A_692, %get3A_693] {strides = array<i32>} : memref<80x144xf32, #tpu.memory_space<vmem>>, vector<16xf32>,
        %mul3A_695 = arith.mulf %get3A_694, %gather3A_691 : vector<16xf32>
        %swap3A_696 = arith.index_cast %add3A_689 : i32 to index
        %swap3A_697 = arith.constant 0 : index
        %swap3A_698 = tpu.vector_load %arg15[%swap3A_696, %swap3A_697] {strides = array<i32>} : memref<80x144xf32, #tpu.memory_space<vmem>>, vector<16xf32>,
        tpu.vector_store %arg15[%swap3A_696, %swap3A_697], %mul3A_695 {strides = array<i32>} : memref<80x144xf32, #tpu.memory_space<vmem>>, vector<16xf32>,
        %get3A_699 = arith.index_cast %add3A_689 : i32 to index
        %get3A_700 = arith.constant 16 : index
        %get3A_701 = tpu.vector_load %arg15[%get3A_699, %get3A_700] {strides = array<i32>} : memref<80x144xf32, #tpu.memory_space<vmem>>, vector<16xf32>,
        %mul3A_702 = arith.mulf %get3A_701, %gather3A_691 : vector<16xf32>
        %swap3A_703 = arith.index_cast %add3A_689 : i32 to index
        %swap3A_704 = arith.constant 16 : index
        %swap3A_705 = tpu.vector_load %arg15[%swap3A_703, %swap3A_704] {strides = array<i32>} : memref<80x144xf32, #tpu.memory_space<vmem>>, vector<16xf32>,
        tpu.vector_store %arg15[%swap3A_703, %swap3A_704], %mul3A_702 {strides = array<i32>} : memref<80x144xf32, #tpu.memory_space<vmem>>, vector<16xf32>,
        %get3A_706 = arith.index_cast %add3A_689 : i32 to index
        %get3A_707 = arith.constant 32 : index
        %get3A_708 = tpu.vector_load %arg15[%get3A_706, %get3A_707] {strides = array<i32>} : memref<80x144xf32, #tpu.memory_space<vmem>>, vector<16xf32>,
        %mul3A_709 = arith.mulf %get3A_708, %gather3A_691 : vector<16xf32>
        %swap3A_710 = arith.index_cast %add3A_689 : i32 to index
        %swap3A_711 = arith.constant 32 : index
        %swap3A_712 = tpu.vector_load %arg15[%swap3A_710, %swap3A_711] {strides = array<i32>} : memref<80x144xf32, #tpu.memory_space<vmem>>, vector<16xf32>,
        tpu.vector_store %arg15[%swap3A_710, %swap3A_711], %mul3A_709 {strides = array<i32>} : memref<80x144xf32, #tpu.memory_space<vmem>>, vector<16xf32>,
        %get3A_713 = arith.index_cast %add3A_689 : i32 to index
        %get3A_714 = arith.constant 48 : index
        %get3A_715 = tpu.vector_load %arg15[%get3A_713, %get3A_714] {strides = array<i32>} : memref<80x144xf32, #tpu.memory_space<vmem>>, vector<16xf32>,
        %mul3A_716 = arith.mulf %get3A_715, %gather3A_691 : vector<16xf32>
        %swap3A_717 = arith.index_cast %add3A_689 : i32 to index
        %swap3A_718 = arith.constant 48 : index
        %swap3A_719 = tpu.vector_load %arg15[%swap3A_717, %swap3A_718] {strides = array<i32>} : memref<80x144xf32, #tpu.memory_space<vmem>>, vector<16xf32>,
        tpu.vector_store %arg15[%swap3A_717, %swap3A_718], %mul3A_716 {strides = array<i32>} : memref<80x144xf32, #tpu.memory_space<vmem>>, vector<16xf32>,
        %get3A_720 = arith.index_cast %add3A_689 : i32 to index
        %get3A_721 = arith.constant 64 : index
        %get3A_722 = tpu.vector_load %arg15[%get3A_720, %get3A_721] {strides = array<i32>} : memref<80x144xf32, #tpu.memory_space<vmem>>, vector<16xf32>,
        %mul3A_723 = arith.mulf %get3A_722, %gather3A_691 : vector<16xf32>
        %swap3A_724 = arith.index_cast %add3A_689 : i32 to index
        %swap3A_725 = arith.constant 64 : index
        %swap3A_726 = tpu.vector_load %arg15[%swap3A_724, %swap3A_725] {strides = array<i32>} : memref<80x144xf32, #tpu.memory_space<vmem>>, vector<16xf32>,
        tpu.vector_store %arg15[%swap3A_724, %swap3A_725], %mul3A_723 {strides = array<i32>} : memref<80x144xf32, #tpu.memory_space<vmem>>, vector<16xf32>,
        %get3A_727 = arith.index_cast %add3A_689 : i32 to index
        %get3A_728 = arith.constant 80 : index
        %get3A_729 = tpu.vector_load %arg15[%get3A_727, %get3A_728] {strides = array<i32>} : memref<80x144xf32, #tpu.memory_space<vmem>>, vector<16xf32>,
        %mul3A_730 = arith.mulf %get3A_729, %gather3A_691 : vector<16xf32>
        %swap3A_731 = arith.index_cast %add3A_689 : i32 to index
        %swap3A_732 = arith.constant 80 : index
        %swap3A_733 = tpu.vector_load %arg15[%swap3A_731, %swap3A_732] {strides = array<i32>} : memref<80x144xf32, #tpu.memory_space<vmem>>, vector<16xf32>,
        tpu.vector_store %arg15[%swap3A_731, %swap3A_732], %mul3A_730 {strides = array<i32>} : memref<80x144xf32, #tpu.memory_space<vmem>>, vector<16xf32>,
        %get3A_734 = arith.index_cast %add3A_689 : i32 to index
        %get3A_735 = arith.constant 96 : index
        %get3A_736 = tpu.vector_load %arg15[%get3A_734, %get3A_735] {strides = array<i32>} : memref<80x144xf32, #tpu.memory_space<vmem>>, vector<16xf32>,
        %mul3A_737 = arith.mulf %get3A_736, %gather3A_691 : vector<16xf32>
        %swap3A_738 = arith.index_cast %add3A_689 : i32 to index
        %swap3A_739 = arith.constant 96 : index
        %swap3A_740 = tpu.vector_load %arg15[%swap3A_738, %swap3A_739] {strides = array<i32>} : memref<80x144xf32, #tpu.memory_space<vmem>>, vector<16xf32>,
        tpu.vector_store %arg15[%swap3A_738, %swap3A_739], %mul3A_737 {strides = array<i32>} : memref<80x144xf32, #tpu.memory_space<vmem>>, vector<16xf32>,
        %get3A_741 = arith.index_cast %add3A_689 : i32 to index
        %get3A_742 = arith.constant 112 : index
        %get3A_743 = tpu.vector_load %arg15[%get3A_741, %get3A_742] {strides = array<i32>} : memref<80x144xf32, #tpu.memory_space<vmem>>, vector<16xf32>,
        %mul3A_744 = arith.mulf %get3A_743, %gather3A_691 : vector<16xf32>
        %swap3A_745 = arith.index_cast %add3A_689 : i32 to index
        %swap3A_746 = arith.constant 112 : index
        %swap3A_747 = tpu.vector_load %arg15[%swap3A_745, %swap3A_746] {strides = array<i32>} : memref<80x144xf32, #tpu.memory_space<vmem>>, vector<16xf32>,
        tpu.vector_store %arg15[%swap3A_745, %swap3A_746], %mul3A_744 {strides = array<i32>} : memref<80x144xf32, #tpu.memory_space<vmem>>, vector<16xf32>,
        %get3A_748 = arith.index_cast %add3A_689 : i32 to index
        %get3A_749 = arith.constant 128 : index
        %get3A_750 = tpu.vector_load %arg15[%get3A_748, %get3A_749] {strides = array<i32>} : memref<80x144xf32, #tpu.memory_space<vmem>>, vector<16xf32>,
        %mul3A_751 = arith.mulf %get3A_750, %gather3A_691 : vector<16xf32>
        %swap3A_752 = arith.index_cast %add3A_689 : i32 to index
        %swap3A_753 = arith.constant 128 : index
        %swap3A_754 = tpu.vector_load %arg15[%swap3A_752, %swap3A_753] {strides = array<i32>} : memref<80x144xf32, #tpu.memory_space<vmem>>, vector<16xf32>,
        tpu.vector_store %arg15[%swap3A_752, %swap3A_753], %mul3A_751 {strides = array<i32>} : memref<80x144xf32, #tpu.memory_space<vmem>>, vector<16xf32>,
        %mul3A_755 = arith.constant 2 : i32
        %mul3A_756 = arith.muli %scan3A_685, %mul3A_755 : i32
        %add3A_757 = arith.constant 1 : i32
        %add3A_758 = arith.addi %mul3A_756, %add3A_757 : i32
        %broadcast_in_dim3A_759 = vector.broadcast %add3A_758 : i32 to vector<16xi32>
        %gather3A_760 = tpu.vector_load_idx %arg14[%broadcast_in_dim3A_759] : memref<80xf32, #tpu.memory_space<vmem>>[vector<16xi32>], vector<16xf32>,
        %get3A_761 = arith.index_cast %add3A_758 : i32 to index
        %get3A_762 = arith.constant 0 : index
        %get3A_763 = tpu.vector_load %arg15[%get3A_761, %get3A_762] {strides = array<i32>} : memref<80x144xf32, #tpu.memory_space<vmem>>, vector<16xf32>,
        %mul3A_764 = arith.mulf %get3A_763, %gather3A_760 : vector<16xf32>
        %swap3A_765 = arith.index_cast %add3A_758 : i32 to index
        %swap3A_766 = arith.constant 0 : index
        %swap3A_767 = tpu.vector_load %arg15[%swap3A_765, %swap3A_766] {strides = array<i32>} : memref<80x144xf32, #tpu.memory_space<vmem>>, vector<16xf32>,
        tpu.vector_store %arg15[%swap3A_765, %swap3A_766], %mul3A_764 {strides = array<i32>} : memref<80x144xf32, #tpu.memory_space<vmem>>, vector<16xf32>,
        %get3A_768 = arith.index_cast %add3A_758 : i32 to index
        %get3A_769 = arith.constant 16 : index
        %get3A_770 = tpu.vector_load %arg15[%get3A_768, %get3A_769] {strides = array<i32>} : memref<80x144xf32, #tpu.memory_space<vmem>>, vector<16xf32>,
        %mul3A_771 = arith.mulf %get3A_770, %gather3A_760 : vector<16xf32>
        %swap3A_772 = arith.index_cast %add3A_758 : i32 to index
        %swap3A_773 = arith.constant 16 : index
        %swap3A_774 = tpu.vector_load %arg15[%swap3A_772, %swap3A_773] {strides = array<i32>} : memref<80x144xf32, #tpu.memory_space<vmem>>, vector<16xf32>,
        tpu.vector_store %arg15[%swap3A_772, %swap3A_773], %mul3A_771 {strides = array<i32>} : memref<80x144xf32, #tpu.memory_space<vmem>>, vector<16xf32>,
        %get3A_775 = arith.index_cast %add3A_758 : i32 to index
        %get3A_776 = arith.constant 32 : index
        %get3A_777 = tpu.vector_load %arg15[%get3A_775, %get3A_776] {strides = array<i32>} : memref<80x144xf32, #tpu.memory_space<vmem>>, vector<16xf32>,
        %mul3A_778 = arith.mulf %get3A_777, %gather3A_760 : vector<16xf32>
        %swap3A_779 = arith.index_cast %add3A_758 : i32 to index
        %swap3A_780 = arith.constant 32 : index
        %swap3A_781 = tpu.vector_load %arg15[%swap3A_779, %swap3A_780] {strides = array<i32>} : memref<80x144xf32, #tpu.memory_space<vmem>>, vector<16xf32>,
        tpu.vector_store %arg15[%swap3A_779, %swap3A_780], %mul3A_778 {strides = array<i32>} : memref<80x144xf32, #tpu.memory_space<vmem>>, vector<16xf32>,
        %get3A_782 = arith.index_cast %add3A_758 : i32 to index
        %get3A_783 = arith.constant 48 : index
        %get3A_784 = tpu.vector_load %arg15[%get3A_782, %get3A_783] {strides = array<i32>} : memref<80x144xf32, #tpu.memory_space<vmem>>, vector<16xf32>,
        %mul3A_785 = arith.mulf %get3A_784, %gather3A_760 : vector<16xf32>
        %swap3A_786 = arith.index_cast %add3A_758 : i32 to index
        %swap3A_787 = arith.constant 48 : index
        %swap3A_788 = tpu.vector_load %arg15[%swap3A_786, %swap3A_787] {strides = array<i32>} : memref<80x144xf32, #tpu.memory_space<vmem>>, vector<16xf32>,
        tpu.vector_store %arg15[%swap3A_786, %swap3A_787], %mul3A_785 {strides = array<i32>} : memref<80x144xf32, #tpu.memory_space<vmem>>, vector<16xf32>,
        %get3A_789 = arith.index_cast %add3A_758 : i32 to index
        %get3A_790 = arith.constant 64 : index
        %get3A_791 = tpu.vector_load %arg15[%get3A_789, %get3A_790] {strides = array<i32>} : memref<80x144xf32, #tpu.memory_space<vmem>>, vector<16xf32>,
        %mul3A_792 = arith.mulf %get3A_791, %gather3A_760 : vector<16xf32>
        %swap3A_793 = arith.index_cast %add3A_758 : i32 to index
        %swap3A_794 = arith.constant 64 : index
        %swap3A_795 = tpu.vector_load %arg15[%swap3A_793, %swap3A_794] {strides = array<i32>} : memref<80x144xf32, #tpu.memory_space<vmem>>, vector<16xf32>,
        tpu.vector_store %arg15[%swap3A_793, %swap3A_794], %mul3A_792 {strides = array<i32>} : memref<80x144xf32, #tpu.memory_space<vmem>>, vector<16xf32>,
        %get3A_796 = arith.index_cast %add3A_758 : i32 to index
        %get3A_797 = arith.constant 80 : index
        %get3A_798 = tpu.vector_load %arg15[%get3A_796, %get3A_797] {strides = array<i32>} : memref<80x144xf32, #tpu.memory_space<vmem>>, vector<16xf32>,
        %mul3A_799 = arith.mulf %get3A_798, %gather3A_760 : vector<16xf32>
        %swap3A_800 = arith.index_cast %add3A_758 : i32 to index
        %swap3A_801 = arith.constant 80 : index
        %swap3A_802 = tpu.vector_load %arg15[%swap3A_800, %swap3A_801] {strides = array<i32>} : memref<80x144xf32, #tpu.memory_space<vmem>>, vector<16xf32>,
        tpu.vector_store %arg15[%swap3A_800, %swap3A_801], %mul3A_799 {strides = array<i32>} : memref<80x144xf32, #tpu.memory_space<vmem>>, vector<16xf32>,
        %get3A_803 = arith.index_cast %add3A_758 : i32 to index
        %get3A_804 = arith.constant 96 : index
        %get3A_805 = tpu.vector_load %arg15[%get3A_803, %get3A_804] {strides = array<i32>} : memref<80x144xf32, #tpu.memory_space<vmem>>, vector<16xf32>,
        %mul3A_806 = arith.mulf %get3A_805, %gather3A_760 : vector<16xf32>
        %swap3A_807 = arith.index_cast %add3A_758 : i32 to index
        %swap3A_808 = arith.constant 96 : index
        %swap3A_809 = tpu.vector_load %arg15[%swap3A_807, %swap3A_808] {strides = array<i32>} : memref<80x144xf32, #tpu.memory_space<vmem>>, vector<16xf32>,
        tpu.vector_store %arg15[%swap3A_807, %swap3A_808], %mul3A_806 {strides = array<i32>} : memref<80x144xf32, #tpu.memory_space<vmem>>, vector<16xf32>,
        %get3A_810 = arith.index_cast %add3A_758 : i32 to index
        %get3A_811 = arith.constant 112 : index
        %get3A_812 = tpu.vector_load %arg15[%get3A_810, %get3A_811] {strides = array<i32>} : memref<80x144xf32, #tpu.memory_space<vmem>>, vector<16xf32>,
        %mul3A_813 = arith.mulf %get3A_812, %gather3A_760 : vector<16xf32>
        %swap3A_814 = arith.index_cast %add3A_758 : i32 to index
        %swap3A_815 = arith.constant 112 : index
        %swap3A_816 = tpu.vector_load %arg15[%swap3A_814, %swap3A_815] {strides = array<i32>} : memref<80x144xf32, #tpu.memory_space<vmem>>, vector<16xf32>,
        tpu.vector_store %arg15[%swap3A_814, %swap3A_815], %mul3A_813 {strides = array<i32>} : memref<80x144xf32, #tpu.memory_space<vmem>>, vector<16xf32>,
        %get3A_817 = arith.index_cast %add3A_758 : i32 to index
        %get3A_818 = arith.constant 128 : index
        %get3A_819 = tpu.vector_load %arg15[%get3A_817, %get3A_818] {strides = array<i32>} : memref<80x144xf32, #tpu.memory_space<vmem>>, vector<16xf32>,
        %mul3A_820 = arith.mulf %get3A_819, %gather3A_760 : vector<16xf32>
        %swap3A_821 = arith.index_cast %add3A_758 : i32 to index
        %swap3A_822 = arith.constant 128 : index
        %swap3A_823 = tpu.vector_load %arg15[%swap3A_821, %swap3A_822] {strides = array<i32>} : memref<80x144xf32, #tpu.memory_space<vmem>>, vector<16xf32>,
        tpu.vector_store %arg15[%swap3A_821, %swap3A_822], %mul3A_820 {strides = array<i32>} : memref<80x144xf32, #tpu.memory_space<vmem>>, vector<16xf32>,
      }
      %scan3A_496 = arith.constant 40 : i32
      %dma_start3A_497 = arith.constant 0 : i32
      %dma_start3A_498 = arith.constant 0 : i32
      %dma_start3A_499 = tpu.memref_slice %arg17[%dma_start3A_497, %dma_start3A_498] : memref<10240x144xf32, #tpu.memory_space<vmem_shared>> -> memref<10240x144xf32, #tpu.memory_space<vmem_shared>>
      tpu.enqueue_indirect_dma source(%arg15 : memref<80x144xf32, #tpu.memory_space<vmem>>) target(%dma_start3A_499 : memref<10240x144xf32, #tpu.memory_space<vmem_shared>>) offsets(%arg7 : memref<80xi32, #tpu.memory_space<vmem>>) semaphore(%arg20 : memref<!tpu.dma_semaphore, #tpu.memory_space<semaphore_mem>>) {add = true}
      %add3A_500 = arith.constant 1 : i32
      %add3A_501 = arith.addi %mul3A_359, %add3A_500 : i32
      %add3A_502 = arith.constant 3 : i32
      %add3A_503 = arith.addi %mul3A_359, %add3A_502 : i32
      %lt3A_504 = arith.constant 125 : i32
      %lt3A_505 = arith.cmpi slt, %add3A_503, %lt3A_504 : i32
      %dma_wait3A_506 = arith.constant 0 : i32
      %dma_wait3A_507 = arith.constant 0 : i32
      %dma_wait3A_508 = tpu.memref_slice %arg2[%dma_wait3A_506, %add3A, %add3A_501, %dma_wait3A_507] : memref<2x32x125x80xi32, #tpu.memory_space<hbm>> -> memref<1x1x1x80xi32, #tpu.memory_space<hbm>>
      %dma_wait3A_509 = tpu.memref_squeeze %dma_wait3A_508 : memref<1x1x1x80xi32, #tpu.memory_space<hbm>> -> memref<80xi32, #tpu.memory_space<hbm>>
      %dma_wait3A_510 = arith.constant 0 : i32
      %dma_wait3A_511 = tpu.memref_slice %arg2[%dma_wait3A_506, %add3A, %add3A_501, %dma_wait3A_510] : memref<2x32x125x80xi32, #tpu.memory_space<hbm>> -> memref<1x1x1x80xi32, #tpu.memory_space<hbm>>
      %dma_wait3A_512 = tpu.memref_squeeze %dma_wait3A_511 : memref<1x1x1x80xi32, #tpu.memory_space<hbm>> -> memref<80xi32, #tpu.memory_space<hbm>>
      tpu.wait_dma2 semaphore(%arg23 : memref<!tpu.dma_semaphore, #tpu.memory_space<semaphore_mem>>) src(%dma_wait3A_512 : memref<80xi32, #tpu.memory_space<hbm>>) dst(%arg8 : memref<80xi32, #tpu.memory_space<vmem>>)
      %dma_wait3A_513 = arith.constant 0 : i32
      %dma_wait3A_514 = arith.constant 0 : i32
      %dma_wait3A_515 = tpu.memref_slice %arg5[%dma_wait3A_513, %dma_wait3A_514] : memref<10000x144xf32, #tpu.memory_space<hbm>> -> memref<10000x144xf32, #tpu.memory_space<hbm>>
      tpu.wait_indirect_dma semaphore(%arg19 : memref<!tpu.dma_semaphore, #tpu.memory_space<semaphore_mem>>) src(%dma_wait3A_515 : memref<10000x144xf32, #tpu.memory_space<hbm>>) dst(%arg16 : memref<80x144xf32, #tpu.memory_space<vmem>>)
      %broadcast_in_dim3A_516 = arith.constant 129 : i32
      %broadcast_in_dim3A_517 = vector.broadcast %broadcast_in_dim3A_516 : i32 to vector<16xi32>
      %get3A_518 = arith.constant 0 : index
      %get3A_519 = tpu.vector_load %arg8[%get3A_518] {strides = array<i32>} : memref<80xi32, #tpu.memory_space<vmem>>, vector<16xi32>,
      %get3A_520 = arith.constant 0 : index
      %get3A_521 = tpu.vector_load %arg12[%get3A_520] {strides = array<i32>} : memref<80xf32, #tpu.memory_space<vmem>>, vector<16xf32>,
      %iota3A_522 = tpu.iota {dimensions = array<i32: 0>} : vector<16xi32>
      %add3A_523 = arith.constant 0 : i32
      %add3A_524 = vector.broadcast %add3A_523 : i32 to vector<16xi32>
      %add3A_525 = arith.addi %iota3A_522, %add3A_524 : vector<16xi32>
      %gather3A_526 = tpu.vector_load_idx %arg13[%get3A_519] : memref<10000xf32, #tpu.memory_space<vmem>>[vector<16xi32>], vector<16xf32>,
      %gather3A_527 = tpu.vector_load_idx %arg16[%add3A_525, %broadcast_in_dim3A_517] : memref<80x144xf32, #tpu.memory_space<vmem>>[vector<16xi32>, vector<16xi32>], vector<16xf32>,
      %mul3A_528 = arith.mulf %get3A_521, %gather3A_526 : vector<16xf32>
      %mul3A_529 = arith.mulf %get3A_521, %gather3A_527 : vector<16xf32>
      %add3A_530 = arith.addf %mul3A_528, %mul3A_529 : vector<16xf32>
      %ge3A_531 = arith.constant 0.000000e+00 : f32
      %ge3A_532 = vector.broadcast %ge3A_531 : f32 to vector<16xf32>
      %ge3A_533 = arith.cmpf oge, %add3A_530, %ge3A_532 : vector<16xf32>
      %mul3A_534 = arith.constant 2.000000e-01 : f32
      %mul3A_535 = vector.broadcast %mul3A_534 : f32 to vector<16xf32>
      %mul3A_536 = arith.mulf %mul3A_535, %add3A_530 : vector<16xf32>
      %select_n3A_537 = arith.select %ge3A_533, %add3A_530, %mul3A_536 : vector<16xi1>, vector<16xf32>
      %exp3A_538 = math.exp %select_n3A_537 : vector<16xf32>
      %swap3A_539 = arith.constant 0 : index
      %swap3A_540 = tpu.vector_load %arg14[%swap3A_539] {strides = array<i32>} : memref<80xf32, #tpu.memory_space<vmem>>, vector<16xf32>,
      tpu.vector_store %arg14[%swap3A_539], %exp3A_538 {strides = array<i32>} : memref<80xf32, #tpu.memory_space<vmem>>, vector<16xf32>,
      %get3A_541 = arith.constant 16 : index
      %get3A_542 = tpu.vector_load %arg8[%get3A_541] {strides = array<i32>} : memref<80xi32, #tpu.memory_space<vmem>>, vector<16xi32>,
      %get3A_543 = arith.constant 16 : index
      %get3A_544 = tpu.vector_load %arg12[%get3A_543] {strides = array<i32>} : memref<80xf32, #tpu.memory_space<vmem>>, vector<16xf32>,
      %iota3A_545 = tpu.iota {dimensions = array<i32: 0>} : vector<16xi32>
      %add3A_546 = arith.constant 16 : i32
      %add3A_547 = vector.broadcast %add3A_546 : i32 to vector<16xi32>
      %add3A_548 = arith.addi %iota3A_545, %add3A_547 : vector<16xi32>
      %gather3A_549 = tpu.vector_load_idx %arg13[%get3A_542] : memref<10000xf32, #tpu.memory_space<vmem>>[vector<16xi32>], vector<16xf32>,
      %gather3A_550 = tpu.vector_load_idx %arg16[%add3A_548, %broadcast_in_dim3A_517] : memref<80x144xf32, #tpu.memory_space<vmem>>[vector<16xi32>, vector<16xi32>], vector<16xf32>,
      %mul3A_551 = arith.mulf %get3A_544, %gather3A_549 : vector<16xf32>
      %mul3A_552 = arith.mulf %get3A_544, %gather3A_550 : vector<16xf32>
      %add3A_553 = arith.addf %mul3A_551, %mul3A_552 : vector<16xf32>
      %ge3A_554 = arith.constant 0.000000e+00 : f32
      %ge3A_555 = vector.broadcast %ge3A_554 : f32 to vector<16xf32>
      %ge3A_556 = arith.cmpf oge, %add3A_553, %ge3A_555 : vector<16xf32>
      %mul3A_557 = arith.constant 2.000000e-01 : f32
      %mul3A_558 = vector.broadcast %mul3A_557 : f32 to vector<16xf32>
      %mul3A_559 = arith.mulf %mul3A_558, %add3A_553 : vector<16xf32>
      %select_n3A_560 = arith.select %ge3A_556, %add3A_553, %mul3A_559 : vector<16xi1>, vector<16xf32>
      %exp3A_561 = math.exp %select_n3A_560 : vector<16xf32>
      %swap3A_562 = arith.constant 16 : index
      %swap3A_563 = tpu.vector_load %arg14[%swap3A_562] {strides = array<i32>} : memref<80xf32, #tpu.memory_space<vmem>>, vector<16xf32>,
      tpu.vector_store %arg14[%swap3A_562], %exp3A_561 {strides = array<i32>} : memref<80xf32, #tpu.memory_space<vmem>>, vector<16xf32>,
      %get3A_564 = arith.constant 32 : index
      %get3A_565 = tpu.vector_load %arg8[%get3A_564] {strides = array<i32>} : memref<80xi32, #tpu.memory_space<vmem>>, vector<16xi32>,
      %get3A_566 = arith.constant 32 : index
      %get3A_567 = tpu.vector_load %arg12[%get3A_566] {strides = array<i32>} : memref<80xf32, #tpu.memory_space<vmem>>, vector<16xf32>,
      %iota3A_568 = tpu.iota {dimensions = array<i32: 0>} : vector<16xi32>
      %add3A_569 = arith.constant 32 : i32
      %add3A_570 = vector.broadcast %add3A_569 : i32 to vector<16xi32>
      %add3A_571 = arith.addi %iota3A_568, %add3A_570 : vector<16xi32>
      %gather3A_572 = tpu.vector_load_idx %arg13[%get3A_565] : memref<10000xf32, #tpu.memory_space<vmem>>[vector<16xi32>], vector<16xf32>,
      %gather3A_573 = tpu.vector_load_idx %arg16[%add3A_571, %broadcast_in_dim3A_517] : memref<80x144xf32, #tpu.memory_space<vmem>>[vector<16xi32>, vector<16xi32>], vector<16xf32>,
      %mul3A_574 = arith.mulf %get3A_567, %gather3A_572 : vector<16xf32>
      %mul3A_575 = arith.mulf %get3A_567, %gather3A_573 : vector<16xf32>
      %add3A_576 = arith.addf %mul3A_574, %mul3A_575 : vector<16xf32>
      %ge3A_577 = arith.constant 0.000000e+00 : f32
      %ge3A_578 = vector.broadcast %ge3A_577 : f32 to vector<16xf32>
      %ge3A_579 = arith.cmpf oge, %add3A_576, %ge3A_578 : vector<16xf32>
      %mul3A_580 = arith.constant 2.000000e-01 : f32
      %mul3A_581 = vector.broadcast %mul3A_580 : f32 to vector<16xf32>
      %mul3A_582 = arith.mulf %mul3A_581, %add3A_576 : vector<16xf32>
      %select_n3A_583 = arith.select %ge3A_579, %add3A_576, %mul3A_582 : vector<16xi1>, vector<16xf32>
      %exp3A_584 = math.exp %select_n3A_583 : vector<16xf32>
      %swap3A_585 = arith.constant 32 : index
      %swap3A_586 = tpu.vector_load %arg14[%swap3A_585] {strides = array<i32>} : memref<80xf32, #tpu.memory_space<vmem>>, vector<16xf32>,
      tpu.vector_store %arg14[%swap3A_585], %exp3A_584 {strides = array<i32>} : memref<80xf32, #tpu.memory_space<vmem>>, vector<16xf32>,
      %get3A_587 = arith.constant 48 : index
      %get3A_588 = tpu.vector_load %arg8[%get3A_587] {strides = array<i32>} : memref<80xi32, #tpu.memory_space<vmem>>, vector<16xi32>,
      %get3A_589 = arith.constant 48 : index
      %get3A_590 = tpu.vector_load %arg12[%get3A_589] {strides = array<i32>} : memref<80xf32, #tpu.memory_space<vmem>>, vector<16xf32>,
      %iota3A_591 = tpu.iota {dimensions = array<i32: 0>} : vector<16xi32>
      %add3A_592 = arith.constant 48 : i32
      %add3A_593 = vector.broadcast %add3A_592 : i32 to vector<16xi32>
      %add3A_594 = arith.addi %iota3A_591, %add3A_593 : vector<16xi32>
      %gather3A_595 = tpu.vector_load_idx %arg13[%get3A_588] : memref<10000xf32, #tpu.memory_space<vmem>>[vector<16xi32>], vector<16xf32>,
      %gather3A_596 = tpu.vector_load_idx %arg16[%add3A_594, %broadcast_in_dim3A_517] : memref<80x144xf32, #tpu.memory_space<vmem>>[vector<16xi32>, vector<16xi32>], vector<16xf32>,
      %mul3A_597 = arith.mulf %get3A_590, %gather3A_595 : vector<16xf32>
      %mul3A_598 = arith.mulf %get3A_590, %gather3A_596 : vector<16xf32>
      %add3A_599 = arith.addf %mul3A_597, %mul3A_598 : vector<16xf32>
      %ge3A_600 = arith.constant 0.000000e+00 : f32
      %ge3A_601 = vector.broadcast %ge3A_600 : f32 to vector<16xf32>
      %ge3A_602 = arith.cmpf oge, %add3A_599, %ge3A_601 : vector<16xf32>
      %mul3A_603 = arith.constant 2.000000e-01 : f32
      %mul3A_604 = vector.broadcast %mul3A_603 : f32 to vector<16xf32>
      %mul3A_605 = arith.mulf %mul3A_604, %add3A_599 : vector<16xf32>
      %select_n3A_606 = arith.select %ge3A_602, %add3A_599, %mul3A_605 : vector<16xi1>, vector<16xf32>
      %exp3A_607 = math.exp %select_n3A_606 : vector<16xf32>
      %swap3A_608 = arith.constant 48 : index
      %swap3A_609 = tpu.vector_load %arg14[%swap3A_608] {strides = array<i32>} : memref<80xf32, #tpu.memory_space<vmem>>, vector<16xf32>,
      tpu.vector_store %arg14[%swap3A_608], %exp3A_607 {strides = array<i32>} : memref<80xf32, #tpu.memory_space<vmem>>, vector<16xf32>,
      %get3A_610 = arith.constant 64 : index
      %get3A_611 = tpu.vector_load %arg8[%get3A_610] {strides = array<i32>} : memref<80xi32, #tpu.memory_space<vmem>>, vector<16xi32>,
      %get3A_612 = arith.constant 64 : index
      %get3A_613 = tpu.vector_load %arg12[%get3A_612] {strides = array<i32>} : memref<80xf32, #tpu.memory_space<vmem>>, vector<16xf32>,
      %iota3A_614 = tpu.iota {dimensions = array<i32: 0>} : vector<16xi32>
      %add3A_615 = arith.constant 64 : i32
      %add3A_616 = vector.broadcast %add3A_615 : i32 to vector<16xi32>
      %add3A_617 = arith.addi %iota3A_614, %add3A_616 : vector<16xi32>
      %gather3A_618 = tpu.vector_load_idx %arg13[%get3A_611] : memref<10000xf32, #tpu.memory_space<vmem>>[vector<16xi32>], vector<16xf32>,
      %gather3A_619 = tpu.vector_load_idx %arg16[%add3A_617, %broadcast_in_dim3A_517] : memref<80x144xf32, #tpu.memory_space<vmem>>[vector<16xi32>, vector<16xi32>], vector<16xf32>,
      %mul3A_620 = arith.mulf %get3A_613, %gather3A_618 : vector<16xf32>
      %mul3A_621 = arith.mulf %get3A_613, %gather3A_619 : vector<16xf32>
      %add3A_622 = arith.addf %mul3A_620, %mul3A_621 : vector<16xf32>
      %ge3A_623 = arith.constant 0.000000e+00 : f32
      %ge3A_624 = vector.broadcast %ge3A_623 : f32 to vector<16xf32>
      %ge3A_625 = arith.cmpf oge, %add3A_622, %ge3A_624 : vector<16xf32>
      %mul3A_626 = arith.constant 2.000000e-01 : f32
      %mul3A_627 = vector.broadcast %mul3A_626 : f32 to vector<16xf32>
      %mul3A_628 = arith.mulf %mul3A_627, %add3A_622 : vector<16xf32>
      %select_n3A_629 = arith.select %ge3A_625, %add3A_622, %mul3A_628 : vector<16xi1>, vector<16xf32>
      %exp3A_630 = math.exp %select_n3A_629 : vector<16xf32>
      %swap3A_631 = arith.constant 64 : index
      %swap3A_632 = tpu.vector_load %arg14[%swap3A_631] {strides = array<i32>} : memref<80xf32, #tpu.memory_space<vmem>>, vector<16xf32>,
      tpu.vector_store %arg14[%swap3A_631], %exp3A_630 {strides = array<i32>} : memref<80xf32, #tpu.memory_space<vmem>>, vector<16xf32>,
      %convert_element_type3A_633 = arith.extui %lt3A_505 : i1 to i32
      %cond3A_634 = arith.constant 0 : i32
      %cond3A_635 = arith.cmpi ne, %convert_element_type3A_633, %cond3A_634 : i32
      scf.if %cond3A_635 {
        %add3A_685 = arith.constant 2 : i32
        %add3A_686 = arith.addi %add3A_501, %add3A_685 : i32
        %dma_start3A_687 = arith.constant 1 : i32
        %dma_start3A_688 = arith.constant 0 : i32
        %dma_start3A_689 = tpu.memref_slice %arg2[%dma_start3A_687, %add3A, %add3A_686, %dma_start3A_688] : memref<2x32x125x80xi32, #tpu.memory_space<hbm>> -> memref<1x1x1x80xi32, #tpu.memory_space<hbm>>
        %dma_start3A_690 = tpu.memref_squeeze %dma_start3A_689 : memref<1x1x1x80xi32, #tpu.memory_space<hbm>> -> memref<80xi32, #tpu.memory_space<hbm>>
        %dma_start3A_691 = arith.constant 0 : i32
        %dma_start3A_692 = tpu.memref_slice %arg2[%dma_start3A_687, %add3A, %add3A_686, %dma_start3A_691] : memref<2x32x125x80xi32, #tpu.memory_space<hbm>> -> memref<1x1x1x80xi32, #tpu.memory_space<hbm>>
        %dma_start3A_693 = tpu.memref_squeeze %dma_start3A_692 : memref<1x1x1x80xi32, #tpu.memory_space<hbm>> -> memref<80xi32, #tpu.memory_space<hbm>>
        tpu.enqueue_dma source(%dma_start3A_693 : memref<80xi32, #tpu.memory_space<hbm>>) target(%arg10 : memref<80xi32, #tpu.memory_space<vmem>>) target_semaphore(%arg25 : memref<!tpu.dma_semaphore, #tpu.memory_space<semaphore_mem>>)
        %dma_start3A_694 = arith.constant 0 : i32
        %dma_start3A_695 = tpu.memref_slice %arg3[%add3A, %add3A_686, %dma_start3A_694] : memref<32x125x80xf32, #tpu.memory_space<hbm>> -> memref<1x1x80xf32, #tpu.memory_space<hbm>>
        %dma_start3A_696 = tpu.memref_squeeze %dma_start3A_695 : memref<1x1x80xf32, #tpu.memory_space<hbm>> -> memref<80xf32, #tpu.memory_space<hbm>>
        %dma_start3A_697 = arith.constant 0 : i32
        %dma_start3A_698 = tpu.memref_slice %arg3[%add3A, %add3A_686, %dma_start3A_697] : memref<32x125x80xf32, #tpu.memory_space<hbm>> -> memref<1x1x80xf32, #tpu.memory_space<hbm>>
        %dma_start3A_699 = tpu.memref_squeeze %dma_start3A_698 : memref<1x1x80xf32, #tpu.memory_space<hbm>> -> memref<80xf32, #tpu.memory_space<hbm>>
        tpu.enqueue_dma source(%dma_start3A_699 : memref<80xf32, #tpu.memory_space<hbm>>) target(%arg12 : memref<80xf32, #tpu.memory_space<vmem>>) target_semaphore(%arg25 : memref<!tpu.dma_semaphore, #tpu.memory_space<semaphore_mem>>)
      } else {
      }
      %scan3A_636 = arith.constant 0 : i32
      %scan3A_637 = arith.constant 0 : i32
      %scan3A_638 = arith.constant 40 : i32
      %scan3A_639 = arith.addi %scan3A_637, %scan3A_638 : i32
      %scan3A_640 = arith.constant 1 : i32
      scf.for %scan3A_685 = %scan3A_637 to %scan3A_639 step %scan3A_640  : i32 {
        %mul3A_686 = arith.constant 2 : i32
        %mul3A_687 = arith.muli %scan3A_685, %mul3A_686 : i32
        %add3A_688 = arith.constant 0 : i32
        %add3A_689 = arith.addi %mul3A_687, %add3A_688 : i32
        %broadcast_in_dim3A_690 = vector.broadcast %add3A_689 : i32 to vector<16xi32>
        %gather3A_691 = tpu.vector_load_idx %arg14[%broadcast_in_dim3A_690] : memref<80xf32, #tpu.memory_space<vmem>>[vector<16xi32>], vector<16xf32>,
        %get3A_692 = arith.index_cast %add3A_689 : i32 to index
        %get3A_693 = arith.constant 0 : index
        %get3A_694 = tpu.vector_load %arg16[%get3A_692, %get3A_693] {strides = array<i32>} : memref<80x144xf32, #tpu.memory_space<vmem>>, vector<16xf32>,
        %mul3A_695 = arith.mulf %get3A_694, %gather3A_691 : vector<16xf32>
        %swap3A_696 = arith.index_cast %add3A_689 : i32 to index
        %swap3A_697 = arith.constant 0 : index
        %swap3A_698 = tpu.vector_load %arg16[%swap3A_696, %swap3A_697] {strides = array<i32>} : memref<80x144xf32, #tpu.memory_space<vmem>>, vector<16xf32>,
        tpu.vector_store %arg16[%swap3A_696, %swap3A_697], %mul3A_695 {strides = array<i32>} : memref<80x144xf32, #tpu.memory_space<vmem>>, vector<16xf32>,
        %get3A_699 = arith.index_cast %add3A_689 : i32 to index
        %get3A_700 = arith.constant 16 : index
        %get3A_701 = tpu.vector_load %arg16[%get3A_699, %get3A_700] {strides = array<i32>} : memref<80x144xf32, #tpu.memory_space<vmem>>, vector<16xf32>,
        %mul3A_702 = arith.mulf %get3A_701, %gather3A_691 : vector<16xf32>
        %swap3A_703 = arith.index_cast %add3A_689 : i32 to index
        %swap3A_704 = arith.constant 16 : index
        %swap3A_705 = tpu.vector_load %arg16[%swap3A_703, %swap3A_704] {strides = array<i32>} : memref<80x144xf32, #tpu.memory_space<vmem>>, vector<16xf32>,
        tpu.vector_store %arg16[%swap3A_703, %swap3A_704], %mul3A_702 {strides = array<i32>} : memref<80x144xf32, #tpu.memory_space<vmem>>, vector<16xf32>,
        %get3A_706 = arith.index_cast %add3A_689 : i32 to index
        %get3A_707 = arith.constant 32 : index
        %get3A_708 = tpu.vector_load %arg16[%get3A_706, %get3A_707] {strides = array<i32>} : memref<80x144xf32, #tpu.memory_space<vmem>>, vector<16xf32>,
        %mul3A_709 = arith.mulf %get3A_708, %gather3A_691 : vector<16xf32>
        %swap3A_710 = arith.index_cast %add3A_689 : i32 to index
        %swap3A_711 = arith.constant 32 : index
        %swap3A_712 = tpu.vector_load %arg16[%swap3A_710, %swap3A_711] {strides = array<i32>} : memref<80x144xf32, #tpu.memory_space<vmem>>, vector<16xf32>,
        tpu.vector_store %arg16[%swap3A_710, %swap3A_711], %mul3A_709 {strides = array<i32>} : memref<80x144xf32, #tpu.memory_space<vmem>>, vector<16xf32>,
        %get3A_713 = arith.index_cast %add3A_689 : i32 to index
        %get3A_714 = arith.constant 48 : index
        %get3A_715 = tpu.vector_load %arg16[%get3A_713, %get3A_714] {strides = array<i32>} : memref<80x144xf32, #tpu.memory_space<vmem>>, vector<16xf32>,
        %mul3A_716 = arith.mulf %get3A_715, %gather3A_691 : vector<16xf32>
        %swap3A_717 = arith.index_cast %add3A_689 : i32 to index
        %swap3A_718 = arith.constant 48 : index
        %swap3A_719 = tpu.vector_load %arg16[%swap3A_717, %swap3A_718] {strides = array<i32>} : memref<80x144xf32, #tpu.memory_space<vmem>>, vector<16xf32>,
        tpu.vector_store %arg16[%swap3A_717, %swap3A_718], %mul3A_716 {strides = array<i32>} : memref<80x144xf32, #tpu.memory_space<vmem>>, vector<16xf32>,
        %get3A_720 = arith.index_cast %add3A_689 : i32 to index
        %get3A_721 = arith.constant 64 : index
        %get3A_722 = tpu.vector_load %arg16[%get3A_720, %get3A_721] {strides = array<i32>} : memref<80x144xf32, #tpu.memory_space<vmem>>, vector<16xf32>,
        %mul3A_723 = arith.mulf %get3A_722, %gather3A_691 : vector<16xf32>
        %swap3A_724 = arith.index_cast %add3A_689 : i32 to index
        %swap3A_725 = arith.constant 64 : index
        %swap3A_726 = tpu.vector_load %arg16[%swap3A_724, %swap3A_725] {strides = array<i32>} : memref<80x144xf32, #tpu.memory_space<vmem>>, vector<16xf32>,
        tpu.vector_store %arg16[%swap3A_724, %swap3A_725], %mul3A_723 {strides = array<i32>} : memref<80x144xf32, #tpu.memory_space<vmem>>, vector<16xf32>,
        %get3A_727 = arith.index_cast %add3A_689 : i32 to index
        %get3A_728 = arith.constant 80 : index
        %get3A_729 = tpu.vector_load %arg16[%get3A_727, %get3A_728] {strides = array<i32>} : memref<80x144xf32, #tpu.memory_space<vmem>>, vector<16xf32>,
        %mul3A_730 = arith.mulf %get3A_729, %gather3A_691 : vector<16xf32>
        %swap3A_731 = arith.index_cast %add3A_689 : i32 to index
        %swap3A_732 = arith.constant 80 : index
        %swap3A_733 = tpu.vector_load %arg16[%swap3A_731, %swap3A_732] {strides = array<i32>} : memref<80x144xf32, #tpu.memory_space<vmem>>, vector<16xf32>,
        tpu.vector_store %arg16[%swap3A_731, %swap3A_732], %mul3A_730 {strides = array<i32>} : memref<80x144xf32, #tpu.memory_space<vmem>>, vector<16xf32>,
        %get3A_734 = arith.index_cast %add3A_689 : i32 to index
        %get3A_735 = arith.constant 96 : index
        %get3A_736 = tpu.vector_load %arg16[%get3A_734, %get3A_735] {strides = array<i32>} : memref<80x144xf32, #tpu.memory_space<vmem>>, vector<16xf32>,
        %mul3A_737 = arith.mulf %get3A_736, %gather3A_691 : vector<16xf32>
        %swap3A_738 = arith.index_cast %add3A_689 : i32 to index
        %swap3A_739 = arith.constant 96 : index
        %swap3A_740 = tpu.vector_load %arg16[%swap3A_738, %swap3A_739] {strides = array<i32>} : memref<80x144xf32, #tpu.memory_space<vmem>>, vector<16xf32>,
        tpu.vector_store %arg16[%swap3A_738, %swap3A_739], %mul3A_737 {strides = array<i32>} : memref<80x144xf32, #tpu.memory_space<vmem>>, vector<16xf32>,
        %get3A_741 = arith.index_cast %add3A_689 : i32 to index
        %get3A_742 = arith.constant 112 : index
        %get3A_743 = tpu.vector_load %arg16[%get3A_741, %get3A_742] {strides = array<i32>} : memref<80x144xf32, #tpu.memory_space<vmem>>, vector<16xf32>,
        %mul3A_744 = arith.mulf %get3A_743, %gather3A_691 : vector<16xf32>
        %swap3A_745 = arith.index_cast %add3A_689 : i32 to index
        %swap3A_746 = arith.constant 112 : index
        %swap3A_747 = tpu.vector_load %arg16[%swap3A_745, %swap3A_746] {strides = array<i32>} : memref<80x144xf32, #tpu.memory_space<vmem>>, vector<16xf32>,
        tpu.vector_store %arg16[%swap3A_745, %swap3A_746], %mul3A_744 {strides = array<i32>} : memref<80x144xf32, #tpu.memory_space<vmem>>, vector<16xf32>,
        %get3A_748 = arith.index_cast %add3A_689 : i32 to index
        %get3A_749 = arith.constant 128 : index
        %get3A_750 = tpu.vector_load %arg16[%get3A_748, %get3A_749] {strides = array<i32>} : memref<80x144xf32, #tpu.memory_space<vmem>>, vector<16xf32>,
        %mul3A_751 = arith.mulf %get3A_750, %gather3A_691 : vector<16xf32>
        %swap3A_752 = arith.index_cast %add3A_689 : i32 to index
        %swap3A_753 = arith.constant 128 : index
        %swap3A_754 = tpu.vector_load %arg16[%swap3A_752, %swap3A_753] {strides = array<i32>} : memref<80x144xf32, #tpu.memory_space<vmem>>, vector<16xf32>,
        tpu.vector_store %arg16[%swap3A_752, %swap3A_753], %mul3A_751 {strides = array<i32>} : memref<80x144xf32, #tpu.memory_space<vmem>>, vector<16xf32>,
        %mul3A_755 = arith.constant 2 : i32
        %mul3A_756 = arith.muli %scan3A_685, %mul3A_755 : i32
        %add3A_757 = arith.constant 1 : i32
        %add3A_758 = arith.addi %mul3A_756, %add3A_757 : i32
        %broadcast_in_dim3A_759 = vector.broadcast %add3A_758 : i32 to vector<16xi32>
        %gather3A_760 = tpu.vector_load_idx %arg14[%broadcast_in_dim3A_759] : memref<80xf32, #tpu.memory_space<vmem>>[vector<16xi32>], vector<16xf32>,
        %get3A_761 = arith.index_cast %add3A_758 : i32 to index
        %get3A_762 = arith.constant 0 : index
        %get3A_763 = tpu.vector_load %arg16[%get3A_761, %get3A_762] {strides = array<i32>} : memref<80x144xf32, #tpu.memory_space<vmem>>, vector<16xf32>,
        %mul3A_764 = arith.mulf %get3A_763, %gather3A_760 : vector<16xf32>
        %swap3A_765 = arith.index_cast %add3A_758 : i32 to index
        %swap3A_766 = arith.constant 0 : index
        %swap3A_767 = tpu.vector_load %arg16[%swap3A_765, %swap3A_766] {strides = array<i32>} : memref<80x144xf32, #tpu.memory_space<vmem>>, vector<16xf32>,
        tpu.vector_store %arg16[%swap3A_765, %swap3A_766], %mul3A_764 {strides = array<i32>} : memref<80x144xf32, #tpu.memory_space<vmem>>, vector<16xf32>,
        %get3A_768 = arith.index_cast %add3A_758 : i32 to index
        %get3A_769 = arith.constant 16 : index
        %get3A_770 = tpu.vector_load %arg16[%get3A_768, %get3A_769] {strides = array<i32>} : memref<80x144xf32, #tpu.memory_space<vmem>>, vector<16xf32>,
        %mul3A_771 = arith.mulf %get3A_770, %gather3A_760 : vector<16xf32>
        %swap3A_772 = arith.index_cast %add3A_758 : i32 to index
        %swap3A_773 = arith.constant 16 : index
        %swap3A_774 = tpu.vector_load %arg16[%swap3A_772, %swap3A_773] {strides = array<i32>} : memref<80x144xf32, #tpu.memory_space<vmem>>, vector<16xf32>,
        tpu.vector_store %arg16[%swap3A_772, %swap3A_773], %mul3A_771 {strides = array<i32>} : memref<80x144xf32, #tpu.memory_space<vmem>>, vector<16xf32>,
        %get3A_775 = arith.index_cast %add3A_758 : i32 to index
        %get3A_776 = arith.constant 32 : index
        %get3A_777 = tpu.vector_load %arg16[%get3A_775, %get3A_776] {strides = array<i32>} : memref<80x144xf32, #tpu.memory_space<vmem>>, vector<16xf32>,
        %mul3A_778 = arith.mulf %get3A_777, %gather3A_760 : vector<16xf32>
        %swap3A_779 = arith.index_cast %add3A_758 : i32 to index
        %swap3A_780 = arith.constant 32 : index
        %swap3A_781 = tpu.vector_load %arg16[%swap3A_779, %swap3A_780] {strides = array<i32>} : memref<80x144xf32, #tpu.memory_space<vmem>>, vector<16xf32>,
        tpu.vector_store %arg16[%swap3A_779, %swap3A_780], %mul3A_778 {strides = array<i32>} : memref<80x144xf32, #tpu.memory_space<vmem>>, vector<16xf32>,
        %get3A_782 = arith.index_cast %add3A_758 : i32 to index
        %get3A_783 = arith.constant 48 : index
        %get3A_784 = tpu.vector_load %arg16[%get3A_782, %get3A_783] {strides = array<i32>} : memref<80x144xf32, #tpu.memory_space<vmem>>, vector<16xf32>,
        %mul3A_785 = arith.mulf %get3A_784, %gather3A_760 : vector<16xf32>
        %swap3A_786 = arith.index_cast %add3A_758 : i32 to index
        %swap3A_787 = arith.constant 48 : index
        %swap3A_788 = tpu.vector_load %arg16[%swap3A_786, %swap3A_787] {strides = array<i32>} : memref<80x144xf32, #tpu.memory_space<vmem>>, vector<16xf32>,
        tpu.vector_store %arg16[%swap3A_786, %swap3A_787], %mul3A_785 {strides = array<i32>} : memref<80x144xf32, #tpu.memory_space<vmem>>, vector<16xf32>,
        %get3A_789 = arith.index_cast %add3A_758 : i32 to index
        %get3A_790 = arith.constant 64 : index
        %get3A_791 = tpu.vector_load %arg16[%get3A_789, %get3A_790] {strides = array<i32>} : memref<80x144xf32, #tpu.memory_space<vmem>>, vector<16xf32>,
        %mul3A_792 = arith.mulf %get3A_791, %gather3A_760 : vector<16xf32>
        %swap3A_793 = arith.index_cast %add3A_758 : i32 to index
        %swap3A_794 = arith.constant 64 : index
        %swap3A_795 = tpu.vector_load %arg16[%swap3A_793, %swap3A_794] {strides = array<i32>} : memref<80x144xf32, #tpu.memory_space<vmem>>, vector<16xf32>,
        tpu.vector_store %arg16[%swap3A_793, %swap3A_794], %mul3A_792 {strides = array<i32>} : memref<80x144xf32, #tpu.memory_space<vmem>>, vector<16xf32>,
        %get3A_796 = arith.index_cast %add3A_758 : i32 to index
        %get3A_797 = arith.constant 80 : index
        %get3A_798 = tpu.vector_load %arg16[%get3A_796, %get3A_797] {strides = array<i32>} : memref<80x144xf32, #tpu.memory_space<vmem>>, vector<16xf32>,
        %mul3A_799 = arith.mulf %get3A_798, %gather3A_760 : vector<16xf32>
        %swap3A_800 = arith.index_cast %add3A_758 : i32 to index
        %swap3A_801 = arith.constant 80 : index
        %swap3A_802 = tpu.vector_load %arg16[%swap3A_800, %swap3A_801] {strides = array<i32>} : memref<80x144xf32, #tpu.memory_space<vmem>>, vector<16xf32>,
        tpu.vector_store %arg16[%swap3A_800, %swap3A_801], %mul3A_799 {strides = array<i32>} : memref<80x144xf32, #tpu.memory_space<vmem>>, vector<16xf32>,
        %get3A_803 = arith.index_cast %add3A_758 : i32 to index
        %get3A_804 = arith.constant 96 : index
        %get3A_805 = tpu.vector_load %arg16[%get3A_803, %get3A_804] {strides = array<i32>} : memref<80x144xf32, #tpu.memory_space<vmem>>, vector<16xf32>,
        %mul3A_806 = arith.mulf %get3A_805, %gather3A_760 : vector<16xf32>
        %swap3A_807 = arith.index_cast %add3A_758 : i32 to index
        %swap3A_808 = arith.constant 96 : index
        %swap3A_809 = tpu.vector_load %arg16[%swap3A_807, %swap3A_808] {strides = array<i32>} : memref<80x144xf32, #tpu.memory_space<vmem>>, vector<16xf32>,
        tpu.vector_store %arg16[%swap3A_807, %swap3A_808], %mul3A_806 {strides = array<i32>} : memref<80x144xf32, #tpu.memory_space<vmem>>, vector<16xf32>,
        %get3A_810 = arith.index_cast %add3A_758 : i32 to index
        %get3A_811 = arith.constant 112 : index
        %get3A_812 = tpu.vector_load %arg16[%get3A_810, %get3A_811] {strides = array<i32>} : memref<80x144xf32, #tpu.memory_space<vmem>>, vector<16xf32>,
        %mul3A_813 = arith.mulf %get3A_812, %gather3A_760 : vector<16xf32>
        %swap3A_814 = arith.index_cast %add3A_758 : i32 to index
        %swap3A_815 = arith.constant 112 : index
        %swap3A_816 = tpu.vector_load %arg16[%swap3A_814, %swap3A_815] {strides = array<i32>} : memref<80x144xf32, #tpu.memory_space<vmem>>, vector<16xf32>,
        tpu.vector_store %arg16[%swap3A_814, %swap3A_815], %mul3A_813 {strides = array<i32>} : memref<80x144xf32, #tpu.memory_space<vmem>>, vector<16xf32>,
        %get3A_817 = arith.index_cast %add3A_758 : i32 to index
        %get3A_818 = arith.constant 128 : index
        %get3A_819 = tpu.vector_load %arg16[%get3A_817, %get3A_818] {strides = array<i32>} : memref<80x144xf32, #tpu.memory_space<vmem>>, vector<16xf32>,
        %mul3A_820 = arith.mulf %get3A_819, %gather3A_760 : vector<16xf32>
        %swap3A_821 = arith.index_cast %add3A_758 : i32 to index
        %swap3A_822 = arith.constant 128 : index
        %swap3A_823 = tpu.vector_load %arg16[%swap3A_821, %swap3A_822] {strides = array<i32>} : memref<80x144xf32, #tpu.memory_space<vmem>>, vector<16xf32>,
        tpu.vector_store %arg16[%swap3A_821, %swap3A_822], %mul3A_820 {strides = array<i32>} : memref<80x144xf32, #tpu.memory_space<vmem>>, vector<16xf32>,
      }
      %scan3A_641 = arith.constant 40 : i32
      %dma_start3A_642 = arith.constant 0 : i32
      %dma_start3A_643 = arith.constant 0 : i32
      %dma_start3A_644 = tpu.memref_slice %arg17[%dma_start3A_642, %dma_start3A_643] : memref<10240x144xf32, #tpu.memory_space<vmem_shared>> -> memref<10240x144xf32, #tpu.memory_space<vmem_shared>>
      tpu.enqueue_indirect_dma source(%arg16 : memref<80x144xf32, #tpu.memory_space<vmem>>) target(%dma_start3A_644 : memref<10240x144xf32, #tpu.memory_space<vmem_shared>>) offsets(%arg8 : memref<80xi32, #tpu.memory_space<vmem>>) semaphore(%arg21 : memref<!tpu.dma_semaphore, #tpu.memory_space<semaphore_mem>>) {add = true}
      %dma_wait3A_645 = arith.constant 0 : i32
      %dma_wait3A_646 = arith.constant 0 : i32
      %dma_wait3A_647 = tpu.memref_slice %arg17[%dma_wait3A_645, %dma_wait3A_646] : memref<10240x144xf32, #tpu.memory_space<vmem_shared>> -> memref<10240x144xf32, #tpu.memory_space<vmem_shared>>
      tpu.wait_indirect_dma semaphore(%arg20 : memref<!tpu.dma_semaphore, #tpu.memory_space<semaphore_mem>>) src(%arg15 : memref<80x144xf32, #tpu.memory_space<vmem>>) dst(%dma_wait3A_647 : memref<10240x144xf32, #tpu.memory_space<vmem_shared>>)
      %add3A_648 = arith.constant 2 : i32
      %add3A_649 = arith.addi %mul3A_359, %add3A_648 : i32
      %dma_start3A_650 = arith.constant 0 : i32
      %dma_start3A_651 = arith.constant 0 : i32
      %dma_start3A_652 = tpu.memref_slice %arg2[%dma_start3A_650, %add3A, %add3A_649, %dma_start3A_651] : memref<2x32x125x80xi32, #tpu.memory_space<hbm>> -> memref<1x1x1x80xi32, #tpu.memory_space<hbm>>
      %dma_start3A_653 = tpu.memref_squeeze %dma_start3A_652 : memref<1x1x1x80xi32, #tpu.memory_space<hbm>> -> memref<80xi32, #tpu.memory_space<hbm>>
      %dma_start3A_654 = arith.constant 0 : i32
      %dma_start3A_655 = tpu.memref_slice %arg2[%dma_start3A_650, %add3A, %add3A_649, %dma_start3A_654] : memref<2x32x125x80xi32, #tpu.memory_space<hbm>> -> memref<1x1x1x80xi32, #tpu.memory_space<hbm>>
      %dma_start3A_656 = tpu.memref_squeeze %dma_start3A_655 : memref<1x1x1x80xi32, #tpu.memory_space<hbm>> -> memref<80xi32, #tpu.memory_space<hbm>>
      tpu.enqueue_dma source(%dma_start3A_656 : memref<80xi32, #tpu.memory_space<hbm>>) target(%arg7 : memref<80xi32, #tpu.memory_space<vmem>>) target_semaphore(%arg22 : memref<!tpu.dma_semaphore, #tpu.memory_space<semaphore_mem>>)
      %add3A_657 = arith.constant 2 : i32
      %add3A_658 = arith.addi %mul3A_359, %add3A_657 : i32
      %dma_wait3A_659 = arith.constant 1 : i32
      %dma_wait3A_660 = arith.constant 0 : i32
      %dma_wait3A_661 = tpu.memref_slice %arg2[%dma_wait3A_659, %add3A, %add3A_658, %dma_wait3A_660] : memref<2x32x125x80xi32, #tpu.memory_space<hbm>> -> memref<1x1x1x80xi32, #tpu.memory_space<hbm>>
      %dma_wait3A_662 = tpu.memref_squeeze %dma_wait3A_661 : memref<1x1x1x80xi32, #tpu.memory_space<hbm>> -> memref<80xi32, #tpu.memory_space<hbm>>
      %dma_wait3A_663 = arith.constant 0 : i32
      %dma_wait3A_664 = tpu.memref_slice %arg2[%dma_wait3A_659, %add3A, %add3A_658, %dma_wait3A_663] : memref<2x32x125x80xi32, #tpu.memory_space<hbm>> -> memref<1x1x1x80xi32, #tpu.memory_space<hbm>>
      %dma_wait3A_665 = tpu.memref_squeeze %dma_wait3A_664 : memref<1x1x1x80xi32, #tpu.memory_space<hbm>> -> memref<80xi32, #tpu.memory_space<hbm>>
      tpu.wait_dma2 semaphore(%arg24 : memref<!tpu.dma_semaphore, #tpu.memory_space<semaphore_mem>>) src(%dma_wait3A_665 : memref<80xi32, #tpu.memory_space<hbm>>) dst(%arg9 : memref<80xi32, #tpu.memory_space<vmem>>)
      %dma_wait3A_666 = arith.constant 0 : i32
      %dma_wait3A_667 = tpu.memref_slice %arg3[%add3A, %add3A_658, %dma_wait3A_666] : memref<32x125x80xf32, #tpu.memory_space<hbm>> -> memref<1x1x80xf32, #tpu.memory_space<hbm>>
      %dma_wait3A_668 = tpu.memref_squeeze %dma_wait3A_667 : memref<1x1x80xf32, #tpu.memory_space<hbm>> -> memref<80xf32, #tpu.memory_space<hbm>>
      %dma_wait3A_669 = arith.constant 0 : i32
      %dma_wait3A_670 = tpu.memref_slice %arg3[%add3A, %add3A_658, %dma_wait3A_669] : memref<32x125x80xf32, #tpu.memory_space<hbm>> -> memref<1x1x80xf32, #tpu.memory_space<hbm>>
      %dma_wait3A_671 = tpu.memref_squeeze %dma_wait3A_670 : memref<1x1x80xf32, #tpu.memory_space<hbm>> -> memref<80xf32, #tpu.memory_space<hbm>>
      tpu.wait_dma2 semaphore(%arg24 : memref<!tpu.dma_semaphore, #tpu.memory_space<semaphore_mem>>) src(%dma_wait3A_671 : memref<80xf32, #tpu.memory_space<hbm>>) dst(%arg11 : memref<80xf32, #tpu.memory_space<vmem>>)
      %dma_start3A_672 = arith.constant 0 : i32
      %dma_start3A_673 = arith.constant 0 : i32
      %dma_start3A_674 = tpu.memref_slice %arg5[%dma_start3A_672, %dma_start3A_673] : memref<10000x144xf32, #tpu.memory_space<hbm>> -> memref<10000x144xf32, #tpu.memory_space<hbm>>
      tpu.enqueue_indirect_dma source(%dma_start3A_674 : memref<10000x144xf32, #tpu.memory_space<hbm>>) target(%arg15 : memref<80x144xf32, #tpu.memory_space<vmem>>) offsets(%arg9 : memref<80xi32, #tpu.memory_space<vmem>>) semaphore(%arg18 : memref<!tpu.dma_semaphore, #tpu.memory_space<semaphore_mem>>)
      %dma_wait3A_675 = arith.constant 0 : i32
      %dma_wait3A_676 = arith.constant 0 : i32
      %dma_wait3A_677 = tpu.memref_slice %arg17[%dma_wait3A_675, %dma_wait3A_676] : memref<10240x144xf32, #tpu.memory_space<vmem_shared>> -> memref<10240x144xf32, #tpu.memory_space<vmem_shared>>
      tpu.wait_indirect_dma semaphore(%arg21 : memref<!tpu.dma_semaphore, #tpu.memory_space<semaphore_mem>>) src(%arg16 : memref<80x144xf32, #tpu.memory_space<vmem>>) dst(%dma_wait3A_677 : memref<10240x144xf32, #tpu.memory_space<vmem_shared>>)
      %add3A_678 = arith.constant 3 : i32
      %add3A_679 = arith.addi %mul3A_359, %add3A_678 : i32
      %lt3A_680 = arith.constant 125 : i32
      %lt3A_681 = arith.cmpi slt, %add3A_679, %lt3A_680 : i32
      %convert_element_type3A_682 = arith.extui %lt3A_681 : i1 to i32
      %cond3A_683 = arith.constant 0 : i32
      %cond3A_684 = arith.cmpi ne, %convert_element_type3A_682, %cond3A_683 : i32
      scf.if %cond3A_684 {
        %add3A_685 = arith.constant 3 : i32
        %add3A_686 = arith.addi %mul3A_359, %add3A_685 : i32
        %dma_start3A_687 = arith.constant 0 : i32
        %dma_start3A_688 = arith.constant 0 : i32
        %dma_start3A_689 = tpu.memref_slice %arg2[%dma_start3A_687, %add3A, %add3A_686, %dma_start3A_688] : memref<2x32x125x80xi32, #tpu.memory_space<hbm>> -> memref<1x1x1x80xi32, #tpu.memory_space<hbm>>
        %dma_start3A_690 = tpu.memref_squeeze %dma_start3A_689 : memref<1x1x1x80xi32, #tpu.memory_space<hbm>> -> memref<80xi32, #tpu.memory_space<hbm>>
        %dma_start3A_691 = arith.constant 0 : i32
        %dma_start3A_692 = tpu.memref_slice %arg2[%dma_start3A_687, %add3A, %add3A_686, %dma_start3A_691] : memref<2x32x125x80xi32, #tpu.memory_space<hbm>> -> memref<1x1x1x80xi32, #tpu.memory_space<hbm>>
        %dma_start3A_693 = tpu.memref_squeeze %dma_start3A_692 : memref<1x1x1x80xi32, #tpu.memory_space<hbm>> -> memref<80xi32, #tpu.memory_space<hbm>>
        tpu.enqueue_dma source(%dma_start3A_693 : memref<80xi32, #tpu.memory_space<hbm>>) target(%arg8 : memref<80xi32, #tpu.memory_space<vmem>>) target_semaphore(%arg23 : memref<!tpu.dma_semaphore, #tpu.memory_space<semaphore_mem>>)
        %add3A_694 = arith.constant 3 : i32
        %add3A_695 = arith.addi %mul3A_359, %add3A_694 : i32
        %dma_wait3A_696 = arith.constant 1 : i32
        %dma_wait3A_697 = arith.constant 0 : i32
        %dma_wait3A_698 = tpu.memref_slice %arg2[%dma_wait3A_696, %add3A, %add3A_695, %dma_wait3A_697] : memref<2x32x125x80xi32, #tpu.memory_space<hbm>> -> memref<1x1x1x80xi32, #tpu.memory_space<hbm>>
        %dma_wait3A_699 = tpu.memref_squeeze %dma_wait3A_698 : memref<1x1x1x80xi32, #tpu.memory_space<hbm>> -> memref<80xi32, #tpu.memory_space<hbm>>
        %dma_wait3A_700 = arith.constant 0 : i32
        %dma_wait3A_701 = tpu.memref_slice %arg2[%dma_wait3A_696, %add3A, %add3A_695, %dma_wait3A_700] : memref<2x32x125x80xi32, #tpu.memory_space<hbm>> -> memref<1x1x1x80xi32, #tpu.memory_space<hbm>>
        %dma_wait3A_702 = tpu.memref_squeeze %dma_wait3A_701 : memref<1x1x1x80xi32, #tpu.memory_space<hbm>> -> memref<80xi32, #tpu.memory_space<hbm>>
        tpu.wait_dma2 semaphore(%arg25 : memref<!tpu.dma_semaphore, #tpu.memory_space<semaphore_mem>>) src(%dma_wait3A_702 : memref<80xi32, #tpu.memory_space<hbm>>) dst(%arg10 : memref<80xi32, #tpu.memory_space<vmem>>)
        %dma_wait3A_703 = arith.constant 0 : i32
        %dma_wait3A_704 = tpu.memref_slice %arg3[%add3A, %add3A_695, %dma_wait3A_703] : memref<32x125x80xf32, #tpu.memory_space<hbm>> -> memref<1x1x80xf32, #tpu.memory_space<hbm>>
        %dma_wait3A_705 = tpu.memref_squeeze %dma_wait3A_704 : memref<1x1x80xf32, #tpu.memory_space<hbm>> -> memref<80xf32, #tpu.memory_space<hbm>>
        %dma_wait3A_706 = arith.constant 0 : i32
        %dma_wait3A_707 = tpu.memref_slice %arg3[%add3A, %add3A_695, %dma_wait3A_706] : memref<32x125x80xf32, #tpu.memory_space<hbm>> -> memref<1x1x80xf32, #tpu.memory_space<hbm>>
        %dma_wait3A_708 = tpu.memref_squeeze %dma_wait3A_707 : memref<1x1x80xf32, #tpu.memory_space<hbm>> -> memref<80xf32, #tpu.memory_space<hbm>>
        tpu.wait_dma2 semaphore(%arg25 : memref<!tpu.dma_semaphore, #tpu.memory_space<semaphore_mem>>) src(%dma_wait3A_708 : memref<80xf32, #tpu.memory_space<hbm>>) dst(%arg12 : memref<80xf32, #tpu.memory_space<vmem>>)
        %dma_start3A_709 = arith.constant 0 : i32
        %dma_start3A_710 = arith.constant 0 : i32
        %dma_start3A_711 = tpu.memref_slice %arg5[%dma_start3A_709, %dma_start3A_710] : memref<10000x144xf32, #tpu.memory_space<hbm>> -> memref<10000x144xf32, #tpu.memory_space<hbm>>
        tpu.enqueue_indirect_dma source(%dma_start3A_711 : memref<10000x144xf32, #tpu.memory_space<hbm>>) target(%arg16 : memref<80x144xf32, #tpu.memory_space<vmem>>) offsets(%arg10 : memref<80xi32, #tpu.memory_space<vmem>>) semaphore(%arg19 : memref<!tpu.dma_semaphore, #tpu.memory_space<semaphore_mem>>)
      } else {
      }
    }
    %scan3A_219 = arith.constant 62 : i32
    %dma_wait3A_220 = arith.constant 0 : i32
    %dma_wait3A_221 = arith.constant 124 : i32
    %dma_wait3A_222 = arith.constant 0 : i32
    %dma_wait3A_223 = tpu.memref_slice %arg2[%dma_wait3A_220, %add3A, %dma_wait3A_221, %dma_wait3A_222] : memref<2x32x125x80xi32, #tpu.memory_space<hbm>> -> memref<1x1x1x80xi32, #tpu.memory_space<hbm>>
    %dma_wait3A_224 = tpu.memref_squeeze %dma_wait3A_223 : memref<1x1x1x80xi32, #tpu.memory_space<hbm>> -> memref<80xi32, #tpu.memory_space<hbm>>
    %dma_wait3A_225 = arith.constant 0 : i32
    %dma_wait3A_226 = tpu.memref_slice %arg2[%dma_wait3A_220, %add3A, %dma_wait3A_221, %dma_wait3A_225] : memref<2x32x125x80xi32, #tpu.memory_space<hbm>> -> memref<1x1x1x80xi32, #tpu.memory_space<hbm>>
    %dma_wait3A_227 = tpu.memref_squeeze %dma_wait3A_226 : memref<1x1x1x80xi32, #tpu.memory_space<hbm>> -> memref<80xi32, #tpu.memory_space<hbm>>
    tpu.wait_dma2 semaphore(%arg22 : memref<!tpu.dma_semaphore, #tpu.memory_space<semaphore_mem>>) src(%dma_wait3A_227 : memref<80xi32, #tpu.memory_space<hbm>>) dst(%arg7 : memref<80xi32, #tpu.memory_space<vmem>>)
    %dma_wait3A_228 = arith.constant 0 : i32
    %dma_wait3A_229 = arith.constant 0 : i32
    %dma_wait3A_230 = tpu.memref_slice %arg5[%dma_wait3A_228, %dma_wait3A_229] : memref<10000x144xf32, #tpu.memory_space<hbm>> -> memref<10000x144xf32, #tpu.memory_space<hbm>>
    tpu.wait_indirect_dma semaphore(%arg18 : memref<!tpu.dma_semaphore, #tpu.memory_space<semaphore_mem>>) src(%dma_wait3A_230 : memref<10000x144xf32, #tpu.memory_space<hbm>>) dst(%arg15 : memref<80x144xf32, #tpu.memory_space<vmem>>)
    %broadcast_in_dim3A = arith.constant 129 : i32
    %broadcast_in_dim3A_231 = vector.broadcast %broadcast_in_dim3A : i32 to vector<16xi32>
    %get3A = arith.constant 0 : index
    %get3A_232 = tpu.vector_load %arg7[%get3A] {strides = array<i32>} : memref<80xi32, #tpu.memory_space<vmem>>, vector<16xi32>,
    %get3A_233 = arith.constant 0 : index
    %get3A_234 = tpu.vector_load %arg11[%get3A_233] {strides = array<i32>} : memref<80xf32, #tpu.memory_space<vmem>>, vector<16xf32>,
    %iota3A = tpu.iota {dimensions = array<i32: 0>} : vector<16xi32>
    %add3A_235 = arith.constant 0 : i32
    %add3A_236 = vector.broadcast %add3A_235 : i32 to vector<16xi32>
    %add3A_237 = arith.addi %iota3A, %add3A_236 : vector<16xi32>
    %gather3A = tpu.vector_load_idx %arg13[%get3A_232] : memref<10000xf32, #tpu.memory_space<vmem>>[vector<16xi32>], vector<16xf32>,
    %gather3A_238 = tpu.vector_load_idx %arg15[%add3A_237, %broadcast_in_dim3A_231] : memref<80x144xf32, #tpu.memory_space<vmem>>[vector<16xi32>, vector<16xi32>], vector<16xf32>,
    %mul3A_239 = arith.mulf %get3A_234, %gather3A : vector<16xf32>
    %mul3A_240 = arith.mulf %get3A_234, %gather3A_238 : vector<16xf32>
    %add3A_241 = arith.addf %mul3A_239, %mul3A_240 : vector<16xf32>
    %ge3A = arith.constant 0.000000e+00 : f32
    %ge3A_242 = vector.broadcast %ge3A : f32 to vector<16xf32>
    %ge3A_243 = arith.cmpf oge, %add3A_241, %ge3A_242 : vector<16xf32>
    %mul3A_244 = arith.constant 2.000000e-01 : f32
    %mul3A_245 = vector.broadcast %mul3A_244 : f32 to vector<16xf32>
    %mul3A_246 = arith.mulf %mul3A_245, %add3A_241 : vector<16xf32>
    %select_n3A = arith.select %ge3A_243, %add3A_241, %mul3A_246 : vector<16xi1>, vector<16xf32>
    %exp3A = math.exp %select_n3A : vector<16xf32>
    %swap3A = arith.constant 0 : index
    %swap3A_247 = tpu.vector_load %arg14[%swap3A] {strides = array<i32>} : memref<80xf32, #tpu.memory_space<vmem>>, vector<16xf32>,
    tpu.vector_store %arg14[%swap3A], %exp3A {strides = array<i32>} : memref<80xf32, #tpu.memory_space<vmem>>, vector<16xf32>,
    %get3A_248 = arith.constant 16 : index
    %get3A_249 = tpu.vector_load %arg7[%get3A_248] {strides = array<i32>} : memref<80xi32, #tpu.memory_space<vmem>>, vector<16xi32>,
    %get3A_250 = arith.constant 16 : index
    %get3A_251 = tpu.vector_load %arg11[%get3A_250] {strides = array<i32>} : memref<80xf32, #tpu.memory_space<vmem>>, vector<16xf32>,
    %iota3A_252 = tpu.iota {dimensions = array<i32: 0>} : vector<16xi32>
    %add3A_253 = arith.constant 16 : i32
    %add3A_254 = vector.broadcast %add3A_253 : i32 to vector<16xi32>
    %add3A_255 = arith.addi %iota3A_252, %add3A_254 : vector<16xi32>
    %gather3A_256 = tpu.vector_load_idx %arg13[%get3A_249] : memref<10000xf32, #tpu.memory_space<vmem>>[vector<16xi32>], vector<16xf32>,
    %gather3A_257 = tpu.vector_load_idx %arg15[%add3A_255, %broadcast_in_dim3A_231] : memref<80x144xf32, #tpu.memory_space<vmem>>[vector<16xi32>, vector<16xi32>], vector<16xf32>,
    %mul3A_258 = arith.mulf %get3A_251, %gather3A_256 : vector<16xf32>
    %mul3A_259 = arith.mulf %get3A_251, %gather3A_257 : vector<16xf32>
    %add3A_260 = arith.addf %mul3A_258, %mul3A_259 : vector<16xf32>
    %ge3A_261 = arith.constant 0.000000e+00 : f32
    %ge3A_262 = vector.broadcast %ge3A_261 : f32 to vector<16xf32>
    %ge3A_263 = arith.cmpf oge, %add3A_260, %ge3A_262 : vector<16xf32>
    %mul3A_264 = arith.constant 2.000000e-01 : f32
    %mul3A_265 = vector.broadcast %mul3A_264 : f32 to vector<16xf32>
    %mul3A_266 = arith.mulf %mul3A_265, %add3A_260 : vector<16xf32>
    %select_n3A_267 = arith.select %ge3A_263, %add3A_260, %mul3A_266 : vector<16xi1>, vector<16xf32>
    %exp3A_268 = math.exp %select_n3A_267 : vector<16xf32>
    %swap3A_269 = arith.constant 16 : index
    %swap3A_270 = tpu.vector_load %arg14[%swap3A_269] {strides = array<i32>} : memref<80xf32, #tpu.memory_space<vmem>>, vector<16xf32>,
    tpu.vector_store %arg14[%swap3A_269], %exp3A_268 {strides = array<i32>} : memref<80xf32, #tpu.memory_space<vmem>>, vector<16xf32>,
    %get3A_271 = arith.constant 32 : index
    %get3A_272 = tpu.vector_load %arg7[%get3A_271] {strides = array<i32>} : memref<80xi32, #tpu.memory_space<vmem>>, vector<16xi32>,
    %get3A_273 = arith.constant 32 : index
    %get3A_274 = tpu.vector_load %arg11[%get3A_273] {strides = array<i32>} : memref<80xf32, #tpu.memory_space<vmem>>, vector<16xf32>,
    %iota3A_275 = tpu.iota {dimensions = array<i32: 0>} : vector<16xi32>
    %add3A_276 = arith.constant 32 : i32
    %add3A_277 = vector.broadcast %add3A_276 : i32 to vector<16xi32>
    %add3A_278 = arith.addi %iota3A_275, %add3A_277 : vector<16xi32>
    %gather3A_279 = tpu.vector_load_idx %arg13[%get3A_272] : memref<10000xf32, #tpu.memory_space<vmem>>[vector<16xi32>], vector<16xf32>,
    %gather3A_280 = tpu.vector_load_idx %arg15[%add3A_278, %broadcast_in_dim3A_231] : memref<80x144xf32, #tpu.memory_space<vmem>>[vector<16xi32>, vector<16xi32>], vector<16xf32>,
    %mul3A_281 = arith.mulf %get3A_274, %gather3A_279 : vector<16xf32>
    %mul3A_282 = arith.mulf %get3A_274, %gather3A_280 : vector<16xf32>
    %add3A_283 = arith.addf %mul3A_281, %mul3A_282 : vector<16xf32>
    %ge3A_284 = arith.constant 0.000000e+00 : f32
    %ge3A_285 = vector.broadcast %ge3A_284 : f32 to vector<16xf32>
    %ge3A_286 = arith.cmpf oge, %add3A_283, %ge3A_285 : vector<16xf32>
    %mul3A_287 = arith.constant 2.000000e-01 : f32
    %mul3A_288 = vector.broadcast %mul3A_287 : f32 to vector<16xf32>
    %mul3A_289 = arith.mulf %mul3A_288, %add3A_283 : vector<16xf32>
    %select_n3A_290 = arith.select %ge3A_286, %add3A_283, %mul3A_289 : vector<16xi1>, vector<16xf32>
    %exp3A_291 = math.exp %select_n3A_290 : vector<16xf32>
    %swap3A_292 = arith.constant 32 : index
    %swap3A_293 = tpu.vector_load %arg14[%swap3A_292] {strides = array<i32>} : memref<80xf32, #tpu.memory_space<vmem>>, vector<16xf32>,
    tpu.vector_store %arg14[%swap3A_292], %exp3A_291 {strides = array<i32>} : memref<80xf32, #tpu.memory_space<vmem>>, vector<16xf32>,
    %get3A_294 = arith.constant 48 : index
    %get3A_295 = tpu.vector_load %arg7[%get3A_294] {strides = array<i32>} : memref<80xi32, #tpu.memory_space<vmem>>, vector<16xi32>,
    %get3A_296 = arith.constant 48 : index
    %get3A_297 = tpu.vector_load %arg11[%get3A_296] {strides = array<i32>} : memref<80xf32, #tpu.memory_space<vmem>>, vector<16xf32>,
    %iota3A_298 = tpu.iota {dimensions = array<i32: 0>} : vector<16xi32>
    %add3A_299 = arith.constant 48 : i32
    %add3A_300 = vector.broadcast %add3A_299 : i32 to vector<16xi32>
    %add3A_301 = arith.addi %iota3A_298, %add3A_300 : vector<16xi32>
    %gather3A_302 = tpu.vector_load_idx %arg13[%get3A_295] : memref<10000xf32, #tpu.memory_space<vmem>>[vector<16xi32>], vector<16xf32>,
    %gather3A_303 = tpu.vector_load_idx %arg15[%add3A_301, %broadcast_in_dim3A_231] : memref<80x144xf32, #tpu.memory_space<vmem>>[vector<16xi32>, vector<16xi32>], vector<16xf32>,
    %mul3A_304 = arith.mulf %get3A_297, %gather3A_302 : vector<16xf32>
    %mul3A_305 = arith.mulf %get3A_297, %gather3A_303 : vector<16xf32>
    %add3A_306 = arith.addf %mul3A_304, %mul3A_305 : vector<16xf32>
    %ge3A_307 = arith.constant 0.000000e+00 : f32
    %ge3A_308 = vector.broadcast %ge3A_307 : f32 to vector<16xf32>
    %ge3A_309 = arith.cmpf oge, %add3A_306, %ge3A_308 : vector<16xf32>
    %mul3A_310 = arith.constant 2.000000e-01 : f32
    %mul3A_311 = vector.broadcast %mul3A_310 : f32 to vector<16xf32>
    %mul3A_312 = arith.mulf %mul3A_311, %add3A_306 : vector<16xf32>
    %select_n3A_313 = arith.select %ge3A_309, %add3A_306, %mul3A_312 : vector<16xi1>, vector<16xf32>
    %exp3A_314 = math.exp %select_n3A_313 : vector<16xf32>
    %swap3A_315 = arith.constant 48 : index
    %swap3A_316 = tpu.vector_load %arg14[%swap3A_315] {strides = array<i32>} : memref<80xf32, #tpu.memory_space<vmem>>, vector<16xf32>,
    tpu.vector_store %arg14[%swap3A_315], %exp3A_314 {strides = array<i32>} : memref<80xf32, #tpu.memory_space<vmem>>, vector<16xf32>,
    %get3A_317 = arith.constant 64 : index
    %get3A_318 = tpu.vector_load %arg7[%get3A_317] {strides = array<i32>} : memref<80xi32, #tpu.memory_space<vmem>>, vector<16xi32>,
    %get3A_319 = arith.constant 64 : index
    %get3A_320 = tpu.vector_load %arg11[%get3A_319] {strides = array<i32>} : memref<80xf32, #tpu.memory_space<vmem>>, vector<16xf32>,
    %iota3A_321 = tpu.iota {dimensions = array<i32: 0>} : vector<16xi32>
    %add3A_322 = arith.constant 64 : i32
    %add3A_323 = vector.broadcast %add3A_322 : i32 to vector<16xi32>
    %add3A_324 = arith.addi %iota3A_321, %add3A_323 : vector<16xi32>
    %gather3A_325 = tpu.vector_load_idx %arg13[%get3A_318] : memref<10000xf32, #tpu.memory_space<vmem>>[vector<16xi32>], vector<16xf32>,
    %gather3A_326 = tpu.vector_load_idx %arg15[%add3A_324, %broadcast_in_dim3A_231] : memref<80x144xf32, #tpu.memory_space<vmem>>[vector<16xi32>, vector<16xi32>], vector<16xf32>,
    %mul3A_327 = arith.mulf %get3A_320, %gather3A_325 : vector<16xf32>
    %mul3A_328 = arith.mulf %get3A_320, %gather3A_326 : vector<16xf32>
    %add3A_329 = arith.addf %mul3A_327, %mul3A_328 : vector<16xf32>
    %ge3A_330 = arith.constant 0.000000e+00 : f32
    %ge3A_331 = vector.broadcast %ge3A_330 : f32 to vector<16xf32>
    %ge3A_332 = arith.cmpf oge, %add3A_329, %ge3A_331 : vector<16xf32>
    %mul3A_333 = arith.constant 2.000000e-01 : f32
    %mul3A_334 = vector.broadcast %mul3A_333 : f32 to vector<16xf32>
    %mul3A_335 = arith.mulf %mul3A_334, %add3A_329 : vector<16xf32>
    %select_n3A_336 = arith.select %ge3A_332, %add3A_329, %mul3A_335 : vector<16xi1>, vector<16xf32>
    %exp3A_337 = math.exp %select_n3A_336 : vector<16xf32>
    %swap3A_338 = arith.constant 64 : index
    %swap3A_339 = tpu.vector_load %arg14[%swap3A_338] {strides = array<i32>} : memref<80xf32, #tpu.memory_space<vmem>>, vector<16xf32>,
    tpu.vector_store %arg14[%swap3A_338], %exp3A_337 {strides = array<i32>} : memref<80xf32, #tpu.memory_space<vmem>>, vector<16xf32>,
    %scan3A_340 = arith.constant 0 : i32
    %scan3A_341 = arith.constant 0 : i32
    %scan3A_342 = arith.constant 40 : i32
    %scan3A_343 = arith.addi %scan3A_341, %scan3A_342 : i32
    %scan3A_344 = arith.constant 1 : i32
    scf.for %scan3A_357 = %scan3A_341 to %scan3A_343 step %scan3A_344  : i32 {
      %mul3A_358 = arith.constant 2 : i32
      %mul3A_359 = arith.muli %scan3A_357, %mul3A_358 : i32
      %add3A_360 = arith.constant 0 : i32
      %add3A_361 = arith.addi %mul3A_359, %add3A_360 : i32
      %broadcast_in_dim3A_362 = vector.broadcast %add3A_361 : i32 to vector<16xi32>
      %gather3A_363 = tpu.vector_load_idx %arg14[%broadcast_in_dim3A_362] : memref<80xf32, #tpu.memory_space<vmem>>[vector<16xi32>], vector<16xf32>,
      %get3A_364 = arith.index_cast %add3A_361 : i32 to index
      %get3A_365 = arith.constant 0 : index
      %get3A_366 = tpu.vector_load %arg15[%get3A_364, %get3A_365] {strides = array<i32>} : memref<80x144xf32, #tpu.memory_space<vmem>>, vector<16xf32>,
      %mul3A_367 = arith.mulf %get3A_366, %gather3A_363 : vector<16xf32>
      %swap3A_368 = arith.index_cast %add3A_361 : i32 to index
      %swap3A_369 = arith.constant 0 : index
      %swap3A_370 = tpu.vector_load %arg15[%swap3A_368, %swap3A_369] {strides = array<i32>} : memref<80x144xf32, #tpu.memory_space<vmem>>, vector<16xf32>,
      tpu.vector_store %arg15[%swap3A_368, %swap3A_369], %mul3A_367 {strides = array<i32>} : memref<80x144xf32, #tpu.memory_space<vmem>>, vector<16xf32>,
      %get3A_371 = arith.index_cast %add3A_361 : i32 to index
      %get3A_372 = arith.constant 16 : index
      %get3A_373 = tpu.vector_load %arg15[%get3A_371, %get3A_372] {strides = array<i32>} : memref<80x144xf32, #tpu.memory_space<vmem>>, vector<16xf32>,
      %mul3A_374 = arith.mulf %get3A_373, %gather3A_363 : vector<16xf32>
      %swap3A_375 = arith.index_cast %add3A_361 : i32 to index
      %swap3A_376 = arith.constant 16 : index
      %swap3A_377 = tpu.vector_load %arg15[%swap3A_375, %swap3A_376] {strides = array<i32>} : memref<80x144xf32, #tpu.memory_space<vmem>>, vector<16xf32>,
      tpu.vector_store %arg15[%swap3A_375, %swap3A_376], %mul3A_374 {strides = array<i32>} : memref<80x144xf32, #tpu.memory_space<vmem>>, vector<16xf32>,
      %get3A_378 = arith.index_cast %add3A_361 : i32 to index
      %get3A_379 = arith.constant 32 : index
      %get3A_380 = tpu.vector_load %arg15[%get3A_378, %get3A_379] {strides = array<i32>} : memref<80x144xf32, #tpu.memory_space<vmem>>, vector<16xf32>,
      %mul3A_381 = arith.mulf %get3A_380, %gather3A_363 : vector<16xf32>
      %swap3A_382 = arith.index_cast %add3A_361 : i32 to index
      %swap3A_383 = arith.constant 32 : index
      %swap3A_384 = tpu.vector_load %arg15[%swap3A_382, %swap3A_383] {strides = array<i32>} : memref<80x144xf32, #tpu.memory_space<vmem>>, vector<16xf32>,
      tpu.vector_store %arg15[%swap3A_382, %swap3A_383], %mul3A_381 {strides = array<i32>} : memref<80x144xf32, #tpu.memory_space<vmem>>, vector<16xf32>,
      %get3A_385 = arith.index_cast %add3A_361 : i32 to index
      %get3A_386 = arith.constant 48 : index
      %get3A_387 = tpu.vector_load %arg15[%get3A_385, %get3A_386] {strides = array<i32>} : memref<80x144xf32, #tpu.memory_space<vmem>>, vector<16xf32>,
      %mul3A_388 = arith.mulf %get3A_387, %gather3A_363 : vector<16xf32>
      %swap3A_389 = arith.index_cast %add3A_361 : i32 to index
      %swap3A_390 = arith.constant 48 : index
      %swap3A_391 = tpu.vector_load %arg15[%swap3A_389, %swap3A_390] {strides = array<i32>} : memref<80x144xf32, #tpu.memory_space<vmem>>, vector<16xf32>,
      tpu.vector_store %arg15[%swap3A_389, %swap3A_390], %mul3A_388 {strides = array<i32>} : memref<80x144xf32, #tpu.memory_space<vmem>>, vector<16xf32>,
      %get3A_392 = arith.index_cast %add3A_361 : i32 to index
      %get3A_393 = arith.constant 64 : index
      %get3A_394 = tpu.vector_load %arg15[%get3A_392, %get3A_393] {strides = array<i32>} : memref<80x144xf32, #tpu.memory_space<vmem>>, vector<16xf32>,
      %mul3A_395 = arith.mulf %get3A_394, %gather3A_363 : vector<16xf32>
      %swap3A_396 = arith.index_cast %add3A_361 : i32 to index
      %swap3A_397 = arith.constant 64 : index
      %swap3A_398 = tpu.vector_load %arg15[%swap3A_396, %swap3A_397] {strides = array<i32>} : memref<80x144xf32, #tpu.memory_space<vmem>>, vector<16xf32>,
      tpu.vector_store %arg15[%swap3A_396, %swap3A_397], %mul3A_395 {strides = array<i32>} : memref<80x144xf32, #tpu.memory_space<vmem>>, vector<16xf32>,
      %get3A_399 = arith.index_cast %add3A_361 : i32 to index
      %get3A_400 = arith.constant 80 : index
      %get3A_401 = tpu.vector_load %arg15[%get3A_399, %get3A_400] {strides = array<i32>} : memref<80x144xf32, #tpu.memory_space<vmem>>, vector<16xf32>,
      %mul3A_402 = arith.mulf %get3A_401, %gather3A_363 : vector<16xf32>
      %swap3A_403 = arith.index_cast %add3A_361 : i32 to index
      %swap3A_404 = arith.constant 80 : index
      %swap3A_405 = tpu.vector_load %arg15[%swap3A_403, %swap3A_404] {strides = array<i32>} : memref<80x144xf32, #tpu.memory_space<vmem>>, vector<16xf32>,
      tpu.vector_store %arg15[%swap3A_403, %swap3A_404], %mul3A_402 {strides = array<i32>} : memref<80x144xf32, #tpu.memory_space<vmem>>, vector<16xf32>,
      %get3A_406 = arith.index_cast %add3A_361 : i32 to index
      %get3A_407 = arith.constant 96 : index
      %get3A_408 = tpu.vector_load %arg15[%get3A_406, %get3A_407] {strides = array<i32>} : memref<80x144xf32, #tpu.memory_space<vmem>>, vector<16xf32>,
      %mul3A_409 = arith.mulf %get3A_408, %gather3A_363 : vector<16xf32>
      %swap3A_410 = arith.index_cast %add3A_361 : i32 to index
      %swap3A_411 = arith.constant 96 : index
      %swap3A_412 = tpu.vector_load %arg15[%swap3A_410, %swap3A_411] {strides = array<i32>} : memref<80x144xf32, #tpu.memory_space<vmem>>, vector<16xf32>,
      tpu.vector_store %arg15[%swap3A_410, %swap3A_411], %mul3A_409 {strides = array<i32>} : memref<80x144xf32, #tpu.memory_space<vmem>>, vector<16xf32>,
      %get3A_413 = arith.index_cast %add3A_361 : i32 to index
      %get3A_414 = arith.constant 112 : index
      %get3A_415 = tpu.vector_load %arg15[%get3A_413, %get3A_414] {strides = array<i32>} : memref<80x144xf32, #tpu.memory_space<vmem>>, vector<16xf32>,
      %mul3A_416 = arith.mulf %get3A_415, %gather3A_363 : vector<16xf32>
      %swap3A_417 = arith.index_cast %add3A_361 : i32 to index
      %swap3A_418 = arith.constant 112 : index
      %swap3A_419 = tpu.vector_load %arg15[%swap3A_417, %swap3A_418] {strides = array<i32>} : memref<80x144xf32, #tpu.memory_space<vmem>>, vector<16xf32>,
      tpu.vector_store %arg15[%swap3A_417, %swap3A_418], %mul3A_416 {strides = array<i32>} : memref<80x144xf32, #tpu.memory_space<vmem>>, vector<16xf32>,
      %get3A_420 = arith.index_cast %add3A_361 : i32 to index
      %get3A_421 = arith.constant 128 : index
      %get3A_422 = tpu.vector_load %arg15[%get3A_420, %get3A_421] {strides = array<i32>} : memref<80x144xf32, #tpu.memory_space<vmem>>, vector<16xf32>,
      %mul3A_423 = arith.mulf %get3A_422, %gather3A_363 : vector<16xf32>
      %swap3A_424 = arith.index_cast %add3A_361 : i32 to index
      %swap3A_425 = arith.constant 128 : index
      %swap3A_426 = tpu.vector_load %arg15[%swap3A_424, %swap3A_425] {strides = array<i32>} : memref<80x144xf32, #tpu.memory_space<vmem>>, vector<16xf32>,
      tpu.vector_store %arg15[%swap3A_424, %swap3A_425], %mul3A_423 {strides = array<i32>} : memref<80x144xf32, #tpu.memory_space<vmem>>, vector<16xf32>,
      %mul3A_427 = arith.constant 2 : i32
      %mul3A_428 = arith.muli %scan3A_357, %mul3A_427 : i32
      %add3A_429 = arith.constant 1 : i32
      %add3A_430 = arith.addi %mul3A_428, %add3A_429 : i32
      %broadcast_in_dim3A_431 = vector.broadcast %add3A_430 : i32 to vector<16xi32>
      %gather3A_432 = tpu.vector_load_idx %arg14[%broadcast_in_dim3A_431] : memref<80xf32, #tpu.memory_space<vmem>>[vector<16xi32>], vector<16xf32>,
      %get3A_433 = arith.index_cast %add3A_430 : i32 to index
      %get3A_434 = arith.constant 0 : index
      %get3A_435 = tpu.vector_load %arg15[%get3A_433, %get3A_434] {strides = array<i32>} : memref<80x144xf32, #tpu.memory_space<vmem>>, vector<16xf32>,
      %mul3A_436 = arith.mulf %get3A_435, %gather3A_432 : vector<16xf32>
      %swap3A_437 = arith.index_cast %add3A_430 : i32 to index
      %swap3A_438 = arith.constant 0 : index
      %swap3A_439 = tpu.vector_load %arg15[%swap3A_437, %swap3A_438] {strides = array<i32>} : memref<80x144xf32, #tpu.memory_space<vmem>>, vector<16xf32>,
      tpu.vector_store %arg15[%swap3A_437, %swap3A_438], %mul3A_436 {strides = array<i32>} : memref<80x144xf32, #tpu.memory_space<vmem>>, vector<16xf32>,
      %get3A_440 = arith.index_cast %add3A_430 : i32 to index
      %get3A_441 = arith.constant 16 : index
      %get3A_442 = tpu.vector_load %arg15[%get3A_440, %get3A_441] {strides = array<i32>} : memref<80x144xf32, #tpu.memory_space<vmem>>, vector<16xf32>,
      %mul3A_443 = arith.mulf %get3A_442, %gather3A_432 : vector<16xf32>
      %swap3A_444 = arith.index_cast %add3A_430 : i32 to index
      %swap3A_445 = arith.constant 16 : index
      %swap3A_446 = tpu.vector_load %arg15[%swap3A_444, %swap3A_445] {strides = array<i32>} : memref<80x144xf32, #tpu.memory_space<vmem>>, vector<16xf32>,
      tpu.vector_store %arg15[%swap3A_444, %swap3A_445], %mul3A_443 {strides = array<i32>} : memref<80x144xf32, #tpu.memory_space<vmem>>, vector<16xf32>,
      %get3A_447 = arith.index_cast %add3A_430 : i32 to index
      %get3A_448 = arith.constant 32 : index
      %get3A_449 = tpu.vector_load %arg15[%get3A_447, %get3A_448] {strides = array<i32>} : memref<80x144xf32, #tpu.memory_space<vmem>>, vector<16xf32>,
      %mul3A_450 = arith.mulf %get3A_449, %gather3A_432 : vector<16xf32>
      %swap3A_451 = arith.index_cast %add3A_430 : i32 to index
      %swap3A_452 = arith.constant 32 : index
      %swap3A_453 = tpu.vector_load %arg15[%swap3A_451, %swap3A_452] {strides = array<i32>} : memref<80x144xf32, #tpu.memory_space<vmem>>, vector<16xf32>,
      tpu.vector_store %arg15[%swap3A_451, %swap3A_452], %mul3A_450 {strides = array<i32>} : memref<80x144xf32, #tpu.memory_space<vmem>>, vector<16xf32>,
      %get3A_454 = arith.index_cast %add3A_430 : i32 to index
      %get3A_455 = arith.constant 48 : index
      %get3A_456 = tpu.vector_load %arg15[%get3A_454, %get3A_455] {strides = array<i32>} : memref<80x144xf32, #tpu.memory_space<vmem>>, vector<16xf32>,
      %mul3A_457 = arith.mulf %get3A_456, %gather3A_432 : vector<16xf32>
      %swap3A_458 = arith.index_cast %add3A_430 : i32 to index
      %swap3A_459 = arith.constant 48 : index
      %swap3A_460 = tpu.vector_load %arg15[%swap3A_458, %swap3A_459] {strides = array<i32>} : memref<80x144xf32, #tpu.memory_space<vmem>>, vector<16xf32>,
      tpu.vector_store %arg15[%swap3A_458, %swap3A_459], %mul3A_457 {strides = array<i32>} : memref<80x144xf32, #tpu.memory_space<vmem>>, vector<16xf32>,
      %get3A_461 = arith.index_cast %add3A_430 : i32 to index
      %get3A_462 = arith.constant 64 : index
      %get3A_463 = tpu.vector_load %arg15[%get3A_461, %get3A_462] {strides = array<i32>} : memref<80x144xf32, #tpu.memory_space<vmem>>, vector<16xf32>,
      %mul3A_464 = arith.mulf %get3A_463, %gather3A_432 : vector<16xf32>
      %swap3A_465 = arith.index_cast %add3A_430 : i32 to index
      %swap3A_466 = arith.constant 64 : index
      %swap3A_467 = tpu.vector_load %arg15[%swap3A_465, %swap3A_466] {strides = array<i32>} : memref<80x144xf32, #tpu.memory_space<vmem>>, vector<16xf32>,
      tpu.vector_store %arg15[%swap3A_465, %swap3A_466], %mul3A_464 {strides = array<i32>} : memref<80x144xf32, #tpu.memory_space<vmem>>, vector<16xf32>,
      %get3A_468 = arith.index_cast %add3A_430 : i32 to index
      %get3A_469 = arith.constant 80 : index
      %get3A_470 = tpu.vector_load %arg15[%get3A_468, %get3A_469] {strides = array<i32>} : memref<80x144xf32, #tpu.memory_space<vmem>>, vector<16xf32>,
      %mul3A_471 = arith.mulf %get3A_470, %gather3A_432 : vector<16xf32>
      %swap3A_472 = arith.index_cast %add3A_430 : i32 to index
      %swap3A_473 = arith.constant 80 : index
      %swap3A_474 = tpu.vector_load %arg15[%swap3A_472, %swap3A_473] {strides = array<i32>} : memref<80x144xf32, #tpu.memory_space<vmem>>, vector<16xf32>,
      tpu.vector_store %arg15[%swap3A_472, %swap3A_473], %mul3A_471 {strides = array<i32>} : memref<80x144xf32, #tpu.memory_space<vmem>>, vector<16xf32>,
      %get3A_475 = arith.index_cast %add3A_430 : i32 to index
      %get3A_476 = arith.constant 96 : index
      %get3A_477 = tpu.vector_load %arg15[%get3A_475, %get3A_476] {strides = array<i32>} : memref<80x144xf32, #tpu.memory_space<vmem>>, vector<16xf32>,
      %mul3A_478 = arith.mulf %get3A_477, %gather3A_432 : vector<16xf32>
      %swap3A_479 = arith.index_cast %add3A_430 : i32 to index
      %swap3A_480 = arith.constant 96 : index
      %swap3A_481 = tpu.vector_load %arg15[%swap3A_479, %swap3A_480] {strides = array<i32>} : memref<80x144xf32, #tpu.memory_space<vmem>>, vector<16xf32>,
      tpu.vector_store %arg15[%swap3A_479, %swap3A_480], %mul3A_478 {strides = array<i32>} : memref<80x144xf32, #tpu.memory_space<vmem>>, vector<16xf32>,
      %get3A_482 = arith.index_cast %add3A_430 : i32 to index
      %get3A_483 = arith.constant 112 : index
      %get3A_484 = tpu.vector_load %arg15[%get3A_482, %get3A_483] {strides = array<i32>} : memref<80x144xf32, #tpu.memory_space<vmem>>, vector<16xf32>,
      %mul3A_485 = arith.mulf %get3A_484, %gather3A_432 : vector<16xf32>
      %swap3A_486 = arith.index_cast %add3A_430 : i32 to index
      %swap3A_487 = arith.constant 112 : index
      %swap3A_488 = tpu.vector_load %arg15[%swap3A_486, %swap3A_487] {strides = array<i32>} : memref<80x144xf32, #tpu.memory_space<vmem>>, vector<16xf32>,
      tpu.vector_store %arg15[%swap3A_486, %swap3A_487], %mul3A_485 {strides = array<i32>} : memref<80x144xf32, #tpu.memory_space<vmem>>, vector<16xf32>,
      %get3A_489 = arith.index_cast %add3A_430 : i32 to index
      %get3A_490 = arith.constant 128 : index
      %get3A_491 = tpu.vector_load %arg15[%get3A_489, %get3A_490] {strides = array<i32>} : memref<80x144xf32, #tpu.memory_space<vmem>>, vector<16xf32>,
      %mul3A_492 = arith.mulf %get3A_491, %gather3A_432 : vector<16xf32>
      %swap3A_493 = arith.index_cast %add3A_430 : i32 to index
      %swap3A_494 = arith.constant 128 : index
      %swap3A_495 = tpu.vector_load %arg15[%swap3A_493, %swap3A_494] {strides = array<i32>} : memref<80x144xf32, #tpu.memory_space<vmem>>, vector<16xf32>,
      tpu.vector_store %arg15[%swap3A_493, %swap3A_494], %mul3A_492 {strides = array<i32>} : memref<80x144xf32, #tpu.memory_space<vmem>>, vector<16xf32>,
    }
    %scan3A_345 = arith.constant 40 : i32
    %dma_start3A_346 = arith.constant 0 : i32
    %dma_start3A_347 = arith.constant 0 : i32
    %dma_start3A_348 = tpu.memref_slice %arg17[%dma_start3A_346, %dma_start3A_347] : memref<10240x144xf32, #tpu.memory_space<vmem_shared>> -> memref<10240x144xf32, #tpu.memory_space<vmem_shared>>
    tpu.enqueue_indirect_dma source(%arg15 : memref<80x144xf32, #tpu.memory_space<vmem>>) target(%dma_start3A_348 : memref<10240x144xf32, #tpu.memory_space<vmem_shared>>) offsets(%arg7 : memref<80xi32, #tpu.memory_space<vmem>>) semaphore(%arg20 : memref<!tpu.dma_semaphore, #tpu.memory_space<semaphore_mem>>) {add = true}
    %dma_wait3A_349 = arith.constant 0 : i32
    %dma_wait3A_350 = arith.constant 0 : i32
    %dma_wait3A_351 = tpu.memref_slice %arg17[%dma_wait3A_349, %dma_wait3A_350] : memref<10240x144xf32, #tpu.memory_space<vmem_shared>> -> memref<10240x144xf32, #tpu.memory_space<vmem_shared>>
    tpu.wait_indirect_dma semaphore(%arg20 : memref<!tpu.dma_semaphore, #tpu.memory_space<semaphore_mem>>) src(%arg15 : memref<80x144xf32, #tpu.memory_space<vmem>>) dst(%dma_wait3A_351 : memref<10240x144xf32, #tpu.memory_space<vmem_shared>>)
    %barrier3A_352 = arith.constant 0 : index
    tpu.barrier barrier_id(%barrier3A_352)
    %mul3A_353 = arith.constant 640 : i32
    %mul3A_354 = arith.muli %arg1, %mul3A_353 : i32
    %mul3A_355 = arith.constant 640 : i32
    %mul3A_356 = arith.muli %arg1, %mul3A_355 : i32
    "tpu.region"() ({
      %run_scoped3A = tpu.sem_alloc : memref<!tpu.dma_semaphore, #tpu.memory_space<semaphore_mem>>
      %dma_start3A_357 = arith.constant 0 : i32
      %dma_start3A_358 = tpu.memref_slice %arg6[%arg0, %mul3A_356, %dma_start3A_357] : memref<2x10240x144xf32, #tpu.memory_space<hbm>> -> memref<1x640x144xf32, #tpu.memory_space<hbm>>
      %dma_start3A_359 = tpu.memref_squeeze %dma_start3A_358 : memref<1x640x144xf32, #tpu.memory_space<hbm>> -> memref<640x144xf32, #tpu.memory_space<hbm>>
      %dma_start3A_360 = arith.constant 0 : i32
      %dma_start3A_361 = tpu.memref_slice %arg17[%mul3A_354, %dma_start3A_360] : memref<10240x144xf32, #tpu.memory_space<vmem_shared>> -> memref<640x144xf32, #tpu.memory_space<vmem_shared>>
      tpu.enqueue_dma source(%dma_start3A_361 : memref<640x144xf32, #tpu.memory_space<vmem_shared>>) target(%dma_start3A_359 : memref<640x144xf32, #tpu.memory_space<hbm>>) target_semaphore(%run_scoped3A : memref<!tpu.dma_semaphore, #tpu.memory_space<semaphore_mem>>)
      %dma_wait3A_362 = arith.constant 0 : i32
      %dma_wait3A_363 = tpu.memref_slice %arg6[%arg0, %mul3A_356, %dma_wait3A_362] : memref<2x10240x144xf32, #tpu.memory_space<hbm>> -> memref<1x640x144xf32, #tpu.memory_space<hbm>>
      %dma_wait3A_364 = tpu.memref_squeeze %dma_wait3A_363 : memref<1x640x144xf32, #tpu.memory_space<hbm>> -> memref<640x144xf32, #tpu.memory_space<hbm>>
      %dma_wait3A_365 = arith.constant 0 : i32
      %dma_wait3A_366 = tpu.memref_slice %arg17[%mul3A_354, %dma_wait3A_365] : memref<10240x144xf32, #tpu.memory_space<vmem_shared>> -> memref<640x144xf32, #tpu.memory_space<vmem_shared>>
      tpu.wait_dma2 semaphore(%run_scoped3A : memref<!tpu.dma_semaphore, #tpu.memory_space<semaphore_mem>>) src(%dma_wait3A_366 : memref<640x144xf32, #tpu.memory_space<vmem_shared>>) dst(%dma_wait3A_364 : memref<640x144xf32, #tpu.memory_space<hbm>>)
      tpu.yield
    }) : () -> ()
    return
  }
}

module attributes {stable_mosaic.version = 14 : i64} {
  func.func @_pre_body(%arg0: memref<10000x128xf32, #tpu.memory_space<vmem>>, %arg1: memref<128x128xf32, #tpu.memory_space<vmem>>, %arg2: memref<1x128xf32, #tpu.memory_space<vmem>>, %arg3: memref<128x128xf32, #tpu.memory_space<vmem>>, %arg4: memref<1x128xf32, #tpu.memory_space<vmem>>, %arg5: memref<128x128xf32, #tpu.memory_space<vmem>>, %arg6: memref<1x128xf32, #tpu.memory_space<vmem>>, %arg7: memref<1x128xf32, #tpu.memory_space<vmem>>, %arg8: memref<1x128xf32, #tpu.memory_space<vmem>>, %arg9: memref<10000x144xf32, #tpu.memory_space<vmem>>, %arg10: memref<10000x1xf32, #tpu.memory_space<vmem>>) attributes {dimension_semantics = [], scalar_prefetch = 0 : i64, scratch_operands = 0 : i64, tpu.core_type = #tpu.core_type<tc>} {
    %get3A = arith.constant 0 : index
    %get3A_0 = arith.constant 0 : index
    %get3A_1 = vector.load %arg0[%get3A, %get3A_0] : memref<10000x128xf32, #tpu.memory_space<vmem>>, vector<10000x128xf32>
    %reduce_sum3A = arith.constant dense<0.000000e+00> : vector<10000xf32>
    %reduce_sum3A_2 = vector.multi_reduction <add>, %get3A_1, %reduce_sum3A [1] : vector<10000x128xf32> to vector<10000xf32>
    %broadcast_in_dim3A = vector.shape_cast %reduce_sum3A_2 : vector<10000xf32> to vector<10000x1xf32>
    %div3A = arith.constant 1.280000e+02 : f32
    %div3A_3 = vector.broadcast %div3A : f32 to vector<10000x1xf32>
    %div3A_4 = arith.divf %broadcast_in_dim3A, %div3A_3 : vector<10000x1xf32>
    %sub3A = vector.broadcast %div3A_4 : vector<10000x1xf32> to vector<10000x128xf32>
    %sub3A_5 = arith.subf %get3A_1, %sub3A : vector<10000x128xf32>
    %square3A = arith.mulf %sub3A_5, %sub3A_5 : vector<10000x128xf32>
    %reduce_sum3A_6 = arith.constant dense<0.000000e+00> : vector<10000xf32>
    %reduce_sum3A_7 = vector.multi_reduction <add>, %square3A, %reduce_sum3A_6 [1] : vector<10000x128xf32> to vector<10000xf32>
    %broadcast_in_dim3A_8 = vector.shape_cast %reduce_sum3A_7 : vector<10000xf32> to vector<10000x1xf32>
    %div3A_9 = arith.constant 1.280000e+02 : f32
    %div3A_10 = vector.broadcast %div3A_9 : f32 to vector<10000x1xf32>
    %div3A_11 = arith.divf %broadcast_in_dim3A_8, %div3A_10 : vector<10000x1xf32>
    %sub3A_12 = vector.broadcast %div3A_4 : vector<10000x1xf32> to vector<10000x128xf32>
    %sub3A_13 = arith.subf %get3A_1, %sub3A_12 : vector<10000x128xf32>
    %add3A = arith.constant 9.99999997E-7 : f32
    %add3A_14 = vector.broadcast %add3A : f32 to vector<10000x1xf32>
    %add3A_15 = arith.addf %div3A_11, %add3A_14 : vector<10000x1xf32>
    %rsqrt3A = math.rsqrt %add3A_15 : vector<10000x1xf32>
    %mul3A = vector.broadcast %rsqrt3A : vector<10000x1xf32> to vector<10000x128xf32>
    %mul3A_16 = arith.mulf %sub3A_13, %mul3A : vector<10000x128xf32>
    %get3A_17 = arith.constant 0 : index
    %get3A_18 = arith.constant 0 : index
    %get3A_19 = vector.load %arg7[%get3A_17, %get3A_18] : memref<1x128xf32, #tpu.memory_space<vmem>>, vector<1x128xf32>
    %mul3A_20 = vector.broadcast %get3A_19 : vector<1x128xf32> to vector<10000x128xf32>
    %mul3A_21 = arith.mulf %mul3A_16, %mul3A_20 : vector<10000x128xf32>
    %get3A_22 = arith.constant 0 : index
    %get3A_23 = arith.constant 0 : index
    %get3A_24 = vector.load %arg8[%get3A_22, %get3A_23] : memref<1x128xf32, #tpu.memory_space<vmem>>, vector<1x128xf32>
    %add3A_25 = vector.broadcast %get3A_24 : vector<1x128xf32> to vector<10000x128xf32>
    %add3A_26 = arith.addf %mul3A_21, %add3A_25 : vector<10000x128xf32>
    %get3A_27 = arith.constant 0 : index
    %get3A_28 = arith.constant 0 : index
    %get3A_29 = vector.load %arg1[%get3A_27, %get3A_28] : memref<128x128xf32, #tpu.memory_space<vmem>>, vector<128x128xf32>
    %dot_general3A = arith.constant dense<0.000000e+00> : vector<10000x128xf32>
    %dot_general3A_30 = tpu.matmul %add3A_26, %get3A_29, %dot_general3A {dimension_numbers = #tpu.dot_dimension_numbers<[1], [0], [0], [1], [0, 0, 1, 1], [], []>, transpose_lhs_hint = false} : vector<10000x128xf32>, vector<128x128xf32>, vector<10000x128xf32> -> vector<10000x128xf32>
    %get3A_31 = arith.constant 0 : index
    %get3A_32 = arith.constant 0 : index
    %get3A_33 = vector.load %arg2[%get3A_31, %get3A_32] : memref<1x128xf32, #tpu.memory_space<vmem>>, vector<1x128xf32>
    %add3A_34 = vector.broadcast %get3A_33 : vector<1x128xf32> to vector<10000x128xf32>
    %add3A_35 = arith.addf %dot_general3A_30, %add3A_34 : vector<10000x128xf32>
    %get3A_36 = arith.constant 0 : index
    %get3A_37 = arith.constant 0 : index
    %get3A_38 = vector.load %arg3[%get3A_36, %get3A_37] : memref<128x128xf32, #tpu.memory_space<vmem>>, vector<128x128xf32>
    %dot_general3A_39 = arith.constant dense<0.000000e+00> : vector<10000x128xf32>
    %dot_general3A_40 = tpu.matmul %add3A_26, %get3A_38, %dot_general3A_39 {dimension_numbers = #tpu.dot_dimension_numbers<[1], [0], [0], [1], [0, 0, 1, 1], [], []>, transpose_lhs_hint = false} : vector<10000x128xf32>, vector<128x128xf32>, vector<10000x128xf32> -> vector<10000x128xf32>
    %get3A_41 = arith.constant 0 : index
    %get3A_42 = arith.constant 0 : index
    %get3A_43 = vector.load %arg4[%get3A_41, %get3A_42] : memref<1x128xf32, #tpu.memory_space<vmem>>, vector<1x128xf32>
    %add3A_44 = vector.broadcast %get3A_43 : vector<1x128xf32> to vector<10000x128xf32>
    %add3A_45 = arith.addf %dot_general3A_40, %add3A_44 : vector<10000x128xf32>
    %get3A_46 = arith.constant 0 : index
    %get3A_47 = arith.constant 0 : index
    %get3A_48 = vector.load %arg5[%get3A_46, %get3A_47] : memref<128x128xf32, #tpu.memory_space<vmem>>, vector<128x128xf32>
    %dot_general3A_49 = arith.constant dense<0.000000e+00> : vector<10000x128xf32>
    %dot_general3A_50 = tpu.matmul %add3A_26, %get3A_48, %dot_general3A_49 {dimension_numbers = #tpu.dot_dimension_numbers<[1], [0], [0], [1], [0, 0, 1, 1], [], []>, transpose_lhs_hint = false} : vector<10000x128xf32>, vector<128x128xf32>, vector<10000x128xf32> -> vector<10000x128xf32>
    %get3A_51 = arith.constant 0 : index
    %get3A_52 = arith.constant 0 : index
    %get3A_53 = vector.load %arg6[%get3A_51, %get3A_52] : memref<1x128xf32, #tpu.memory_space<vmem>>, vector<1x128xf32>
    %add3A_54 = vector.broadcast %get3A_53 : vector<1x128xf32> to vector<10000x128xf32>
    %add3A_55 = arith.addf %dot_general3A_50, %add3A_54 : vector<10000x128xf32>
    %reduce_sum3A_56 = arith.constant dense<0.000000e+00> : vector<10000xf32>
    %reduce_sum3A_57 = vector.multi_reduction <add>, %add3A_45, %reduce_sum3A_56 [1] : vector<10000x128xf32> to vector<10000xf32>
    %broadcast_in_dim3A_58 = vector.shape_cast %reduce_sum3A_57 : vector<10000xf32> to vector<10000x1xf32>
    %tanh3A = math.tanh %broadcast_in_dim3A_58 : vector<10000x1xf32>
    %swap3A = arith.constant 0 : index
    %swap3A_59 = arith.constant 0 : index
    %swap3A_60 = vector.load %arg10[%swap3A, %swap3A_59] : memref<10000x1xf32, #tpu.memory_space<vmem>>, vector<10000x1xf32>
    tpu.vector_store %arg10[%swap3A, %swap3A_59], %tanh3A {strides = array<i32>} : memref<10000x1xf32, #tpu.memory_space<vmem>>, vector<10000x1xf32>,
    %reduce_sum3A_61 = arith.constant dense<0.000000e+00> : vector<10000xf32>
    %reduce_sum3A_62 = vector.multi_reduction <add>, %add3A_55, %reduce_sum3A_61 [1] : vector<10000x128xf32> to vector<10000xf32>
    %broadcast_in_dim3A_63 = vector.shape_cast %reduce_sum3A_62 : vector<10000xf32> to vector<10000x1xf32>
    %tanh3A_64 = math.tanh %broadcast_in_dim3A_63 : vector<10000x1xf32>
    %swap3A_65 = arith.constant 0 : index
    %swap3A_66 = arith.constant 0 : index
    %swap3A_67 = vector.load %arg9[%swap3A_65, %swap3A_66] : memref<10000x144xf32, #tpu.memory_space<vmem>>, vector<10000x128xf32>
    tpu.vector_store %arg9[%swap3A_65, %swap3A_66], %add3A_35 {strides = array<i32>} : memref<10000x144xf32, #tpu.memory_space<vmem>>, vector<10000x128xf32>,
    %iota3A = tpu.iota {dimensions = array<i32: 1>} : vector<10000x16xi32>
    %broadcast_in_dim3A_68 = vector.shape_cast %tanh3A_64 : vector<10000x1xf32> to vector<10000x1xf32>
    %broadcast_in_dim3A_69 = vector.broadcast %broadcast_in_dim3A_68 : vector<10000x1xf32> to vector<10000x16xf32>
    %eq3A = arith.constant 0 : i32
    %eq3A_70 = vector.broadcast %eq3A : i32 to vector<10000x16xi32>
    %eq3A_71 = arith.cmpi eq, %iota3A, %eq3A_70 : vector<10000x16xi32>
    %eq3A_72 = arith.constant 1 : i32
    %eq3A_73 = vector.broadcast %eq3A_72 : i32 to vector<10000x16xi32>
    %eq3A_74 = arith.cmpi eq, %iota3A, %eq3A_73 : vector<10000x16xi32>
    %jit3A = arith.constant 0.000000e+00 : f32
    %broadcast_in_dim3A_75 = vector.broadcast %jit3A : f32 to vector<10000x16xf32>
    %select_n3A = arith.select %eq3A_74, %broadcast_in_dim3A_69, %broadcast_in_dim3A_75 : vector<10000x16xi1>, vector<10000x16xf32>
    %jit3A_76 = arith.constant 1.000000e+00 : f32
    %broadcast_in_dim3A_77 = vector.broadcast %jit3A_76 : f32 to vector<10000x16xf32>
    %select_n3A_78 = arith.select %eq3A_71, %broadcast_in_dim3A_77, %select_n3A : vector<10000x16xi1>, vector<10000x16xf32>
    %swap3A_79 = arith.constant 0 : index
    %swap3A_80 = arith.constant 128 : index
    %swap3A_81 = vector.load %arg9[%swap3A_79, %swap3A_80] : memref<10000x144xf32, #tpu.memory_space<vmem>>, vector<10000x16xf32>
    tpu.vector_store %arg9[%swap3A_79, %swap3A_80], %select_n3A_78 {strides = array<i32>} : memref<10000x144xf32, #tpu.memory_space<vmem>>, vector<10000x16xf32>,
    return
  }
}

module attributes {stable_mosaic.version = 14 : i64} {
  func.func @_post_body(%arg0: memref<2x10240x144xf32, #tpu.memory_space<vmem>>, %arg1: memref<1x128xf32, #tpu.memory_space<vmem>>, %arg2: memref<1x128xf32, #tpu.memory_space<vmem>>, %arg3: memref<10000x128xf32, #tpu.memory_space<vmem>>) attributes {dimension_semantics = [], scalar_prefetch = 0 : i64, scratch_operands = 0 : i64, tpu.core_type = #tpu.core_type<tc>} {
    %get3A = arith.constant 0 : index
    %get3A_0 = arith.constant 0 : index
    %get3A_1 = arith.constant 0 : index
    %get3A_2 = vector.load %arg0[%get3A, %get3A_0, %get3A_1] : memref<2x10240x144xf32, #tpu.memory_space<vmem>>, vector<1x10000x144xf32>
    %get3A_3 = vector.shape_cast %get3A_2 : vector<1x10000x144xf32> to vector<10000x144xf32>
    %get3A_4 = arith.constant 1 : index
    %get3A_5 = arith.constant 0 : index
    %get3A_6 = arith.constant 0 : index
    %get3A_7 = vector.load %arg0[%get3A_4, %get3A_5, %get3A_6] : memref<2x10240x144xf32, #tpu.memory_space<vmem>>, vector<1x10000x144xf32>
    %get3A_8 = vector.shape_cast %get3A_7 : vector<1x10000x144xf32> to vector<10000x144xf32>
    %add3A = arith.addf %get3A_3, %get3A_8 : vector<10000x144xf32>
    %slice3A = vector.extract_strided_slice %add3A {offsets = [0, 0], sizes = [10000, 128], strides = [1, 1]} : vector<10000x144xf32> to vector<10000x128xf32>
    %slice3A_9 = vector.extract_strided_slice %add3A {offsets = [0, 128], sizes = [10000, 1], strides = [1, 1]} : vector<10000x144xf32> to vector<10000x1xf32>
    %eq3A = arith.constant 0.000000e+00 : f32
    %eq3A_10 = vector.broadcast %eq3A : f32 to vector<10000x1xf32>
    %eq3A_11 = arith.cmpf oeq, %slice3A_9, %eq3A_10 : vector<10000x1xf32>
    %jit3A = arith.constant 1.000000e+00 : f32
    %broadcast_in_dim3A = vector.broadcast %jit3A : f32 to vector<10000x1xf32>
    %select_n3A = arith.select %eq3A_11, %broadcast_in_dim3A, %slice3A_9 : vector<10000x1xi1>, vector<10000x1xf32>
    %div3A = vector.broadcast %select_n3A : vector<10000x1xf32> to vector<10000x128xf32>
    %div3A_12 = arith.divf %slice3A, %div3A : vector<10000x128xf32>
    %reduce_sum3A = arith.constant dense<0.000000e+00> : vector<10000xf32>
    %reduce_sum3A_13 = vector.multi_reduction <add>, %div3A_12, %reduce_sum3A [1] : vector<10000x128xf32> to vector<10000xf32>
    %broadcast_in_dim3A_14 = vector.shape_cast %reduce_sum3A_13 : vector<10000xf32> to vector<10000x1xf32>
    %div3A_15 = arith.constant 1.280000e+02 : f32
    %div3A_16 = vector.broadcast %div3A_15 : f32 to vector<10000x1xf32>
    %div3A_17 = arith.divf %broadcast_in_dim3A_14, %div3A_16 : vector<10000x1xf32>
    %sub3A = vector.broadcast %div3A_17 : vector<10000x1xf32> to vector<10000x128xf32>
    %sub3A_18 = arith.subf %div3A_12, %sub3A : vector<10000x128xf32>
    %square3A = arith.mulf %sub3A_18, %sub3A_18 : vector<10000x128xf32>
    %reduce_sum3A_19 = arith.constant dense<0.000000e+00> : vector<10000xf32>
    %reduce_sum3A_20 = vector.multi_reduction <add>, %square3A, %reduce_sum3A_19 [1] : vector<10000x128xf32> to vector<10000xf32>
    %broadcast_in_dim3A_21 = vector.shape_cast %reduce_sum3A_20 : vector<10000xf32> to vector<10000x1xf32>
    %div3A_22 = arith.constant 1.280000e+02 : f32
    %div3A_23 = vector.broadcast %div3A_22 : f32 to vector<10000x1xf32>
    %div3A_24 = arith.divf %broadcast_in_dim3A_21, %div3A_23 : vector<10000x1xf32>
    %sub3A_25 = vector.broadcast %div3A_17 : vector<10000x1xf32> to vector<10000x128xf32>
    %sub3A_26 = arith.subf %div3A_12, %sub3A_25 : vector<10000x128xf32>
    %add3A_27 = arith.constant 9.99999997E-7 : f32
    %add3A_28 = vector.broadcast %add3A_27 : f32 to vector<10000x1xf32>
    %add3A_29 = arith.addf %div3A_24, %add3A_28 : vector<10000x1xf32>
    %rsqrt3A = math.rsqrt %add3A_29 : vector<10000x1xf32>
    %mul3A = vector.broadcast %rsqrt3A : vector<10000x1xf32> to vector<10000x128xf32>
    %mul3A_30 = arith.mulf %sub3A_26, %mul3A : vector<10000x128xf32>
    %get3A_31 = arith.constant 0 : index
    %get3A_32 = arith.constant 0 : index
    %get3A_33 = vector.load %arg1[%get3A_31, %get3A_32] : memref<1x128xf32, #tpu.memory_space<vmem>>, vector<1x128xf32>
    %mul3A_34 = vector.broadcast %get3A_33 : vector<1x128xf32> to vector<10000x128xf32>
    %mul3A_35 = arith.mulf %mul3A_30, %mul3A_34 : vector<10000x128xf32>
    %get3A_36 = arith.constant 0 : index
    %get3A_37 = arith.constant 0 : index
    %get3A_38 = vector.load %arg2[%get3A_36, %get3A_37] : memref<1x128xf32, #tpu.memory_space<vmem>>, vector<1x128xf32>
    %add3A_39 = vector.broadcast %get3A_38 : vector<1x128xf32> to vector<10000x128xf32>
    %add3A_40 = arith.addf %mul3A_35, %add3A_39 : vector<10000x128xf32>
    %swap3A = arith.constant 0 : index
    %swap3A_41 = arith.constant 0 : index
    %swap3A_42 = vector.load %arg3[%swap3A, %swap3A_41] : memref<10000x128xf32, #tpu.memory_space<vmem>>, vector<10000x128xf32>
    tpu.vector_store %arg3[%swap3A, %swap3A_41], %add3A_40 {strides = array<i32>} : memref<10000x128xf32, #tpu.memory_space<vmem>>, vector<10000x128xf32>,
    return
  }
}

</mosaic_0001>

<sc_bundles>
// kernel: kernel.5.cloned.1.call-start
scs
__scs_entry_jumppad:
0x0: {  	(pc) =	sbr.rel $0x88, $3  }
0x1: {  	(tag) =	ssettag $0x0;
	lr =	simm.s32 $0x1  }
0x2: {  	[smem:$0x3F94] =	sst lr;
	_ =	strace $0xD0000000  }
0x3: {  	_ = 	snop  }
0x4: {  	_ = 	snop  }
0x5: {  	_ = 	snop  }
0x6: {  	_ = 	snop  }
0x7: {  	_ = 	snop  }
__scs_overlays_trampoline_lowered:
0x8: {  	[smem:$0x3FA3] =	sst s0  }
0x9: {  	[smem:$0x3FA4] =	sst s1  }
0xa: {  	[smem:$0x3FA5] =	sst s2  }
0xb: {  	[smem:$0x3FA6] =	sst s3  }
0xc: {  	[smem:$0x3FA7] =	sst s4  }
0xd: {  	[smem:$0x3FA8] =	sst s5  }
0xe: {  	[smem:$0x3FA9] =	sst s6  }
0xf: {  	[smem:$0x3FAA] =	sst s7  }
0x10: {  	[smem:$0x3FAB] =	sst s8  }
0x11: {  	[smem:$0x3FAC] =	sst s9;
	s0 =	simm.s32 @!p0 $0x0  }
0x12: {  	s1 =	sld [smem:$0x3F92];
	s0 =	simm.s32 @p0 $0x1  }
0x13: {  	[smem:$0x3FAD] =	sst s0;
	s0 =	simm.s32 @!p1 $0x0  }
0x14: {  	s2 =	sld [smem:$0x3F91];
	s0 =	simm.s32 @p1 $0x1  }
0x15: {  	[smem:$0x3FAE] =	sst s0;
	s0 =	simm.s32 @!p2 $0x0  }
0x16: {  	s3 =	sld [smem:$0x3FDB];
	s0 =	simm.s32 @p2 $0x1  }
0x17: {  	s4 =	simm.s32 $0x1BF5;
	[smem:$0x3FB0] =	sst s0  }
0x18: {  	s0 =	sld [smem:$0x3F93];
	_ =	swait.ge [sflag:s4], $0x0  }
0x19: {  	s7 =	sld [smem:$0x3F94]  }
0x1a: {  	s8 =	sadd.s32 $0xFFFFE003, lr  }
0x1b: {  	s9 =	sadd.s32 $0xFFFFFEF7, lr;
	s5 =	simm.s32 $0xFFFFFFFF;
	p2 =	slt.u32 s8, $0xFFFFF086  }
0x1c: {  	p1 =	slt.u32 s9, $0xF7A;
	s5 =	simm.s32 @!p2 $0x0  }
0x1d: {  	s5 =	simm.s32 @p1 $0x1;
	p0 =	seq.s32 s7, s2  }
0x1e: {  	s7 =	smul.u32 @!p0 $0xF7A, s2;
	p2 =	seq.s32 @!p0 s5, $0x0  }
0x1f: {  	s9 =	smul.u32 $0xF7A, s1;
	s8 =	simm.s32 @!p0 $0x1BF5;
	p2 =	por !p2, p0  }
0x20: {  	[sflag:s8] =	ssyncset.s32 @!p0 $0xFFFFF086;
	s6 =	sadd.s32 @!p0 s3, s7;
	s7 =	simm.s32 @!p0 $0x108  }
0x21: {  	s3 =	sadd.s32 s3, s9;
	s6 =	sadd.s32 @!p0 $0x88, s6;
	s7 =	simm.s32 @p2 $0x1082  }
0x22: {  	[simem:s7], [sflag:s8] =	dma.local @!p0 [hbm:s6], $0xF7A  }
0x23: {  	s9 =	sor.u32 $0xD0000000, s2;
	s6 =	simm.s32 $0x108;
	_ =	swait.ge @!p0 [sflag:s8], $0x0  }
0x24: {  	s3 =	sadd.s32 $0x88, s3;
	s6 =	simm.s32 @!p1 $0x1082;
	[sflag:s4] =	ssyncset.s32 $0xFFFFF086  }
0x25: {  	[simem:s6], [sflag:s4] =	dma.local [hbm:s3], $0xF7A  }
0x26: {  	[smem:$0x3F94] =	sst s1;
	(tag) =	ssettag s2;
	_ =	strace s9  }
0x27: {  	s1 =	sld [smem:$0x3FA4]  }
0x28: {  	s2 =	sld [smem:$0x3FA5]  }
0x29: {  	s4 =	sld [smem:$0x3FA7]  }
0x2a: {  	p0 =	seq.s32 s5, $0x0;
	s5 =	sld [smem:$0x3FA8]  }
0x2b: {  	s6 =	sld [smem:$0x3FA9]  }
0x2c: {  	s7 =	sld [smem:$0x3FAA]  }
0x2d: {  	s3 =	simm.s32 $0x108;
	s8 =	sld [smem:$0x3FAB]  }
0x2e: {  	s3 =	simm.s32 @!p0 $0x1082;
	s9 =	sld [smem:$0x3FAC]  }
0x2f: {  	lr =	sadd.s32 s0, s3;
	s0 =	sld [smem:$0x3FA3]  }
0x30: {  	s3 =	sld [smem:$0x3FA6]  }
0x31: {  	[smem:$0x3FAF] =	sst s10  }
0x32: {  	s10 =	sld [smem:$0x3FAD];
	_ =	sdelay $0x3  }
0x33: {  	p0 =	seq.s32 s10, $0x1;
	s10 =	sld [smem:$0x3FAF];
	_ =	sdelay $0x3  }
0x34: {  	[smem:$0x3FAF] =	sst s10  }
0x35: {  	s10 =	sld [smem:$0x3FAE];
	_ =	sdelay $0x3  }
0x36: {  	p1 =	seq.s32 s10, $0x1;
	s10 =	sld [smem:$0x3FAF];
	_ =	sdelay $0x3  }
0x37: {  	[smem:$0x3FAF] =	sst s10  }
0x38: {  	s10 =	sld [smem:$0x3FB0]  }
0x39: {  	_ = 	snop;
	(pc) =	sbr.ind lr, $3  }
0x3a: {  	_ = 	snop  }
0x3b: {  	_ = 	snop  }
0x3c: {  	p2 =	seq.s32 s10, $0x1;
	s10 =	sld [smem:$0x3FAF]  }
0x3d: {  	_ =	shalt  }
0x3e: {  	_ =	shalt  }
0x3f: {  	_ =	shalt  }
0x40: {  	_ =	shalt  }
0x41: {  	_ =	shalt  }
0x42: {  	_ =	shalt  }
0x43: {  	_ =	shalt  }
0x44: {  	_ =	shalt  }
0x45: {  	_ =	shalt  }
0x46: {  	_ =	shalt  }
0x47: {  	_ =	shalt  }
0x48: {  	_ =	shalt  }
0x49: {  	_ =	shalt  }
0x4a: {  	_ =	shalt  }
0x4b: {  	_ =	shalt  }
0x4c: {  	_ =	shalt  }
0x4d: {  	_ =	shalt  }
0x4e: {  	_ =	shalt  }
0x4f: {  	_ =	shalt  }
0x50: {  	_ =	shalt  }
0x51: {  	_ =	shalt  }
0x52: {  	_ =	shalt  }
0x53: {  	_ =	shalt  }
0x54: {  	_ =	shalt  }
0x55: {  	_ =	shalt  }
0x56: {  	_ =	shalt  }
0x57: {  	_ =	shalt  }
0x58: {  	_ =	shalt  }
0x59: {  	_ =	shalt  }
0x5a: {  	_ =	shalt  }
0x5b: {  	_ =	shalt  }
0x5c: {  	_ =	shalt  }
0x5d: {  	_ =	shalt  }
0x5e: {  	_ =	shalt  }
0x5f: {  	_ =	shalt  }
0x60: {  	_ =	shalt  }
0x61: {  	_ =	shalt  }
0x62: {  	_ =	shalt  }
0x63: {  	_ =	shalt  }
0x64: {  	_ =	shalt  }
0x65: {  	_ =	shalt  }
0x66: {  	_ =	shalt  }
0x67: {  	_ =	shalt  }
0x68: {  	_ =	shalt  }
0x69: {  	_ =	shalt  }
0x6a: {  	_ =	shalt  }
0x6b: {  	_ =	shalt  }
0x6c: {  	_ =	shalt  }
0x6d: {  	_ =	shalt  }
0x6e: {  	_ =	shalt  }
0x6f: {  	_ =	shalt  }
0x70: {  	_ =	shalt  }
0x71: {  	_ =	shalt  }
0x72: {  	_ =	shalt  }
0x73: {  	_ =	shalt  }
0x74: {  	_ =	shalt  }
0x75: {  	_ =	shalt  }
0x76: {  	_ =	shalt  }
0x77: {  	_ =	shalt  }
0x78: {  	_ =	shalt  }
0x79: {  	_ =	shalt  }
0x7a: {  	_ =	shalt  }
0x7b: {  	_ =	shalt  }
0x7c: {  	_ =	shalt  }
0x7d: {  	_ =	shalt  }
0x7e: {  	_ =	shalt  }
0x7f: {  	_ =	shalt  }
0x80: {  	_ =	shalt  }
0x81: {  	_ =	shalt  }
0x82: {  	_ =	shalt  }
0x83: {  	_ =	shalt  }
0x84: {  	_ =	shalt  }
0x85: {  	_ =	shalt  }
0x86: {  	_ =	shalt  }
0x87: {  	_ =	shalt  }
.Lfunc_end0:
.L_simem_size_0:
called_computation_lowered:
.L_overlay_start_0:
0x88: {  	s2 =	sld [smem:$0x3FD9]  }
0x89: {  	s3 =	sld [smem:$0x3FFE];
	_ =	sdelay $0x1  }
0x8a: {  	s1 =	srdreg.scid  }
0x8b: {  	s0 =	sand.u32 $0x1, s1  }
0x8c: {  	s17 =	sshll.u32 s0, $0xA;
	s2 =	sadd.s32 s3, s2  }
0x8d: {  	s2 =	sadd.s32 s2, s17  }
0x8e: {  	[smem:$0x3FBB] =	sst s2  }
0x8f: {  	_ = 	snop  }
0x90: {  	s2 =	sld [smem:$0x3FC7]  }
0x91: {  	s18 =	sld [smem:$0x3FD0];
	(tm) =	ssettm $0x1  }
0x92: {  	s4 =	sld [smem:$0x3FFB];
	_ =	sdelay $0x3  }
0x93: {  	_ =	strace s4  }
0x94: {  	s4 =	sld [smem:$0x3FFC];
	_ =	sdelay $0x3  }
0x95: {  	_ =	strace s4  }
0x96: {  	s4 =	sld [smem:$0x3FFD];
	_ =	sdelay $0x3  }
0x97: {  	_ =	strace s4  }
0x98: {  	_ =	strace $0x8FFFFFFF  }
0x99: {  	s19 =	sld [smem:$0x3FDB];
	_ =	sdelay $0x1  }
0x9a: {  	s5 =	simm.s32 $_scs_section_size  }
0x9b: {  	s6 =	simm.s32 $_size__tile_overlayer_lowered;
	s7 =	simm.s32 $_tile_overlayer_lowered  }
0x9c: {  	s22 =	simm.s32 $0x1BFF;
	s21 =	sshll.u32 s7, $0x1;
	s4 =	sadd.s32 s5, s19  }
0x9d: {  	s8 =	simm.s32 $0x0;
	s20 =	sshll.u32 s6, $0x1;
	s6 =	sadd.s32 s21, s4  }
0x9e: {  	[timem:s8], [sflag:s22] =	dma.local [hbm:s6], s20  }
0x9f: {  	_ =	swait.ge [sflag:s22], s20  }
0xa0: {  	s5 =	ssub.s32 $0x0, s20;
	[sflag:s22] =	ssyncset.done $0x0  }
0xa1: {  	[sflag:s22] =	ssyncadd.s32 s5;
	_ =	sdelay $0x1  }
0xa2: {  	s23 =	simm.s32 $0x1B8B  }
0xa3: {  	_ =	swait.ge [sflag:s23], $0x1  }
0xa4: {  	[sflag:s23] =	ssyncset.done $0x0  }
0xa5: {  	s25 =	simm.s32 $0x1B8E;
	s24 =	sld [smem:$0x3FFE];
	[sflag:s23] =	ssyncadd.s32 $0xFFFFFFFF  }
0xa6: {  	s26 =	simm.s32 $execute0_lowered;
	[smem:$0x3FD2] =	sst s25  }
0xa7: {  	s6 =	sshll.u32 s26, $0x1;
	_ =	strace $0x80000046;
	[dreg:$0x1] =	wrdreg $0xFFFFFFFF  }
0xa8: {  	s28 =	simm.s32 $_size_execute0_lowered;
	s4 =	sadd.s32 s4, s6;
	[dreg:$0x0] =	wrdreg $0x0  }
0xa9: {  	s6 =	sshll.u32 s28, $0x1;
	[dreg:$0x2] =	wrdreg s4  }
0xaa: {  	[dreg:$0x3] =	wrdreg s6  }
0xab: {  	[dreg:$0x4] =	wrdreg $0xC0  }
0xac: {  	_ =	task [dreg:s8], $0x5FFFF  }
0xad: {  	[dreg:$0x1] =	wrdreg $0xFFFFFFFF  }
0xae: {  	[dreg:$0x0] =	wrdreg $0x60  }
0xaf: {  	[dreg:$0x2] =	wrdreg s18  }
0xb0: {  	[dreg:$0x3] =	wrdreg s2  }
0xb1: {  	[dreg:$0x4] =	wrdreg s24  }
0xb2: {  	[dreg:$0x5] =	wrdreg $0x83400  }
0xb3: {  	[dreg:$0x6] =	wrdreg $0x9  }
0xb4: {  	_ =	task.clear_ibuf [dreg:s8], $0x7FFFF;
	_ =	strace $0x90000046  }
0xb5: {  	s29 =	simm.s32 $0x9;
	_ =	strace $0x80000048  }
0xb6: {  	_ =	swait.ge [sflag:s29], $0x1  }
0xb7: {  	[sflag:s29] =	ssyncadd.s32 $0xFFFFFFFF  }
0xb8: {  	_ =	strace $0x90000048  }
0xb9: {  	_ =	sfence  }
0xba: {  	s30 =	sld [smem:$0x0];
	_ =	sdelay $0x2  }
0xbb: {  	s31 =	sshll.u32 s1, $0xD;
	s1 =	sshrl.u32 s1, $0x2  }
0xbc: {  	s3 =	sand.u32 $0x4000, s31;
	s1 =	sadd.s32 s1, s30  }
0xbd: {  	s0 =	sor.u32 s3, s0;
	s1 =	sshll.u32 s1, $0x11  }
0xbe: {  	s0 =	sor.u32 s1, s0  }
0xbf: {  	s0 =	sadd.s32 $0x8F2B, s0  }
0xc0: {  	[sflag:s0] =	ssyncadd.remote.s32 $0x1  }
0xc1: {  	_ =	sfence.sel $0xFFFF  }
0xc2: {  	[dreg:$0x0] =	wrdreg $0xFFFFFFFF;
	(pc) =	sbr.abs _section_cstart, $3  }
0xc3: {  	[dreg:$0x1] =	wrdreg $0xFFFFFFFF  }
0xc4: {  	_ =	task.clear_ibuf [dreg:s8], $0x2FFFF;
	_ =	strace $0x9FFFFFFF  }
0xc5: {  	(tm) =	ssettm $0x7FFFFFFF  }
tec
execute0_lowered:
.L_overlay_start_1:
0x0: {  	(tag) =	ssettag $0x1  }
0x1: {  	s1 =	rddreg [dreg:$0x0]  }
0x2: {  	s2 =	rddreg [dreg:$0x1]  }
0x3: {  	s0 =	rddreg [dreg:$0x2];
	s3 =	srdreg.scid  }
0x4: {  	s12 =	stileid.u32;
	s4 =	rddreg [dreg:$0x3]  }
0x5: {  	s5 =	simm.s32 $0x0;
	s28 =	simm.s32 $0x2940;
	s29 =	simm.s32 $0x3  }
0x6: {  	s31 =	simm.s32 $0xA0;
	s3 =	sand.u32 $0x1, s3;
	s6 =	smul.u32 $0x16800, s12  }
0x7: {  	[smem:$0x7FF] =	sst s5;
	s8 =	sadd.s32 $0x2D800, s0;
	s9 =	smul.u32 $0x5A000, s12  }
0x8: {  	s7 =	smul.u32 $0x168000, s3;
	_ =	strace $0x80000047;
	[dreg:$0x5] =	wrdreg s8  }
0x9: {  	s11 =	ssub.s32 $0x2, s3;
	s3 =	sshll.u32 s3, $0x4;
	s9 =	sshrl.u32 s9, $0x2  }
0xa: {  	s3 =	sor.u32 s12, s3;
	s21 =	sadd.s32 s6, s4;
	s9 =	sadd.s32 s9, s4  }
0xb: {  	s7 =	sadd.s32 s6, s7;
	[dreg:$0x6] =	wrdreg s21;
	s12 =	sadd.s32 $0x2D00, s9  }
0xc: {  	s6 =	simm.s32 $0xF0;
	s13 =	sadd.s32 $0x5A00, s9;
	[dreg:$0x7] =	wrdreg s12  }
0xd: {  	s10 =	sshrl.u32 s7, $0x3;
	s14 =	sadd.s32 $0x8700, s9;
	[dreg:$0x8] =	wrdreg s13  }
0xe: {  	s7 =	sadd.s32 $0x1800, s0;
	s15 =	sadd.s32 $0xB400, s9;
	[dreg:$0x9] =	wrdreg s14  }
0xf: {  	s16 =	sadd.s32 $0xE100, s9;
	s17 =	sadd.s32 $0x10E00, s9;
	[dreg:$0xa] =	wrdreg s15  }
0x10: {  	s19 =	sadd.s32 $0x13B00, s9;
	s9 =	simm.s32 $0x7;
	[dreg:$0xb] =	wrdreg s16  }
0x11: {  	s0 =	sadd.s32 s10, s0;
	s10 =	sshrl.u32 s11, $0x1;
	[dreg:$0xc] =	wrdreg s17  }
0x12: {  	[dreg:$0xd] =	wrdreg s19;
	s12 =	simm.s32 $0x5640;
	s13 =	simm.s32 $0x5  }
0x13: {  	s14 =	simm.s32 $0x28F0;
	s11 =	ssub.s32 s11, s10;
	s10 =	smul.u32 $0x2710, s3  }
0x14: {  	s15 =	simm.s32 $0x6;
	s16 =	simm.s32 $0x2;
	s0 =	sadd.s32 $0x2DE00, s0  }
0x15: {  	[dreg:$0x14] =	wrdreg s0;
	s30 =	smax.u32 s11, $0x1;
	s18 =	sshrl.u32 s10, $0x3  }
0x16: {  	s0 =	simm.s32 $0x50;
	[dreg:$0x15] =	wrdreg s30;
	s3 =	sadd.s32 s2, s18  }
0x17: {  	s11 =	simm.s32 $0x8;
	s20 =	sadd.s32 s1, s18;
	[dreg:$0x10] =	wrdreg s3  }
0x18: {  	v0 =	vlaneseq.u32;
	s22 =	sadd.s32 $0xA, s18;
	s23 =	sadd.s32 $0x9C40, s20;
	[dreg:$0xe] =	wrdreg s20  }
0x19: {  	v5 =	vmul.u32 $0x90, v0;
	s18 =	simm.s32 $0x4;
	s24 =	sadd.s32 s1, s22;
	[dreg:$0xf] =	wrdreg s23  }
0x1a: {  	s25 =	sadd.s32 $0x9C4A, s20;
	s26 =	sadd.s32 s2, s22;
	[dreg:$0x11] =	wrdreg s24  }
0x1b: {  	v0 =	vimm.f32 $0.0e+00;
	v1 =	vadd.s32 $0x81, v5;
	v2 =	vadd.s32 $0x981, v5;
	s3 =	simm.s32 $0x140;
	s20 =	simm.s32 $0x0;
	[dreg:$0x12] =	wrdreg s25  }
0x1c: {  	v3 =	vadd.s32 $0x1281, v5;
	v4 =	vadd.s32 $0x1B81, v5;
	v5 =	vadd.s32 $0x2481, v5;
	[dreg:$0x13] =	wrdreg s26;
	s23 =	sadd.s32 $0xA0, s10;
	s26 =	simm.s32 $0x1E0  }
.LBB2_1:
0x1d: {  	s8 =	rddreg [dreg:$0x5];
	s17 =	simm.s32 $0x0;
	s19 =	simm.s32 $0x240  }
0x1e: {  	[tilespmem:s26], [sflag:$0x1] =	stream.linear.gather [hbm4b:s8+s5], $0x2710, $0x38;
	[tilespmem:$0x1EB40] =	vst v63  }
.LBB2_2:
0x1f: {  	p0 =	sne.s32 s19, $0xB1C0;
	[tilespmem:s17+$0x29C0] =	vst v0  }
0x20: {  	[tilespmem:s17+$0x2940] =	vst v0  }
0x21: {  	[tilespmem:s17+$0x2950] =	vst v0  }
0x22: {  	[tilespmem:s17+$0x2960] =	vst v0  }
.Ltmp0:
0x23: {  	[tilespmem:s17+$0x2970] =	vst v0;
	(pc) =	sbr.rel @p0 .LBB2_2-.Ltmp0, $4  }
0x24: {  	[tilespmem:s17+$0x2980] =	vst v0  }
0x25: {  	[tilespmem:s17+$0x2990] =	vst v0  }
0x26: {  	[tilespmem:s17+$0x29A0] =	vst v0  }
0x27: {  	[tilespmem:s17+$0x29B0] =	vst v0;
	s17 =	sshra.s32 s19, $0x2;
	s19 =	sadd.s32 $0x240, s19  }
0x28: {  	[tilespmem:s17+$0x29C0] =	vst v0  }
0x29: {  	[tilespmem:s17+$0x2940] =	vst v0  }
0x2a: {  	[tilespmem:s17+$0x2950] =	vst v0  }
0x2b: {  	[tilespmem:s17+$0x2960] =	vst v0  }
0x2c: {  	[tilespmem:s17+$0x2970] =	vst v0  }
0x2d: {  	[tilespmem:s17+$0x2980] =	vst v0  }
0x2e: {  	[tilespmem:s17+$0x2990] =	vst v0  }
0x2f: {  	[tilespmem:s17+$0x29A0] =	vst v0  }
0x30: {  	[tilespmem:s17+$0x29B0] =	vst v0  }
0x31: {  	[spmem:s21] =	stream.linear.scatter [tilespmem:s28], [sflag:$0x3], $0x2D00, $0x38;
	[tilespmem:$0x1EB40] =	vst v63  }
0x32: {  	s8 =	rddreg [dreg:$0x7]  }
0x33: {  	[spmem:s8] =	stream.linear.scatter [tilespmem:s28], [sflag:$0x3], $0x2D00, $0x38;
	[tilespmem:$0x1EB40] =	vst v63  }
0x34: {  	s30 =	rddreg [dreg:$0x8]  }
0x35: {  	[spmem:s30] =	stream.linear.scatter [tilespmem:s28], [sflag:$0x3], $0x2D00, $0x38;
	[tilespmem:$0x1EB40] =	vst v63  }
0x36: {  	s17 =	rddreg [dreg:$0x9]  }
0x37: {  	[spmem:s17] =	stream.linear.scatter [tilespmem:s28], [sflag:$0x3], $0x2D00, $0x38;
	[tilespmem:$0x1EB40] =	vst v63  }
0x38: {  	s19 =	rddreg [dreg:$0xa]  }
0x39: {  	[spmem:s19] =	stream.linear.scatter [tilespmem:s28], [sflag:$0x3], $0x2D00, $0x38;
	[tilespmem:$0x1EB40] =	vst v63  }
0x3a: {  	s21 =	rddreg [dreg:$0xb]  }
0x3b: {  	[spmem:s21] =	stream.linear.scatter [tilespmem:s28], [sflag:$0x3], $0x2D00, $0x38;
	[tilespmem:$0x1EB40] =	vst v63  }
0x3c: {  	s22 =	rddreg [dreg:$0xc]  }
0x3d: {  	[spmem:s22] =	stream.linear.scatter [tilespmem:s28], [sflag:$0x3], $0x2D00, $0x38;
	[tilespmem:$0x1EB40] =	vst v63  }
0x3e: {  	s24 =	rddreg [dreg:$0xd]  }
0x3f: {  	[spmem:s24] =	stream.linear.scatter [tilespmem:s28], [sflag:$0x3], $0x2D00, $0x38;
	[tilespmem:$0x1EB40] =	vst v63  }
0x40: {  	_ =	swait.ge [sflag:s29], $0x2D00  }
0x41: {  	[sflag:s29] =	ssyncset.done $0x0  }
0x42: {  	[sflag:s29] =	ssyncadd.s32 $0xFFFFD300  }
0x43: {  	_ =	swait.ge [sflag:s29], $0x2D00  }
0x44: {  	[sflag:s29] =	ssyncset.done $0x0  }
0x45: {  	[sflag:s29] =	ssyncadd.s32 $0xFFFFD300  }
0x46: {  	_ =	swait.ge [sflag:s29], $0x2D00  }
0x47: {  	[sflag:s29] =	ssyncset.done $0x0  }
0x48: {  	[sflag:s29] =	ssyncadd.s32 $0xFFFFD300  }
0x49: {  	_ =	swait.ge [sflag:s29], $0x2D00  }
0x4a: {  	[sflag:s29] =	ssyncset.done $0x0  }
0x4b: {  	[sflag:s29] =	ssyncadd.s32 $0xFFFFD300  }
0x4c: {  	_ =	swait.ge [sflag:s29], $0x2D00  }
0x4d: {  	[sflag:s29] =	ssyncset.done $0x0  }
0x4e: {  	[sflag:s29] =	ssyncadd.s32 $0xFFFFD300  }
0x4f: {  	_ =	swait.ge [sflag:s29], $0x2D00  }
0x50: {  	[sflag:s29] =	ssyncset.done $0x0  }
0x51: {  	[sflag:s29] =	ssyncadd.s32 $0xFFFFD300  }
0x52: {  	_ =	swait.ge [sflag:s29], $0x2D00  }
0x53: {  	[sflag:s29] =	ssyncset.done $0x0  }
0x54: {  	[sflag:s29] =	ssyncadd.s32 $0xFFFFD300  }
0x55: {  	_ =	swait.ge [sflag:s29], $0x2D00  }
0x56: {  	[sflag:s29] =	ssyncset.done $0x0  }
0x57: {  	s25 =	simm.s32 $0x1;
	[sflag:s29] =	ssyncadd.s32 $0xFFFFD300  }
0x58: {  	_ =	swait.ge [sflag:s25], $0x2710  }
0x59: {  	[sflag:s25] =	ssyncset.done $0x0  }
0x5a: {  	[sflag:s25] =	ssyncadd.s32 $0xFFFFD8F0  }
0x5b: {  	[bflag:$0x0] =	sbarrier.arrive $0xFFFF  }
0x5c: {  	s21 =	simm.s32 $0x0;
	s30 =	rddreg [dreg:$0xe]  }
0x5d: {  	[tilespmem:s21], [sflag:$0x5] =	stream.linear.gather [hbm4b:s30+s21], $0x50, $0x38;
	[tilespmem:$0x1EB40] =	vst v63  }
0x5e: {  	s17 =	rddreg [dreg:$0xf]  }
0x5f: {  	[tilespmem:s31], [sflag:$0x7] =	stream.linear.gather [hbm4b:s17+s21], $0x50, $0x38;
	[tilespmem:$0x1EB40] =	vst v63  }
0x60: {  	s19 =	rddreg [dreg:$0x10]  }
0x61: {  	[tilespmem:s3], [sflag:$0x7] =	stream.linear.gather [hbm4b:s19+s21], $0x50, $0x38;
	[tilespmem:$0x1EB40] =	vst v63  }
0x62: {  	s22 =	rddreg [dreg:$0x11]  }
0x63: {  	[tilespmem:s0], [sflag:$0x6] =	stream.linear.gather [hbm4b:s22+s21], $0x50, $0x38;
	[tilespmem:$0x1EB40] =	vst v63  }
0x64: {  	s24 =	rddreg [dreg:$0x12]  }
0x65: {  	[tilespmem:s6], [sflag:$0x8] =	stream.linear.gather [hbm4b:s24+s21], $0x50, $0x38;
	[tilespmem:$0x1EB40] =	vst v63  }
0x66: {  	s25 =	rddreg [dreg:$0x13];
	s30 =	simm.s32 $0x190  }
0x67: {  	[tilespmem:s30], [sflag:$0x8] =	stream.linear.gather [hbm4b:s25+s21], $0x50, $0x38;
	[tilespmem:$0x1EB40] =	vst v63  }
0x68: {  	_ =	swait.ge [sflag:s9], $0x50  }
0x69: {  	[sflag:s9] =	ssyncset.done $0x0  }
0x6a: {  	[sflag:s9] =	ssyncadd.s32 $0xFFFFFFB0  }
0x6b: {  	_ =	swait.ge [sflag:s9], $0x50  }
0x6c: {  	[sflag:s9] =	ssyncset.done $0x0  }
0x6d: {  	[sflag:s9] =	ssyncadd.s32 $0xFFFFFFB0  }
0x6e: {  	[tilespmem:s28], [sflag:$0x1] =	stream.indirect.gather [hbm4b:s7+s0], $0x90, s31, s0, $0xb8;
	[tilespmem:$0x1EB40] =	vst v63  }
0x6f: {  	_ =	swait.ge [sflag:s11], $0x50  }
0x70: {  	[sflag:s11] =	ssyncset.done $0x0  }
0x71: {  	[sflag:s11] =	ssyncadd.s32 $0xFFFFFFB0  }
0x72: {  	_ =	swait.ge [sflag:s11], $0x50  }
0x73: {  	[sflag:s11] =	ssyncset.done $0x0  }
0x74: {  	[sflag:s11] =	ssyncadd.s32 $0xFFFFFFB0  }
0x75: {  	[tilespmem:s12], [sflag:$0x2] =	stream.indirect.gather [hbm4b:s7+s0], $0x90, s6, s0, $0xb8;
	[tilespmem:$0x1EB40] =	vst v63  }
.LBB2_4:
0x76: {  	_ =	swait.ge [sflag:s13], $0x50  }
0x77: {  	[sflag:s13] =	ssyncset.done $0x0  }
0x78: {  	s25 =	simm.s32 $0x1;
	[sflag:s13] =	ssyncadd.s32 $0xFFFFFFB0  }
0x79: {  	_ =	swait.ge [sflag:s25], $0x2D00  }
0x7a: {  	[sflag:s25] =	ssyncset.done $0x0  }
0x7b: {  	[sflag:s25] =	ssyncadd.s32 $0xFFFFD300  }
0x7c: {  	v6 =	vld [tilespmem:$0x0];
	_ =	sdelay $0x5  }
0x7d: {  	v7 =	vld [tilespmem:$0x140]  }
0x7e: {  	v8 =	vld.idx.msk [tilespmem:v1+s28+$0x0], $0xffff  }
0x7f: {  	v6 =	vld.idx.msk [tilespmem:v6+s26+$0x0], $0xffff;
	_ =	sdelay $0x4  }
0x80: {  	v6 =	vmul.f32 v6, v7;
	v7 =	vmul.f32 v8, v7;
	_ =	sdelay $0x1  }
0x81: {  	v6 =	vadd.f32 v7, v6;
	_ =	sdelay $0x1  }
0x82: {  	v7 =	vmul.f32 $2.000000030e-01, v6  }
0x83: {  	vm0 =	vge.f32 v6, $0.0e+00  }
0x84: {  	v6 =	vsel vm0, v6, v7  }
0x85: {  	v6 =	vmul.f32 $1.442695020e+00, v6;
	_ =	sdelay $0x1  }
0x86: {  	(erf) = vpow2.f32 v6;
	_ =	sdelay $0x2  }
0x87: {  	v6 =	vld [tilespmem:$0x10];
	_ =	sdelay $0x5  }
0x88: {  	v7 =	vpop (erf)  }
0x89: {  	[tilespmem:$0x28F0] =	vst v7;
	v7 =	vld [tilespmem:$0x150]  }
0x8a: {  	v6 =	vld.idx.msk [tilespmem:v6+s26+$0x0], $0xffff  }
0x8b: {  	v8 =	vld.idx.msk [tilespmem:v2+s28+$0x0], $0xffff;
	_ =	sdelay $0x4  }
0x8c: {  	v6 =	vmul.f32 v6, v7;
	v7 =	vmul.f32 v8, v7;
	_ =	sdelay $0x1  }
0x8d: {  	v6 =	vadd.f32 v7, v6;
	_ =	sdelay $0x1  }
0x8e: {  	v7 =	vmul.f32 $2.000000030e-01, v6  }
0x8f: {  	vm12 =	vge.f32 v6, $0.0e+00  }
0x90: {  	v6 =	vsel vm12, v6, v7  }
0x91: {  	v6 =	vmul.f32 $1.442695020e+00, v6;
	_ =	sdelay $0x1  }
0x92: {  	(erf) = vpow2.f32 v6;
	_ =	sdelay $0x2  }
0x93: {  	v6 =	vld [tilespmem:$0x20];
	_ =	sdelay $0x5  }
0x94: {  	v7 =	vpop (erf)  }
0x95: {  	[tilespmem:$0x2900] =	vst v7;
	v7 =	vld [tilespmem:$0x160]  }
0x96: {  	v6 =	vld.idx.msk [tilespmem:v6+s26+$0x0], $0xffff  }
0x97: {  	v8 =	vld.idx.msk [tilespmem:v3+s28+$0x0], $0xffff;
	_ =	sdelay $0x4  }
0x98: {  	v6 =	vmul.f32 v6, v7;
	v7 =	vmul.f32 v8, v7;
	_ =	sdelay $0x1  }
0x99: {  	v6 =	vadd.f32 v7, v6;
	_ =	sdelay $0x1  }
0x9a: {  	v7 =	vmul.f32 $2.000000030e-01, v6  }
0x9b: {  	vm13 =	vge.f32 v6, $0.0e+00  }
0x9c: {  	v6 =	vsel vm13, v6, v7  }
0x9d: {  	v6 =	vmul.f32 $1.442695020e+00, v6;
	_ =	sdelay $0x1  }
0x9e: {  	(erf) = vpow2.f32 v6;
	_ =	sdelay $0x2  }
0x9f: {  	v6 =	vld [tilespmem:$0x30];
	_ =	sdelay $0x5  }
0xa0: {  	v7 =	vpop (erf)  }
0xa1: {  	[tilespmem:$0x2910] =	vst v7;
	v7 =	vld [tilespmem:$0x170]  }
0xa2: {  	v6 =	vld.idx.msk [tilespmem:v6+s26+$0x0], $0xffff  }
0xa3: {  	v8 =	vld.idx.msk [tilespmem:v4+s28+$0x0], $0xffff;
	_ =	sdelay $0x4  }
0xa4: {  	v6 =	vmul.f32 v6, v7;
	v7 =	vmul.f32 v8, v7;
	_ =	sdelay $0x1  }
0xa5: {  	v6 =	vadd.f32 v7, v6;
	_ =	sdelay $0x1  }
0xa6: {  	v7 =	vmul.f32 $2.000000030e-01, v6  }
0xa7: {  	vm14 =	vge.f32 v6, $0.0e+00  }
0xa8: {  	v6 =	vsel vm14, v6, v7  }
0xa9: {  	v6 =	vmul.f32 $1.442695020e+00, v6;
	_ =	sdelay $0x1  }
0xaa: {  	(erf) = vpow2.f32 v6;
	_ =	sdelay $0x2  }
0xab: {  	v6 =	vld [tilespmem:$0x40];
	_ =	sdelay $0x5  }
0xac: {  	v7 =	vpop (erf)  }
0xad: {  	[tilespmem:$0x2920] =	vst v7;
	v7 =	vld [tilespmem:$0x180]  }
0xae: {  	v6 =	vld.idx.msk [tilespmem:v6+s26+$0x0], $0xffff  }
0xaf: {  	v8 =	vld.idx.msk [tilespmem:v5+s28+$0x0], $0xffff;
	_ =	sdelay $0x4  }
0xb0: {  	v6 =	vmul.f32 v6, v7;
	v7 =	vmul.f32 v8, v7;
	_ =	sdelay $0x1  }
0xb1: {  	v6 =	vadd.f32 v7, v6;
	_ =	sdelay $0x1  }
0xb2: {  	v7 =	vmul.f32 $2.000000030e-01, v6  }
0xb3: {  	vm15 =	vge.f32 v6, $0.0e+00  }
0xb4: {  	v6 =	vsel vm15, v6, v7  }
0xb5: {  	v6 =	vmul.f32 $1.442695020e+00, v6;
	_ =	sdelay $0x1  }
0xb6: {  	(erf) = vpow2.f32 v6;
	_ =	sdelay $0x7  }
0xb7: {  	s17 =	smul.u32 $0xA0, s21  }
0xb8: {  	s19 =	simm.s32 $0x0;
	v6 =	vpop (erf)  }
0xb9: {  	s17 =	sadd.s32 s17, s23;
	[tilespmem:$0x2930] =	vst v6;
	v6 =	vmov s19  }
0xba: {  	s17 =	sshrl.u32 s17, $0x3;
	v6 =	vand.u32 $0xFFFFFFFE, v6  }
0xbb: {  	s22 =	sadd.s32 s1, s17;
	v6 =	vbroadcast v6, $0x0  }
0xbc: {  	s24 =	sadd.s32 $0x9C40, s22  }
0xbd: {  	[tilespmem:s31], [sflag:$0x7] =	stream.linear.gather [hbm4b:s24+s5], $0x50, $0x38;
	[tilespmem:$0x1EB40] =	vst v63  }
0xbe: {  	s17 =	sadd.s32 s2, s17;
	s24 =	simm.s32 $0x29D0  }
0xbf: {  	[tilespmem:s3], [sflag:$0x7] =	stream.linear.gather [hbm4b:s17+s5], $0x50, $0x38;
	[tilespmem:$0x1EB40] =	vst v63  }
0xc0: {  	v9 =	vld [tilespmem:s24+$0xFFFFFFA0]  }
0xc1: {  	v10 =	vld.idx.msk [tilespmem:v6+s14+$0x0], $0xffff  }
0xc2: {  	v8 =	vld [tilespmem:s24+$0xFFFFFF90]  }
0xc3: {  	v11 =	vld [tilespmem:s24+$0xFFFFFF70]  }
0xc4: {  	v6 =	vld [tilespmem:s24+$0xFFFFFF80]  }
0xc5: {  	v7 =	vld [tilespmem:s24+$0xFFFFFFE0]  }
0xc6: {  	v13 =	vld [tilespmem:s24+$0xFFFFFFF0];
	v9 =	vmul.f32 v9, v10  }
0xc7: {  	v14 =	vld [tilespmem:s24+$0xFFFFFFC0];
	v8 =	vmul.f32 v8, v10  }
0xc8: {  	v12 =	vld [tilespmem:s24+$0xFFFFFFB0];
	v11 =	vmul.f32 v11, v10;
	[tilespmem:s24+$0xFFFFFFA0] =	vst v9  }
0xc9: {  	v15 =	vld [tilespmem:s24+$0xFFFFFFD0];
	v6 =	vmul.f32 v6, v10;
	[tilespmem:s24+$0xFFFFFF90] =	vst v8  }
0xca: {  	v7 =	vmul.f32 v7, v10;
	[tilespmem:s24+$0xFFFFFF70] =	vst v11  }
0xcb: {  	v8 =	vmul.f32 v13, v10;
	[tilespmem:s24+$0xFFFFFF80] =	vst v6  }
0xcc: {  	v11 =	vmul.f32 v14, v10;
	[tilespmem:s24+$0xFFFFFFE0] =	vst v7  }
0xcd: {  	v6 =	vld [tilespmem:s24+$0x70];
	v9 =	vmov s25;
	[tilespmem:s24+$0xFFFFFFF0] =	vst v8  }
0xce: {  	s17 =	simm.s32 $0x3;
	v7 =	vld [tilespmem:s24+$0x50];
	s25 =	simm.s32 $0x29D0;
	v8 =	vmul.f32 v12, v10;
	v10 =	vmul.f32 v15, v10;
	[tilespmem:s24+$0xFFFFFFC0] =	vst v11  }
.LBB2_5:
0xcf: {  	p0 =	sne.s32 s17, $0x4F  }
0xd0: {  	[tilespmem:s24+$0xFFFFFFD0] =	vst v10;
	v10 =	vld [tilespmem:s24+$0x0];
	s25 =	sadd.s32 $0x120, s25;
	s30 =	smov.u32 s17;
	s17 =	sadd.s32 $0x2, s17  }
0xd1: {  	[tilespmem:s24+$0xFFFFFFB0] =	vst v8;
	v8 =	vld [tilespmem:s24+$0x30]  }
0xd2: {  	v9 =	vld.idx.msk [tilespmem:v9+s14+$0x0], $0xffff  }
0xd3: {  	v11 =	vld [tilespmem:s24+$0x10]  }
0xd4: {  	v12 =	vld [tilespmem:s24+$0x20]  }
0xd5: {  	v13 =	vld [tilespmem:s24+$0x40]  }
0xd6: {  	v14 =	vld [tilespmem:s24+$0x60]  }
0xd7: {  	v15 =	vld [tilespmem:s24+$0x80]  }
0xd8: {  	s19 =	sadd.s32 $0xFFFFFFFF, s30;
	v10 =	vmul.f32 v10, v9;
	v11 =	vmul.f32 v11, v9  }
0xd9: {  	v16 =	vmov s19;
	v8 =	vmul.f32 v8, v9;
	v12 =	vmul.f32 v12, v9  }
0xda: {  	v16 =	vand.u32 $0xFFFFFFFE, v16;
	v7 =	vmul.f32 v7, v9;
	[tilespmem:s24+$0x0] =	vst v10;
	v10 =	vmul.f32 v13, v9  }
0xdb: {  	v13 =	vbroadcast v16, $0x0;
	[tilespmem:s24+$0x20] =	vst v12;
	v12 =	vmul.f32 v14, v9  }
0xdc: {  	v6 =	vmul.f32 v6, v9;
	[tilespmem:s24+$0x30] =	vst v8;
	v8 =	vmul.f32 v15, v9  }
0xdd: {  	[tilespmem:s24+$0x40] =	vst v10  }
0xde: {  	[tilespmem:s24+$0x60] =	vst v12  }
0xdf: {  	[tilespmem:s24+$0x70] =	vst v6  }
0xe0: {  	v6 =	vld [tilespmem:s25+$0xFFFFFFE0];
	[tilespmem:s24+$0x50] =	vst v7  }
0xe1: {  	v7 =	vld [tilespmem:s25+$0xFFFFFF90];
	[tilespmem:s24+$0x10] =	vst v11  }
0xe2: {  	v9 =	vld [tilespmem:s25+$0xFFFFFFA0];
	[tilespmem:s24+$0x80] =	vst v8;
	s24 =	smov.u32 s25  }
0xe3: {  	v10 =	vld.idx.msk [tilespmem:v13+s14+$0x0], $0xffff  }
0xe4: {  	v8 =	vld [tilespmem:s25+$0xFFFFFF80]  }
0xe5: {  	v11 =	vld [tilespmem:s25+$0xFFFFFFB0]  }
0xe6: {  	v12 =	vld [tilespmem:s25+$0xFFFFFF70]  }
0xe7: {  	v13 =	vld [tilespmem:s25+$0xFFFFFFF0]  }
0xe8: {  	v14 =	vld [tilespmem:s25+$0xFFFFFFC0]  }
0xe9: {  	v9 =	vmul.f32 v9, v10;
	v15 =	vmul.f32 v8, v10;
	v16 =	vld [tilespmem:s25+$0xFFFFFFD0]  }
0xea: {  	v7 =	vmul.f32 v7, v10;
	v8 =	vmul.f32 v11, v10  }
0xeb: {  	v6 =	vmul.f32 v6, v10;
	v11 =	vmul.f32 v12, v10;
	[tilespmem:s25+$0xFFFFFFA0] =	vst v9  }
0xec: {  	[tilespmem:s25+$0xFFFFFF90] =	vst v7;
	v7 =	vmul.f32 v13, v10  }
.Ltmp1:
0xed: {  	[tilespmem:s25+$0xFFFFFF70] =	vst v11;
	v11 =	vmul.f32 v14, v10;
	(pc) =	sbr.rel @p0 .LBB2_5-.Ltmp1, $4  }
0xee: {  	[tilespmem:s25+$0xFFFFFF80] =	vst v15;
	v10 =	vmul.f32 v16, v10  }
0xef: {  	v9 =	vmov s30;
	[tilespmem:s25+$0xFFFFFFF0] =	vst v7  }
0xf0: {  	[tilespmem:s25+$0xFFFFFFE0] =	vst v6;
	v6 =	vld [tilespmem:s25+$0x70]  }
0xf1: {  	[tilespmem:s25+$0xFFFFFFC0] =	vst v11;
	v7 =	vld [tilespmem:s25+$0x50]  }
0xf2: {  	_ =	sdelay $0x1  }
0xf3: {  	[tilespmem:s24+$0xFFFFFFD0] =	vst v10  }
0xf4: {  	v10 =	vld [tilespmem:s24+$0x0];
	[tilespmem:s24+$0xFFFFFFB0] =	vst v8  }
0xf5: {  	v8 =	vld.idx.msk [tilespmem:v9+s14+$0x0], $0xffff  }
0xf6: {  	v9 =	vld [tilespmem:s24+$0x20]  }
0xf7: {  	v11 =	vld [tilespmem:s24+$0x30]  }
0xf8: {  	v12 =	vld [tilespmem:s24+$0x40];
	_ =	sdelay $0x1  }
0xf9: {  	v13 =	vld [tilespmem:s24+$0x60];
	v10 =	vmul.f32 v10, v8  }
0xfa: {  	v9 =	vmul.f32 v9, v8  }
0xfb: {  	v14 =	vld [tilespmem:s24+$0x10];
	v11 =	vmul.f32 v11, v8;
	[tilespmem:s24+$0x0] =	vst v10  }
0xfc: {  	v12 =	vmul.f32 v12, v8;
	v10 =	vld [tilespmem:s24+$0x80];
	[tilespmem:s24+$0x20] =	vst v9  }
0xfd: {  	v6 =	vmul.f32 v6, v8;
	[tilespmem:s24+$0x30] =	vst v11  }
0xfe: {  	v9 =	vmul.f32 v13, v8;
	[tilespmem:s24+$0x40] =	vst v12  }
0xff: {  	v7 =	vmul.f32 v7, v8;
	[tilespmem:s24+$0x70] =	vst v6  }
0x100: {  	[tilespmem:s24+$0x60] =	vst v9;
	v9 =	vmul.f32 v14, v8  }
0x101: {  	[tilespmem:s24+$0x50] =	vst v7;
	v6 =	vmul.f32 v10, v8  }
0x102: {  	[tilespmem:s24+$0x10] =	vst v9  }
0x103: {  	[tilespmem:s24+$0x80] =	vst v6  }
0x104: {  	[spmem:s4] =	stream.indirect.scatter.add.f32 [tilespmem:s28], [sflag:$0x3], $0x90, s5, s0, $0xb8;
	[tilespmem:$0x1EB40] =	vst v63  }
0x105: {  	_ =	swait.ge [sflag:s15], $0x50  }
0x106: {  	[sflag:s15] =	ssyncset.done $0x0  }
0x107: {  	[sflag:s15] =	ssyncadd.s32 $0xFFFFFFB0  }
0x108: {  	_ =	swait.ge [sflag:s16], $0x2D00  }
0x109: {  	[sflag:s16] =	ssyncset.done $0x0  }
0x10a: {  	[sflag:s16] =	ssyncadd.s32 $0xFFFFD300  }
0x10b: {  	v6 =	vld [tilespmem:$0x50];
	_ =	sdelay $0x5  }
0x10c: {  	v7 =	vld [tilespmem:$0x190]  }
0x10d: {  	v8 =	vld.idx.msk [tilespmem:v1+s12+$0x0], $0xffff  }
0x10e: {  	v6 =	vld.idx.msk [tilespmem:v6+s26+$0x0], $0xffff;
	_ =	sdelay $0x4  }
0x10f: {  	v6 =	vmul.f32 v6, v7;
	v7 =	vmul.f32 v8, v7;
	_ =	sdelay $0x1  }
0x110: {  	v6 =	vadd.f32 v7, v6;
	_ =	sdelay $0x1  }
0x111: {  	v7 =	vmul.f32 $2.000000030e-01, v6  }
0x112: {  	vm0 =	vge.f32 v6, $0.0e+00  }
0x113: {  	v6 =	vsel vm0, v6, v7  }
0x114: {  	v6 =	vmul.f32 $1.442695020e+00, v6;
	_ =	sdelay $0x1  }
0x115: {  	(erf) = vpow2.f32 v6;
	_ =	sdelay $0x2  }
0x116: {  	v6 =	vld [tilespmem:$0x60];
	_ =	sdelay $0x5  }
0x117: {  	v7 =	vpop (erf)  }
0x118: {  	[tilespmem:$0x28F0] =	vst v7;
	v7 =	vld [tilespmem:$0x1A0]  }
0x119: {  	v6 =	vld.idx.msk [tilespmem:v6+s26+$0x0], $0xffff  }
0x11a: {  	v8 =	vld.idx.msk [tilespmem:v2+s12+$0x0], $0xffff;
	_ =	sdelay $0x4  }
0x11b: {  	v6 =	vmul.f32 v6, v7;
	v7 =	vmul.f32 v8, v7;
	_ =	sdelay $0x1  }
0x11c: {  	v6 =	vadd.f32 v7, v6;
	_ =	sdelay $0x1  }
0x11d: {  	v7 =	vmul.f32 $2.000000030e-01, v6  }
0x11e: {  	vm12 =	vge.f32 v6, $0.0e+00  }
0x11f: {  	v6 =	vsel vm12, v6, v7  }
0x120: {  	v6 =	vmul.f32 $1.442695020e+00, v6;
	_ =	sdelay $0x1  }
0x121: {  	(erf) = vpow2.f32 v6;
	_ =	sdelay $0x2  }
0x122: {  	v6 =	vld [tilespmem:$0x70];
	_ =	sdelay $0x5  }
0x123: {  	v7 =	vpop (erf)  }
0x124: {  	[tilespmem:$0x2900] =	vst v7;
	v7 =	vld [tilespmem:$0x1B0]  }
0x125: {  	v6 =	vld.idx.msk [tilespmem:v6+s26+$0x0], $0xffff  }
0x126: {  	v8 =	vld.idx.msk [tilespmem:v3+s12+$0x0], $0xffff;
	_ =	sdelay $0x4  }
0x127: {  	v6 =	vmul.f32 v6, v7;
	v7 =	vmul.f32 v8, v7;
	_ =	sdelay $0x1  }
0x128: {  	v6 =	vadd.f32 v7, v6;
	_ =	sdelay $0x1  }
0x129: {  	v7 =	vmul.f32 $2.000000030e-01, v6  }
0x12a: {  	vm13 =	vge.f32 v6, $0.0e+00  }
0x12b: {  	v6 =	vsel vm13, v6, v7  }
0x12c: {  	v6 =	vmul.f32 $1.442695020e+00, v6;
	_ =	sdelay $0x1  }
0x12d: {  	(erf) = vpow2.f32 v6;
	_ =	sdelay $0x2  }
0x12e: {  	v6 =	vld [tilespmem:$0x80];
	_ =	sdelay $0x5  }
0x12f: {  	v7 =	vpop (erf)  }
0x130: {  	[tilespmem:$0x2910] =	vst v7;
	v7 =	vld [tilespmem:$0x1C0]  }
0x131: {  	v6 =	vld.idx.msk [tilespmem:v6+s26+$0x0], $0xffff  }
0x132: {  	v8 =	vld.idx.msk [tilespmem:v4+s12+$0x0], $0xffff;
	_ =	sdelay $0x4  }
0x133: {  	v6 =	vmul.f32 v6, v7;
	v7 =	vmul.f32 v8, v7;
	_ =	sdelay $0x1  }
0x134: {  	v6 =	vadd.f32 v7, v6;
	_ =	sdelay $0x1  }
0x135: {  	v7 =	vmul.f32 $2.000000030e-01, v6  }
0x136: {  	vm14 =	vge.f32 v6, $0.0e+00  }
0x137: {  	v6 =	vsel vm14, v6, v7  }
0x138: {  	v6 =	vmul.f32 $1.442695020e+00, v6;
	_ =	sdelay $0x1  }
0x139: {  	(erf) = vpow2.f32 v6;
	_ =	sdelay $0x2  }
0x13a: {  	v6 =	vld [tilespmem:$0x90];
	_ =	sdelay $0x5  }
0x13b: {  	v7 =	vpop (erf)  }
0x13c: {  	[tilespmem:$0x2920] =	vst v7;
	v7 =	vld [tilespmem:$0x1D0]  }
0x13d: {  	v6 =	vld.idx.msk [tilespmem:v6+s26+$0x0], $0xffff  }
0x13e: {  	v8 =	vld.idx.msk [tilespmem:v5+s12+$0x0], $0xffff;
	_ =	sdelay $0x4  }
0x13f: {  	v6 =	vmul.f32 v6, v7;
	v7 =	vmul.f32 v8, v7;
	_ =	sdelay $0x1  }
0x140: {  	v6 =	vadd.f32 v7, v6;
	_ =	sdelay $0x1  }
0x141: {  	v7 =	vmul.f32 $2.000000030e-01, v6  }
0x142: {  	vm15 =	vge.f32 v6, $0.0e+00  }
0x143: {  	v6 =	vsel vm15, v6, v7  }
0x144: {  	v6 =	vmul.f32 $1.442695020e+00, v6;
	_ =	sdelay $0x1  }
0x145: {  	(erf) = vpow2.f32 v6;
	_ =	sdelay $0x5  }
0x146: {  	s17 =	sshll.u32 s21, $0x1  }
0x147: {  	p0 =	seq.s32 s21, $0x3D;
	s24 =	sadd.s32 $0x3, s17  }
0x148: {  	s17 =	smul.u32 @!p0 $0x50, s24  }
0x149: {  	s25 =	simm.s32 $0x0;
	v6 =	vpop (erf)  }
0x14a: {  	s17 =	sadd.s32 @!p0 s10, s17;
	[tilespmem:$0x2930] =	vst v6;
	v6 =	vmov s25  }
0x14b: {  	s17 =	sshrl.u32 @!p0 s17, $0x3;
	v6 =	vand.u32 $0xFFFFFFFE, v6  }
0x14c: {  	s19 =	sadd.s32 @!p0 s1, s17;
	v6 =	vbroadcast v6, $0x0  }
0x14d: {  	s30 =	simm.s32 @!p0 $0x0;
	s19 =	sadd.s32 @!p0 $0x9C40, s19;
	s25 =	simm.s32 @!p0 $0xF0  }
0x14e: {  	[tilespmem:s25], [sflag:$0x8] =	stream.linear.gather @!p0 [hbm4b:s19+s30], $0x50, $0x38;
	[tilespmem:$0x1EB40] =	vst v63  }
0x14f: {  	s17 =	sadd.s32 @!p0 s2, s17;
	s19 =	simm.s32 @!p0 $0x190;
	s25 =	simm.s32 $0x56D0  }
0x150: {  	[tilespmem:s19], [sflag:$0x8] =	stream.linear.gather @!p0 [hbm4b:s17+s30], $0x50, $0x38;
	[tilespmem:$0x1EB40] =	vst v63  }
0x151: {  	v9 =	vld [tilespmem:s25+$0xFFFFFFA0]  }
0x152: {  	v10 =	vld.idx.msk [tilespmem:v6+s14+$0x0], $0xffff  }
0x153: {  	v8 =	vld [tilespmem:s25+$0xFFFFFF90]  }
0x154: {  	v11 =	vld [tilespmem:s25+$0xFFFFFF70]  }
0x155: {  	v6 =	vld [tilespmem:s25+$0xFFFFFF80]  }
0x156: {  	v7 =	vld [tilespmem:s25+$0xFFFFFFE0]  }
0x157: {  	v62 =	vld [tilespmem:s25+$0xFFFFFFF0];
	v9 =	vmul.f32 v9, v10  }
0x158: {  	v63 =	vld [tilespmem:s25+$0xFFFFFFC0];
	v8 =	vmul.f32 v8, v10  }
0x159: {  	v61 =	vld [tilespmem:s25+$0xFFFFFFB0];
	v11 =	vmul.f32 v11, v10;
	[tilespmem:s25+$0xFFFFFFA0] =	vst v9  }
0x15a: {  	v15 =	vld [tilespmem:s25+$0xFFFFFFD0];
	v6 =	vmul.f32 v6, v10;
	[tilespmem:s25+$0xFFFFFF90] =	vst v8  }
0x15b: {  	v7 =	vmul.f32 v7, v10;
	[tilespmem:s25+$0xFFFFFF70] =	vst v11  }
0x15c: {  	v8 =	vmul.f32 v62, v10;
	[tilespmem:s25+$0xFFFFFF80] =	vst v6  }
0x15d: {  	s8 =	simm.s32 $0x1;
	v11 =	vmul.f32 v63, v10;
	[tilespmem:s25+$0xFFFFFFE0] =	vst v7  }
0x15e: {  	v6 =	vld [tilespmem:s25+$0x70];
	v9 =	vmov s8;
	[tilespmem:s25+$0xFFFFFFF0] =	vst v8  }
0x15f: {  	s17 =	simm.s32 $0x3;
	s30 =	simm.s32 $0x56D0;
	v7 =	vld [tilespmem:s25+$0x50];
	v8 =	vmul.f32 v61, v10;
	v10 =	vmul.f32 v15, v10;
	[tilespmem:s25+$0xFFFFFFC0] =	vst v11  }
.LBB2_7:
0x160: {  	p1 =	sne.s32 s17, $0x4F  }
0x161: {  	[tilespmem:s25+$0xFFFFFFD0] =	vst v10;
	v10 =	vld [tilespmem:s25+$0x0];
	s30 =	sadd.s32 $0x120, s30;
	s19 =	smov.u32 s17;
	s17 =	sadd.s32 $0x2, s17  }
0x162: {  	[tilespmem:s25+$0xFFFFFFB0] =	vst v8;
	v8 =	vld [tilespmem:s25+$0x30]  }
0x163: {  	v9 =	vld.idx.msk [tilespmem:v9+s14+$0x0], $0xffff  }
0x164: {  	v11 =	vld [tilespmem:s25+$0x10]  }
0x165: {  	v12 =	vld [tilespmem:s25+$0x20]  }
0x166: {  	v13 =	vld [tilespmem:s25+$0x40]  }
0x167: {  	v14 =	vld [tilespmem:s25+$0x60]  }
0x168: {  	v15 =	vld [tilespmem:s25+$0x80]  }
0x169: {  	s8 =	sadd.s32 $0xFFFFFFFF, s19;
	v10 =	vmul.f32 v10, v9;
	v11 =	vmul.f32 v11, v9  }
0x16a: {  	v16 =	vmov s8;
	v8 =	vmul.f32 v8, v9;
	v12 =	vmul.f32 v12, v9  }
0x16b: {  	v16 =	vand.u32 $0xFFFFFFFE, v16;
	v7 =	vmul.f32 v7, v9;
	[tilespmem:s25+$0x0] =	vst v10;
	v10 =	vmul.f32 v13, v9  }
0x16c: {  	v13 =	vbroadcast v16, $0x0;
	[tilespmem:s25+$0x20] =	vst v12;
	v12 =	vmul.f32 v14, v9  }
0x16d: {  	v6 =	vmul.f32 v6, v9;
	[tilespmem:s25+$0x30] =	vst v8;
	v8 =	vmul.f32 v15, v9  }
0x16e: {  	[tilespmem:s25+$0x40] =	vst v10  }
0x16f: {  	[tilespmem:s25+$0x60] =	vst v12  }
0x170: {  	[tilespmem:s25+$0x70] =	vst v6  }
0x171: {  	v6 =	vld [tilespmem:s30+$0xFFFFFFE0];
	[tilespmem:s25+$0x50] =	vst v7  }
0x172: {  	v7 =	vld [tilespmem:s30+$0xFFFFFF90];
	[tilespmem:s25+$0x10] =	vst v11  }
0x173: {  	v9 =	vld [tilespmem:s30+$0xFFFFFFA0];
	[tilespmem:s25+$0x80] =	vst v8;
	s25 =	smov.u32 s30  }
0x174: {  	v10 =	vld.idx.msk [tilespmem:v13+s14+$0x0], $0xffff  }
0x175: {  	v8 =	vld [tilespmem:s30+$0xFFFFFF80]  }
0x176: {  	v11 =	vld [tilespmem:s30+$0xFFFFFFB0]  }
0x177: {  	v12 =	vld [tilespmem:s30+$0xFFFFFF70]  }
0x178: {  	v13 =	vld [tilespmem:s30+$0xFFFFFFF0]  }
0x179: {  	v14 =	vld [tilespmem:s30+$0xFFFFFFC0]  }
0x17a: {  	v9 =	vmul.f32 v9, v10;
	v15 =	vmul.f32 v8, v10;
	v16 =	vld [tilespmem:s30+$0xFFFFFFD0]  }
0x17b: {  	v7 =	vmul.f32 v7, v10;
	v8 =	vmul.f32 v11, v10  }
0x17c: {  	v6 =	vmul.f32 v6, v10;
	v11 =	vmul.f32 v12, v10;
	[tilespmem:s30+$0xFFFFFFA0] =	vst v9  }
0x17d: {  	[tilespmem:s30+$0xFFFFFF90] =	vst v7;
	v7 =	vmul.f32 v13, v10  }
.Ltmp2:
0x17e: {  	[tilespmem:s30+$0xFFFFFF70] =	vst v11;
	v11 =	vmul.f32 v14, v10;
	(pc) =	sbr.rel @p1 .LBB2_7-.Ltmp2, $4  }
0x17f: {  	[tilespmem:s30+$0xFFFFFF80] =	vst v15;
	v10 =	vmul.f32 v16, v10  }
0x180: {  	v9 =	vmov s19;
	[tilespmem:s30+$0xFFFFFFF0] =	vst v7  }
0x181: {  	[tilespmem:s30+$0xFFFFFFE0] =	vst v6;
	v6 =	vld [tilespmem:s30+$0x70]  }
0x182: {  	[tilespmem:s30+$0xFFFFFFC0] =	vst v11;
	v7 =	vld [tilespmem:s30+$0x50]  }
0x183: {  	_ =	sdelay $0x1  }
0x184: {  	[tilespmem:s25+$0xFFFFFFD0] =	vst v10  }
0x185: {  	v59 =	vld [tilespmem:s25+$0x0];
	[tilespmem:s25+$0xFFFFFFB0] =	vst v8  }
0x186: {  	v8 =	vld.idx.msk [tilespmem:v9+s14+$0x0], $0xffff  }
0x187: {  	v60 =	vld [tilespmem:s25+$0x20]  }
0x188: {  	v11 =	vld [tilespmem:s25+$0x30]  }
0x189: {  	v12 =	vld [tilespmem:s25+$0x40]  }
0x18a: {  	v13 =	vld [tilespmem:s25+$0x60]  }
0x18b: {  	v10 =	vmul.f32 v59, v8  }
0x18c: {  	v9 =	vmul.f32 v60, v8  }
0x18d: {  	v14 =	vld [tilespmem:s25+$0x10];
	v11 =	vmul.f32 v11, v8;
	[tilespmem:s25+$0x0] =	vst v10  }
0x18e: {  	v61 =	vld [tilespmem:s25+$0x80];
	v12 =	vmul.f32 v12, v8;
	[tilespmem:s25+$0x20] =	vst v9  }
0x18f: {  	v62 =	vmul.f32 v13, v8;
	[tilespmem:s25+$0x30] =	vst v11  }
0x190: {  	v6 =	vmul.f32 v6, v8;
	[tilespmem:s25+$0x40] =	vst v12  }
0x191: {  	v7 =	vmul.f32 v7, v8;
	[tilespmem:s25+$0x60] =	vst v62  }
0x192: {  	v63 =	vmul.f32 v14, v8;
	[tilespmem:s25+$0x70] =	vst v6  }
0x193: {  	v6 =	vmul.f32 v61, v8;
	[tilespmem:s25+$0x50] =	vst v7  }
0x194: {  	[tilespmem:s25+$0x10] =	vst v63  }
0x195: {  	[tilespmem:s25+$0x80] =	vst v6  }
0x196: {  	[spmem:s4] =	stream.indirect.scatter.add.f32 [tilespmem:s12], [sflag:$0x4], $0x90, s0, s0, $0xb8;
	[tilespmem:$0x1EB40] =	vst v63  }
0x197: {  	_ =	swait.ge [sflag:s29], $0x2D00  }
0x198: {  	[sflag:s29] =	ssyncset.done $0x0  }
0x199: {  	[sflag:s29] =	ssyncadd.s32 $0xFFFFD300  }
0x19a: {  	[tilespmem:s5], [sflag:$0x5] =	stream.linear.gather [hbm4b:s22+s5], $0x50, $0x38;
	[tilespmem:$0x1EB40] =	vst v63  }
0x19b: {  	_ =	swait.ge [sflag:s9], $0x50  }
0x19c: {  	[sflag:s9] =	ssyncset.done $0x0  }
0x19d: {  	[sflag:s9] =	ssyncadd.s32 $0xFFFFFFB0  }
0x19e: {  	_ =	swait.ge [sflag:s9], $0x50  }
0x19f: {  	[sflag:s9] =	ssyncset.done $0x0  }
.Ltmp3:
0x1a0: {  	[sflag:s9] =	ssyncadd.s32 $0xFFFFFFB0;
	(pc) =	sbr.rel @p0 .LBB2_10-.Ltmp3, $4  }
0x1a1: {  	[tilespmem:s28], [sflag:$0x1] =	stream.indirect.gather [hbm4b:s7+s0], $0x90, s31, s0, $0xb8;
	[tilespmem:$0x1EB40] =	vst v63  }
0x1a2: {  	_ =	swait.ge [sflag:s18], $0x2D00  }
0x1a3: {  	[sflag:s18] =	ssyncset.done $0x0  }
0x1a4: {  	[sflag:s18] =	ssyncadd.s32 $0xFFFFD300  }
0x1a5: {  	s8 =	smul.u32 $0x50, s24;
	_ =	sdelay $0x1  }
0x1a6: {  	s8 =	sadd.s32 s10, s8  }
0x1a7: {  	s8 =	sshrl.u32 s8, $0x3  }
0x1a8: {  	s8 =	sadd.s32 s1, s8  }
0x1a9: {  	[tilespmem:s0], [sflag:$0x6] =	stream.linear.gather [hbm4b:s8+s5], $0x50, $0x38;
	[tilespmem:$0x1EB40] =	vst v63  }
0x1aa: {  	_ =	swait.ge [sflag:s11], $0x50  }
0x1ab: {  	[sflag:s11] =	ssyncset.done $0x0  }
.Ltmp4:
0x1ac: {  	[sflag:s11] =	ssyncadd.s32 $0xFFFFFFB0;
	(pc) =	sbr.rel .LBB2_4-.Ltmp4, $4  }
0x1ad: {  	_ =	swait.ge [sflag:s11], $0x50  }
0x1ae: {  	[sflag:s11] =	ssyncset.done $0x0  }
0x1af: {  	s21 =	sadd.s32 $0x1, s21;
	[sflag:s11] =	ssyncadd.s32 $0xFFFFFFB0  }
0x1b0: {  	[tilespmem:s12], [sflag:$0x2] =	stream.indirect.gather [hbm4b:s7+s0], $0x90, s6, s0, $0xb8;
	[tilespmem:$0x1EB40] =	vst v63  }
.LBB2_10:
0x1b1: {  	_ =	swait.ge [sflag:s13], $0x50  }
0x1b2: {  	[sflag:s13] =	ssyncset.done $0x0  }
0x1b3: {  	s22 =	simm.s32 $0x1;
	[sflag:s13] =	ssyncadd.s32 $0xFFFFFFB0  }
0x1b4: {  	_ =	swait.ge [sflag:s22], $0x2D00  }
0x1b5: {  	[sflag:s22] =	ssyncset.done $0x0  }
0x1b6: {  	[sflag:s22] =	ssyncadd.s32 $0xFFFFD300  }
0x1b7: {  	v6 =	vld [tilespmem:$0x0];
	_ =	sdelay $0x5  }
0x1b8: {  	v7 =	vld [tilespmem:$0x140]  }
0x1b9: {  	v8 =	vld.idx.msk [tilespmem:v1+s28+$0x0], $0xffff  }
0x1ba: {  	v6 =	vld.idx.msk [tilespmem:v6+s26+$0x0], $0xffff;
	_ =	sdelay $0x4  }
0x1bb: {  	v6 =	vmul.f32 v6, v7;
	v7 =	vmul.f32 v8, v7;
	_ =	sdelay $0x1  }
0x1bc: {  	v6 =	vadd.f32 v7, v6;
	_ =	sdelay $0x1  }
0x1bd: {  	v7 =	vmul.f32 $2.000000030e-01, v6  }
0x1be: {  	vm0 =	vge.f32 v6, $0.0e+00  }
0x1bf: {  	v6 =	vsel vm0, v6, v7  }
0x1c0: {  	v6 =	vmul.f32 $1.442695020e+00, v6;
	_ =	sdelay $0x1  }
0x1c1: {  	(erf) = vpow2.f32 v6;
	_ =	sdelay $0x2  }
0x1c2: {  	v6 =	vld [tilespmem:$0x10];
	_ =	sdelay $0x5  }
0x1c3: {  	v7 =	vpop (erf)  }
0x1c4: {  	[tilespmem:$0x28F0] =	vst v7;
	v7 =	vld [tilespmem:$0x150]  }
0x1c5: {  	v6 =	vld.idx.msk [tilespmem:v6+s26+$0x0], $0xffff  }
0x1c6: {  	v8 =	vld.idx.msk [tilespmem:v2+s28+$0x0], $0xffff;
	_ =	sdelay $0x4  }
0x1c7: {  	v6 =	vmul.f32 v6, v7;
	v7 =	vmul.f32 v8, v7;
	_ =	sdelay $0x1  }
0x1c8: {  	v6 =	vadd.f32 v7, v6;
	_ =	sdelay $0x1  }
0x1c9: {  	v7 =	vmul.f32 $2.000000030e-01, v6  }
0x1ca: {  	vm12 =	vge.f32 v6, $0.0e+00  }
0x1cb: {  	v6 =	vsel vm12, v6, v7  }
0x1cc: {  	v6 =	vmul.f32 $1.442695020e+00, v6;
	_ =	sdelay $0x1  }
0x1cd: {  	(erf) = vpow2.f32 v6;
	_ =	sdelay $0x2  }
0x1ce: {  	v6 =	vld [tilespmem:$0x20];
	_ =	sdelay $0x5  }
0x1cf: {  	v7 =	vpop (erf)  }
0x1d0: {  	[tilespmem:$0x2900] =	vst v7;
	v7 =	vld [tilespmem:$0x160]  }
0x1d1: {  	v6 =	vld.idx.msk [tilespmem:v6+s26+$0x0], $0xffff  }
0x1d2: {  	v8 =	vld.idx.msk [tilespmem:v3+s28+$0x0], $0xffff;
	_ =	sdelay $0x4  }
0x1d3: {  	v6 =	vmul.f32 v6, v7;
	v7 =	vmul.f32 v8, v7;
	_ =	sdelay $0x1  }
0x1d4: {  	v6 =	vadd.f32 v7, v6;
	_ =	sdelay $0x1  }
0x1d5: {  	v7 =	vmul.f32 $2.000000030e-01, v6  }
0x1d6: {  	vm13 =	vge.f32 v6, $0.0e+00  }
0x1d7: {  	v6 =	vsel vm13, v6, v7  }
0x1d8: {  	v6 =	vmul.f32 $1.442695020e+00, v6;
	_ =	sdelay $0x1  }
0x1d9: {  	(erf) = vpow2.f32 v6;
	_ =	sdelay $0x2  }
0x1da: {  	v6 =	vld [tilespmem:$0x30];
	_ =	sdelay $0x5  }
0x1db: {  	v7 =	vpop (erf)  }
0x1dc: {  	[tilespmem:$0x2910] =	vst v7;
	v7 =	vld [tilespmem:$0x170]  }
0x1dd: {  	v6 =	vld.idx.msk [tilespmem:v6+s26+$0x0], $0xffff  }
0x1de: {  	v8 =	vld.idx.msk [tilespmem:v4+s28+$0x0], $0xffff;
	_ =	sdelay $0x4  }
0x1df: {  	v6 =	vmul.f32 v6, v7;
	v7 =	vmul.f32 v8, v7;
	_ =	sdelay $0x1  }
0x1e0: {  	v6 =	vadd.f32 v7, v6;
	_ =	sdelay $0x1  }
0x1e1: {  	v7 =	vmul.f32 $2.000000030e-01, v6  }
0x1e2: {  	vm14 =	vge.f32 v6, $0.0e+00  }
0x1e3: {  	v6 =	vsel vm14, v6, v7  }
0x1e4: {  	v6 =	vmul.f32 $1.442695020e+00, v6;
	_ =	sdelay $0x1  }
0x1e5: {  	(erf) = vpow2.f32 v6;
	_ =	sdelay $0x2  }
0x1e6: {  	v6 =	vld [tilespmem:$0x40];
	_ =	sdelay $0x5  }
0x1e7: {  	v7 =	vpop (erf)  }
0x1e8: {  	[tilespmem:$0x2920] =	vst v7;
	v7 =	vld [tilespmem:$0x180]  }
0x1e9: {  	v6 =	vld.idx.msk [tilespmem:v6+s26+$0x0], $0xffff  }
0x1ea: {  	v8 =	vld.idx.msk [tilespmem:v5+s28+$0x0], $0xffff;
	_ =	sdelay $0x4  }
0x1eb: {  	v6 =	vmul.f32 v6, v7;
	v7 =	vmul.f32 v8, v7;
	_ =	sdelay $0x1  }
0x1ec: {  	v6 =	vadd.f32 v7, v6;
	_ =	sdelay $0x1  }
0x1ed: {  	v7 =	vmul.f32 $2.000000030e-01, v6  }
0x1ee: {  	vm15 =	vge.f32 v6, $0.0e+00  }
0x1ef: {  	v6 =	vsel vm15, v6, v7  }
0x1f0: {  	v6 =	vmul.f32 $1.442695020e+00, v6;
	_ =	sdelay $0x1  }
0x1f1: {  	(erf) = vpow2.f32 v6;
	_ =	sdelay $0x2  }
0x1f2: {  	s8 =	simm.s32 $0x0  }
0x1f3: {  	v6 =	vmov s8  }
0x1f4: {  	v6 =	vand.u32 $0xFFFFFFFE, v6  }
0x1f5: {  	v6 =	vbroadcast v6, $0x0;
	_ =	sdelay $0x2  }
0x1f6: {  	v7 =	vpop (erf)  }
0x1f7: {  	s21 =	simm.s32 $0x29D0;
	[tilespmem:$0x2930] =	vst v7  }
0x1f8: {  	v9 =	vld [tilespmem:s21+$0xFFFFFFA0]  }
0x1f9: {  	v10 =	vld.idx.msk [tilespmem:v6+s14+$0x0], $0xffff  }
0x1fa: {  	v8 =	vld [tilespmem:s21+$0xFFFFFF90]  }
0x1fb: {  	v11 =	vld [tilespmem:s21+$0xFFFFFF70]  }
0x1fc: {  	v6 =	vld [tilespmem:s21+$0xFFFFFF80]  }
0x1fd: {  	v7 =	vld [tilespmem:s21+$0xFFFFFFE0]  }
0x1fe: {  	v13 =	vld [tilespmem:s21+$0xFFFFFFF0];
	v9 =	vmul.f32 v9, v10  }
0x1ff: {  	v14 =	vld [tilespmem:s21+$0xFFFFFFC0];
	v8 =	vmul.f32 v8, v10  }
0x200: {  	v12 =	vld [tilespmem:s21+$0xFFFFFFB0];
	v11 =	vmul.f32 v11, v10;
	[tilespmem:s21+$0xFFFFFFA0] =	vst v9  }
0x201: {  	v15 =	vld [tilespmem:s21+$0xFFFFFFD0];
	v6 =	vmul.f32 v6, v10;
	[tilespmem:s21+$0xFFFFFF90] =	vst v8  }
0x202: {  	v7 =	vmul.f32 v7, v10;
	[tilespmem:s21+$0xFFFFFF70] =	vst v11  }
0x203: {  	v8 =	vmul.f32 v13, v10;
	[tilespmem:s21+$0xFFFFFF80] =	vst v6  }
0x204: {  	v11 =	vmul.f32 v14, v10;
	[tilespmem:s21+$0xFFFFFFE0] =	vst v7  }
0x205: {  	v6 =	vld [tilespmem:s21+$0x70];
	v9 =	vmov s22;
	[tilespmem:s21+$0xFFFFFFF0] =	vst v8  }
0x206: {  	s17 =	simm.s32 $0x3;
	v7 =	vld [tilespmem:s21+$0x50];
	s22 =	simm.s32 $0x29D0;
	v8 =	vmul.f32 v12, v10;
	v10 =	vmul.f32 v15, v10;
	[tilespmem:s21+$0xFFFFFFC0] =	vst v11  }
.LBB2_11:
0x207: {  	p0 =	sne.s32 s17, $0x4F  }
0x208: {  	[tilespmem:s21+$0xFFFFFFD0] =	vst v10;
	v10 =	vld [tilespmem:s21+$0x0];
	s22 =	sadd.s32 $0x120, s22;
	s19 =	smov.u32 s17;
	s17 =	sadd.s32 $0x2, s17  }
0x209: {  	[tilespmem:s21+$0xFFFFFFB0] =	vst v8;
	v8 =	vld [tilespmem:s21+$0x30]  }
0x20a: {  	v9 =	vld.idx.msk [tilespmem:v9+s14+$0x0], $0xffff  }
0x20b: {  	v11 =	vld [tilespmem:s21+$0x10]  }
0x20c: {  	v12 =	vld [tilespmem:s21+$0x20]  }
0x20d: {  	v13 =	vld [tilespmem:s21+$0x40]  }
0x20e: {  	v14 =	vld [tilespmem:s21+$0x60]  }
0x20f: {  	v15 =	vld [tilespmem:s21+$0x80]  }
0x210: {  	s8 =	sadd.s32 $0xFFFFFFFF, s19;
	v10 =	vmul.f32 v10, v9;
	v11 =	vmul.f32 v11, v9  }
0x211: {  	v16 =	vmov s8;
	v8 =	vmul.f32 v8, v9;
	v12 =	vmul.f32 v12, v9  }
0x212: {  	v16 =	vand.u32 $0xFFFFFFFE, v16;
	v7 =	vmul.f32 v7, v9;
	[tilespmem:s21+$0x0] =	vst v10;
	v10 =	vmul.f32 v13, v9  }
0x213: {  	v13 =	vbroadcast v16, $0x0;
	[tilespmem:s21+$0x20] =	vst v12;
	v12 =	vmul.f32 v14, v9  }
0x214: {  	v6 =	vmul.f32 v6, v9;
	[tilespmem:s21+$0x30] =	vst v8;
	v8 =	vmul.f32 v15, v9  }
0x215: {  	[tilespmem:s21+$0x40] =	vst v10  }
0x216: {  	[tilespmem:s21+$0x60] =	vst v12  }
0x217: {  	[tilespmem:s21+$0x70] =	vst v6  }
0x218: {  	v6 =	vld [tilespmem:s22+$0xFFFFFFE0];
	[tilespmem:s21+$0x50] =	vst v7  }
0x219: {  	v7 =	vld [tilespmem:s22+$0xFFFFFF90];
	[tilespmem:s21+$0x10] =	vst v11  }
0x21a: {  	v9 =	vld [tilespmem:s22+$0xFFFFFFA0];
	[tilespmem:s21+$0x80] =	vst v8;
	s21 =	smov.u32 s22  }
0x21b: {  	v10 =	vld.idx.msk [tilespmem:v13+s14+$0x0], $0xffff  }
0x21c: {  	v8 =	vld [tilespmem:s22+$0xFFFFFF80]  }
0x21d: {  	v11 =	vld [tilespmem:s22+$0xFFFFFFB0]  }
0x21e: {  	v12 =	vld [tilespmem:s22+$0xFFFFFF70]  }
0x21f: {  	v13 =	vld [tilespmem:s22+$0xFFFFFFF0]  }
0x220: {  	v14 =	vld [tilespmem:s22+$0xFFFFFFC0]  }
0x221: {  	v9 =	vmul.f32 v9, v10;
	v15 =	vmul.f32 v8, v10;
	v16 =	vld [tilespmem:s22+$0xFFFFFFD0]  }
0x222: {  	v7 =	vmul.f32 v7, v10;
	v8 =	vmul.f32 v11, v10  }
0x223: {  	v6 =	vmul.f32 v6, v10;
	v11 =	vmul.f32 v12, v10;
	[tilespmem:s22+$0xFFFFFFA0] =	vst v9  }
0x224: {  	[tilespmem:s22+$0xFFFFFF90] =	vst v7;
	v7 =	vmul.f32 v13, v10  }
.Ltmp5:
0x225: {  	[tilespmem:s22+$0xFFFFFF70] =	vst v11;
	v11 =	vmul.f32 v14, v10;
	(pc) =	sbr.rel @p0 .LBB2_11-.Ltmp5, $4  }
0x226: {  	[tilespmem:s22+$0xFFFFFF80] =	vst v15;
	v10 =	vmul.f32 v16, v10  }
0x227: {  	v9 =	vmov s19;
	[tilespmem:s22+$0xFFFFFFF0] =	vst v7  }
0x228: {  	[tilespmem:s22+$0xFFFFFFE0] =	vst v6;
	v6 =	vld [tilespmem:s22+$0x70]  }
0x229: {  	[tilespmem:s22+$0xFFFFFFC0] =	vst v11;
	v7 =	vld [tilespmem:s22+$0x50]  }
0x22a: {  	_ =	sdelay $0x1  }
0x22b: {  	[tilespmem:s21+$0xFFFFFFD0] =	vst v10  }
0x22c: {  	v59 =	vld [tilespmem:s21+$0x0];
	[tilespmem:s21+$0xFFFFFFB0] =	vst v8  }
0x22d: {  	v8 =	vld.idx.msk [tilespmem:v9+s14+$0x0], $0xffff  }
0x22e: {  	v60 =	vld [tilespmem:s21+$0x20]  }
0x22f: {  	v11 =	vld [tilespmem:s21+$0x30]  }
0x230: {  	v12 =	vld [tilespmem:s21+$0x40]  }
0x231: {  	v13 =	vld [tilespmem:s21+$0x60]  }
0x232: {  	v10 =	vmul.f32 v59, v8  }
0x233: {  	v9 =	vmul.f32 v60, v8  }
0x234: {  	v14 =	vld [tilespmem:s21+$0x10];
	v11 =	vmul.f32 v11, v8;
	[tilespmem:s21+$0x0] =	vst v10  }
0x235: {  	v61 =	vld [tilespmem:s21+$0x80];
	v12 =	vmul.f32 v12, v8;
	[tilespmem:s21+$0x20] =	vst v9  }
0x236: {  	v62 =	vmul.f32 v13, v8;
	[tilespmem:s21+$0x30] =	vst v11  }
0x237: {  	v6 =	vmul.f32 v6, v8;
	[tilespmem:s21+$0x40] =	vst v12  }
0x238: {  	v7 =	vmul.f32 v7, v8;
	[tilespmem:s21+$0x60] =	vst v62  }
0x239: {  	v63 =	vmul.f32 v14, v8;
	[tilespmem:s21+$0x70] =	vst v6  }
0x23a: {  	v6 =	vmul.f32 v61, v8;
	[tilespmem:s21+$0x50] =	vst v7  }
0x23b: {  	[tilespmem:s21+$0x10] =	vst v63  }
0x23c: {  	[tilespmem:s21+$0x80] =	vst v6  }
0x23d: {  	[spmem:s4] =	stream.indirect.scatter.add.f32 [tilespmem:s28], [sflag:$0x3], $0x90, s5, s0, $0xb8;
	[tilespmem:$0x1EB40] =	vst v63  }
0x23e: {  	_ =	swait.ge [sflag:s29], $0x2D00  }
0x23f: {  	[sflag:s29] =	ssyncset.done $0x0  }
0x240: {  	[sflag:s29] =	ssyncadd.s32 $0xFFFFD300  }
0x241: {  	s8 =	stileid.u32;
	[bflag:$0x0] =	sbarrier.arrive $0xFFFF  }
0x242: {  	s25 =	simm.s32 $0x9;
	s8 =	sshll.u32 s8, $0x6;
	s21 =	rddreg [dreg:$0x6]  }
0x243: {  	s8 =	sor.u32 $0x1C09, s8;
	s19 =	rddreg [dreg:$0x14];
	s17 =	sshrl.u32 s21, $0x3  }
0x244: {  	[hbm:s19], [sflag:s8] =	dma.local [spmem:s17], $0x2D00  }
0x245: {  	_ =	swait.ge [sflag:s25], $0x2D00  }
0x246: {  	s20 =	sadd.s32 $0x1, s20;
	s30 =	rddreg [dreg:$0x15]  }
0x247: {  	p0 =	sne.s32 s20, s30  }
.Ltmp6:
0x248: {  	_ = 	snop;
	(pc) =	sbr.rel @p0 .LBB2_1-.Ltmp6, $3  }
0x249: {  	_ =	sdelay $0x1  }
0x24a: {  	[sflag:s25] =	ssyncset.done $0x0  }
0x24b: {  	[sflag:s25] =	ssyncadd.s32 $0xFFFFD300  }
0x24c: {  	_ =	sfence.sel $0x180000  }
0x24d: {  	[bflag:$0x0] =	sbarrier.arrive $0xFFFF  }
0x24e: {  	_ =	strace $0x90000047  }
0x24f: {  	s0 =	stileid.u32;
	[bflag:$0x2] =	sbarrier.arrive $0xFFFF  }
0x250: {  	p0 =	sne.s32 s0, $0x0;
	s0 =	rddreg [dreg:$0x4]  }
0x251: {  	s0 =	sadd.s32 @!p0 $0x100000, s0  }
0x252: {  	[sflag:s0] =	ssyncadd.tile.s32 @!p0 $0x1;
	_ =	shalt  }
.Lfunc_end2:
_tile_overlayer_lowered:
.L_overlay_start_2:
0x253: {  	(tag) =	ssettag $0x2  }
0x254: {  	s0 =	rddreg [dreg:$0x0];
	s2 =	stileid.u32  }
0x255: {  	s1 =	rddreg [dreg:$0x1];
	p0 =	sne.s32 s2, $0x0  }
0x256: {  	s3 =	rddreg [dreg:$0x2];
	[bflag:$0x3] =	sbarrier.arrive $0xFFFF;
	s2 =	simm.s32 @!p0 $0x1C09  }
0x257: {  	[timem:s3], [sflag:s2] =	dma.local @!p0 [hbm:s0], s1  }
0x258: {  	s0 =	simm.s32 @!p0 $0x9  }
0x259: {  	_ =	swait.ge @!p0 [sflag:s0], s1  }
0x25a: {  	s1 =	ssub.s32 @!p0 $0x0, s1;
	[sflag:s0] =	ssyncset.done @!p0 $0x0  }
0x25b: {  	[sflag:s0] =	ssyncadd.s32 @!p0 s1  }
0x25c: {  	[bflag:$0x3] =	sbarrier.arrive $0xFFFF  }
0x25d: {  	_ =	shalt  }

</sc_bundles>
